<compile_context>
chip_gen: v7x
topology: tpu7x:2x2x1
jax: 0.10.2.dev20260603
libtpu: 0.0.44.dev20260713+nightly
codegen_flags: <defaults>
</compile_context>

<pallas_src>
import math
import functools

import jax
import jax.numpy as jnp
from jax import lax
from jax.experimental import pallas as pl
from jax.experimental.pallas import tpu as pltpu
from jax.experimental.pallas import tpu_sc as plsc

VOCAB = 100000
DIM = 64
BATCH = 4096
SEQ = 200
LANES = 16
BTILE = 128
DTILE = 8

_info = plsc.get_sparse_core_info()
NC, NS = _info.num_cores, _info.num_subcores
NW = NC * NS


def _pos_encoding():
    import numpy as np

    position = np.arange(SEQ, dtype=np.float64)[:, None]
    div_term = np.exp(
        np.arange(0, DIM, 2, dtype=np.float32).astype(np.float64)
        * (-math.log(10000.0) / DIM)
    )
    pe = np.zeros((SEQ, DIM), dtype=np.float32)
    pe[:, 0::2] = np.sin(position * div_term).astype(np.float32)
    pe[:, 1::2] = np.cos(position * div_term).astype(np.float32)
    return jnp.asarray(pe)


def _transpose_block(rows, tr, pe_flat, s):
    iota = lax.broadcasted_iota(jnp.int32, (LANES,), 0)

    @plsc.parallel_loop(0, DIM, unroll=2)
    def jstep(q):
        c = q >> 4
        j = q & (LANES - 1)
        pe_row = pe_flat[pl.ds(s * DIM + c * LANES, LANES)]
        rot = (j + iota) & (LANES - 1)
        cidx = c * LANES + rot
        pe_rot = pe_row.at[rot].get(mode="promise_in_bounds")
        off_base = cidx * BTILE + iota
        for bt in range(BTILE // LANES):
            ridx = iota + (bt * LANES)
            v = plsc.load_gather(rows, [ridx, cidx])
            plsc.store_scatter(tr, [off_base + bt * LANES], v + pe_rot)


def _body(idx_hbm, table_hbm, pe_hbm, out_hbm, idx_v, pe_flat, rows0, rows1, tr0, tr1, sem_g, sem_o):
    c = lax.axis_index("c")
    s_ax = lax.axis_index("s")
    w = s_ax * NC + c
    pltpu.sync_copy(idx_hbm.at[w], idx_v)
    pltpu.sync_copy(pe_hbm, pe_flat)

    def gather_desc(s, rows, phase):
        return pltpu.make_async_copy(
            table_hbm.at[idx_v.at[s]], rows, sem_g.at[phase]
        )

    def out_descs(s, tr, phase):
        return [
            pltpu.make_async_copy(
                tr.at[pl.ds(g * DTILE * BTILE, DTILE * BTILE)],
                out_hbm.at[s, g, w],
                sem_o.at[phase],
            )
            for g in range(DIM // DTILE)
        ]

    gather_desc(0, rows0, 0).start()

    def step(s2, carry):
        for phase, rows, nrows, tr in (
            (0, rows0, rows1, tr0),
            (1, rows1, rows0, tr1),
        ):
            s = 2 * s2 + phase
            gather_desc(s, rows, phase).wait()

            @pl.when(s + 1 < SEQ)
            def _():
                gather_desc(s + 1, nrows, 1 - phase).start()

            @pl.when(s >= 2)
            def _():
                for d in out_descs(s - 2, tr, phase):
                    d.wait()

            _transpose_block(rows, tr, pe_flat, s)
            for d in out_descs(s, tr, phase):
                d.start()
        return carry

    lax.fori_loop(0, SEQ // 2, step, 0)

    for phase, tr in ((0, tr0), (1, tr1)):
        for d in out_descs(SEQ - 2 + phase, tr, phase):
            d.wait()


@jax.jit
def _run(idx, table, pe):
    mesh = plsc.VectorSubcoreMesh(core_axis_name="c", subcore_axis_name="s")
    k = pl.kernel(
        _body,
        out_type=jax.ShapeDtypeStruct(
            (SEQ, DIM // DTILE, NW, DTILE * BTILE), jnp.float32
        ),
        mesh=mesh,
        compiler_params=pltpu.CompilerParams(use_tc_tiling_on_sc=False, needs_layout_passes=False),
        scratch_types=[
            pltpu.VMEM((SEQ, BTILE), jnp.int32),
            pltpu.VMEM((SEQ * DIM,), jnp.float32),
            pltpu.VMEM((BTILE, DIM), jnp.float32),
            pltpu.VMEM((BTILE, DIM), jnp.float32),
            pltpu.VMEM((DIM * BTILE,), jnp.float32),
            pltpu.VMEM((DIM * BTILE,), jnp.float32),
            pltpu.SemaphoreType.DMA((2,)),
            pltpu.SemaphoreType.DMA((2,)),
        ],
    )
    return k(idx, table, pe)


def kernel(char_indices, embedding_weight):
    idx = (
        char_indices.astype(jnp.int32)
        .T.reshape(SEQ, NW, BTILE)
        .transpose(1, 0, 2)
    )
    pe = _pos_encoding().reshape(SEQ * DIM)
    x5 = _run(idx, embedding_weight, pe).reshape(SEQ, DIM // DTILE, NW, DTILE, BTILE)
    return jnp.transpose(x5, (2, 4, 0, 1, 3)).reshape(BATCH, SEQ, DIM)

# --- scband reference (transcript-rebuilt; emitter-appended) ---
"""Pipeline reference for scband-text-encoder-27101243637773 (READ-ONLY COPY).

The authoritative reference and input builder live on the scoring server;
editing this copy changes nothing except your own understanding.
"""

import jax, jax.numpy as jnp
import numpy as np
import math

VOCAB_SIZE = 100000
EMBED_DIM = 64
BATCH = 4096
SEQ_LEN = 200


def get_sinusoidal_position_encoding(seq_len, dim, batch_size=1):
    position = jnp.arange(seq_len, dtype=jnp.float32)[:, None]
    div_term = jnp.exp(jnp.arange(0, dim, 2, dtype=jnp.float32) * (-math.log(10000.0) / dim))
    pe = jnp.zeros((seq_len, dim), dtype=jnp.float32)
    pe = pe.at[:, 0::2].set(jnp.sin(position * div_term))
    if dim % 2 == 1:
        pe = pe.at[:, 1::2].set(jnp.cos(position * div_term[:-1]))
    else:
        pe = pe.at[:, 1::2].set(jnp.cos(position * div_term))
    return jnp.broadcast_to(pe[None, :, :], (batch_size, seq_len, dim))


def setup_inputs(seed: int = 0) -> dict:
    key = jax.random.key(seed)
    k1, k2 = jax.random.split(key)
    char_indices = jax.random.randint(k1, (BATCH, SEQ_LEN), 0, VOCAB_SIZE)
    embedding_weight = jax.random.normal(k2, (VOCAB_SIZE, EMBED_DIM), dtype=jnp.float32)
    return {"char_indices": char_indices, "embedding_weight": embedding_weight}


def reference(char_indices, embedding_weight):
    batch_size, seq_len = char_indices.shape
    char_emb = jnp.take(embedding_weight, char_indices, axis=0)
    pos_enc = get_sinusoidal_position_encoding(seq_len, EMBED_DIM, batch_size)
    text_seq = char_emb + pos_enc
    return text_seq

if __name__ == "__main__":
    import jax
    _d = setup_inputs()
    print(jax.jit(kernel)(*tuple(_d.values())))

</pallas_src>

<mosaic_0001>
#map = affine_map<(d0, d1) -> (0, 0, 0)>
#map1 = affine_map<(d0, d1) -> (0, 0)>
#map2 = affine_map<(d0, d1) -> (0)>
#map3 = affine_map<(d0, d1) -> (0, 0, 0, 0)>
module attributes {stable_mosaic.version = 14 : i64} {
  func.func @_body(%arg0: i32, %arg1: i32, %arg2: memref<32x200x128xi32, #tpu.memory_space<hbm>>, %arg3: memref<100000x64xf32, #tpu.memory_space<hbm>>, %arg4: memref<12800xf32, #tpu.memory_space<hbm>>, %arg5: memref<200x8x32x1024xf32, #tpu.memory_space<hbm>>, %arg6: memref<200x128xi32, #tpu.memory_space<vmem>>, %arg7: memref<12800xf32, #tpu.memory_space<vmem>>, %arg8: memref<128x64xf32, #tpu.memory_space<vmem>>, %arg9: memref<128x64xf32, #tpu.memory_space<vmem>>, %arg10: memref<8192xf32, #tpu.memory_space<vmem>>, %arg11: memref<8192xf32, #tpu.memory_space<vmem>>, %arg12: memref<2x!tpu.dma_semaphore, #tpu.memory_space<semaphore_mem>>, %arg13: memref<2x!tpu.dma_semaphore, #tpu.memory_space<semaphore_mem>>) attributes {dimension_semantics = [#tpu.dimension_semantics<core_parallel>, #tpu.dimension_semantics<subcore_parallel>], iteration_bounds = array<i64: 2, 16>, scalar_prefetch = 0 : i64, scratch_operands = 8 : i64, tpu.core_type = #tpu.core_type<sc_vector_subcore>, window_params = [{transform_indices = #map}, {transform_indices = #map1}, {transform_indices = #map2}, {transform_indices = #map3}]} {
    %mul3A = arith.constant 2 : i32
    %mul3A_0 = arith.muli %arg1, %mul3A : i32
    %add3A = arith.addi %mul3A_0, %arg0 : i32
    "tpu.region"() ({
      %run_scoped3A = tpu.sem_alloc : memref<!tpu.dma_semaphore, #tpu.memory_space<semaphore_mem>>
      %dma_start3A_254 = arith.constant 0 : i32
      %dma_start3A_255 = arith.constant 0 : i32
      %dma_start3A_256 = tpu.memref_slice %arg2[%add3A, %dma_start3A_254, %dma_start3A_255] : memref<32x200x128xi32, #tpu.memory_space<hbm>> -> memref<1x200x128xi32, #tpu.memory_space<hbm>>
      %dma_start3A_257 = tpu.memref_squeeze %dma_start3A_256 : memref<1x200x128xi32, #tpu.memory_space<hbm>> -> memref<200x128xi32, #tpu.memory_space<hbm>>
      %dma_start3A_258 = arith.constant 0 : i32
      %dma_start3A_259 = arith.constant 0 : i32
      %dma_start3A_260 = tpu.memref_slice %arg2[%add3A, %dma_start3A_258, %dma_start3A_259] : memref<32x200x128xi32, #tpu.memory_space<hbm>> -> memref<1x200x128xi32, #tpu.memory_space<hbm>>
      %dma_start3A_261 = tpu.memref_squeeze %dma_start3A_260 : memref<1x200x128xi32, #tpu.memory_space<hbm>> -> memref<200x128xi32, #tpu.memory_space<hbm>>
      tpu.enqueue_dma source(%dma_start3A_261 : memref<200x128xi32, #tpu.memory_space<hbm>>) target(%arg6 : memref<200x128xi32, #tpu.memory_space<vmem>>) target_semaphore(%run_scoped3A : memref<!tpu.dma_semaphore, #tpu.memory_space<semaphore_mem>>)
      %dma_wait3A_262 = arith.constant 0 : i32
      %dma_wait3A_263 = arith.constant 0 : i32
      %dma_wait3A_264 = tpu.memref_slice %arg2[%add3A, %dma_wait3A_262, %dma_wait3A_263] : memref<32x200x128xi32, #tpu.memory_space<hbm>> -> memref<1x200x128xi32, #tpu.memory_space<hbm>>
      %dma_wait3A_265 = tpu.memref_squeeze %dma_wait3A_264 : memref<1x200x128xi32, #tpu.memory_space<hbm>> -> memref<200x128xi32, #tpu.memory_space<hbm>>
      %dma_wait3A_266 = arith.constant 0 : i32
      %dma_wait3A_267 = arith.constant 0 : i32
      %dma_wait3A_268 = tpu.memref_slice %arg2[%add3A, %dma_wait3A_266, %dma_wait3A_267] : memref<32x200x128xi32, #tpu.memory_space<hbm>> -> memref<1x200x128xi32, #tpu.memory_space<hbm>>
      %dma_wait3A_269 = tpu.memref_squeeze %dma_wait3A_268 : memref<1x200x128xi32, #tpu.memory_space<hbm>> -> memref<200x128xi32, #tpu.memory_space<hbm>>
      tpu.wait_dma2 semaphore(%run_scoped3A : memref<!tpu.dma_semaphore, #tpu.memory_space<semaphore_mem>>) src(%dma_wait3A_269 : memref<200x128xi32, #tpu.memory_space<hbm>>) dst(%arg6 : memref<200x128xi32, #tpu.memory_space<vmem>>)
      tpu.yield
    }) : () -> ()
    "tpu.region"() ({
      %run_scoped3A = tpu.sem_alloc : memref<!tpu.dma_semaphore, #tpu.memory_space<semaphore_mem>>
      tpu.enqueue_dma source(%arg4 : memref<12800xf32, #tpu.memory_space<hbm>>) target(%arg7 : memref<12800xf32, #tpu.memory_space<vmem>>) target_semaphore(%run_scoped3A : memref<!tpu.dma_semaphore, #tpu.memory_space<semaphore_mem>>)
      tpu.wait_dma2 semaphore(%run_scoped3A : memref<!tpu.dma_semaphore, #tpu.memory_space<semaphore_mem>>) src(%arg4 : memref<12800xf32, #tpu.memory_space<hbm>>) dst(%arg7 : memref<12800xf32, #tpu.memory_space<vmem>>)
      tpu.yield
    }) : () -> ()
    %dma_start3A = arith.constant 0 : i32
    %dma_start3A_1 = arith.constant 0 : i32
    %dma_start3A_2 = arith.constant 0 : i32
    %dma_start3A_3 = tpu.memref_slice %arg6[%dma_start3A, %dma_start3A_2] : memref<200x128xi32, #tpu.memory_space<vmem>> -> memref<1x128xi32, #tpu.memory_space<vmem>>
    %dma_start3A_4 = tpu.memref_squeeze %dma_start3A_3 : memref<1x128xi32, #tpu.memory_space<vmem>> -> memref<128xi32, #tpu.memory_space<vmem>>
    %dma_start3A_5 = arith.constant 0 : i32
    %dma_start3A_6 = arith.constant 0 : i32
    %dma_start3A_7 = tpu.memref_slice %arg3[%dma_start3A_5, %dma_start3A_6] : memref<100000x64xf32, #tpu.memory_space<hbm>> -> memref<100000x64xf32, #tpu.memory_space<hbm>>
    %dma_start3A_8 = tpu.memref_slice %arg12[%dma_start3A_1] : memref<2x!tpu.dma_semaphore, #tpu.memory_space<semaphore_mem>> -> memref<1x!tpu.dma_semaphore, #tpu.memory_space<semaphore_mem>>
    %dma_start3A_9 = tpu.memref_squeeze %dma_start3A_8 : memref<1x!tpu.dma_semaphore, #tpu.memory_space<semaphore_mem>> -> memref<!tpu.dma_semaphore, #tpu.memory_space<semaphore_mem>>
    tpu.enqueue_indirect_dma source(%dma_start3A_7 : memref<100000x64xf32, #tpu.memory_space<hbm>>) target(%arg8 : memref<128x64xf32, #tpu.memory_space<vmem>>) offsets(%dma_start3A_4 : memref<128xi32, #tpu.memory_space<vmem>>) semaphore(%dma_start3A_9 : memref<!tpu.dma_semaphore, #tpu.memory_space<semaphore_mem>>)
    %scan3A = arith.constant 0 : i32
    %scan3A_10 = arith.constant 0 : i32
    %scan3A_11 = arith.constant 100 : i32
    %scan3A_12 = arith.addi %scan3A_10, %scan3A_11 : i32
    %scan3A_13 = arith.constant 1 : i32
    scf.for %scan3A_254 = %scan3A_10 to %scan3A_12 step %scan3A_13  : i32 {
      %mul3A_255 = arith.constant 2 : i32
      %mul3A_256 = arith.muli %mul3A_255, %scan3A_254 : i32
      %add3A_257 = arith.constant 0 : i32
      %add3A_258 = arith.addi %mul3A_256, %add3A_257 : i32
      %dma_wait3A_259 = arith.constant 0 : i32
      %dma_wait3A_260 = arith.constant 0 : i32
      %dma_wait3A_261 = tpu.memref_slice %arg6[%add3A_258, %dma_wait3A_260] : memref<200x128xi32, #tpu.memory_space<vmem>> -> memref<1x128xi32, #tpu.memory_space<vmem>>
      %dma_wait3A_262 = tpu.memref_squeeze %dma_wait3A_261 : memref<1x128xi32, #tpu.memory_space<vmem>> -> memref<128xi32, #tpu.memory_space<vmem>>
      %dma_wait3A_263 = arith.constant 0 : i32
      %dma_wait3A_264 = arith.constant 0 : i32
      %dma_wait3A_265 = tpu.memref_slice %arg3[%dma_wait3A_263, %dma_wait3A_264] : memref<100000x64xf32, #tpu.memory_space<hbm>> -> memref<100000x64xf32, #tpu.memory_space<hbm>>
      %dma_wait3A_266 = tpu.memref_slice %arg12[%dma_wait3A_259] : memref<2x!tpu.dma_semaphore, #tpu.memory_space<semaphore_mem>> -> memref<1x!tpu.dma_semaphore, #tpu.memory_space<semaphore_mem>>
      %dma_wait3A_267 = tpu.memref_squeeze %dma_wait3A_266 : memref<1x!tpu.dma_semaphore, #tpu.memory_space<semaphore_mem>> -> memref<!tpu.dma_semaphore, #tpu.memory_space<semaphore_mem>>
      tpu.wait_indirect_dma semaphore(%dma_wait3A_267 : memref<!tpu.dma_semaphore, #tpu.memory_space<semaphore_mem>>) src(%dma_wait3A_265 : memref<100000x64xf32, #tpu.memory_space<hbm>>) dst(%arg8 : memref<128x64xf32, #tpu.memory_space<vmem>>)
      %add3A_268 = arith.constant 1 : i32
      %add3A_269 = arith.addi %add3A_258, %add3A_268 : i32
      %lt3A = arith.constant 200 : i32
      %lt3A_270 = arith.cmpi slt, %add3A_269, %lt3A : i32
      %convert_element_type3A = arith.extui %lt3A_270 : i1 to i32
      %cond3A = arith.constant 0 : i32
      %cond3A_271 = arith.cmpi ne, %convert_element_type3A, %cond3A : i32
      scf.if %cond3A_271 {
        %add3A_531 = arith.constant 1 : i32
        %add3A_532 = arith.addi %add3A_258, %add3A_531 : i32
        %dma_start3A_533 = arith.constant 1 : i32
        %dma_start3A_534 = arith.constant 0 : i32
        %dma_start3A_535 = tpu.memref_slice %arg6[%add3A_532, %dma_start3A_534] : memref<200x128xi32, #tpu.memory_space<vmem>> -> memref<1x128xi32, #tpu.memory_space<vmem>>
        %dma_start3A_536 = tpu.memref_squeeze %dma_start3A_535 : memref<1x128xi32, #tpu.memory_space<vmem>> -> memref<128xi32, #tpu.memory_space<vmem>>
        %dma_start3A_537 = arith.constant 0 : i32
        %dma_start3A_538 = arith.constant 0 : i32
        %dma_start3A_539 = tpu.memref_slice %arg3[%dma_start3A_537, %dma_start3A_538] : memref<100000x64xf32, #tpu.memory_space<hbm>> -> memref<100000x64xf32, #tpu.memory_space<hbm>>
        %dma_start3A_540 = tpu.memref_slice %arg12[%dma_start3A_533] : memref<2x!tpu.dma_semaphore, #tpu.memory_space<semaphore_mem>> -> memref<1x!tpu.dma_semaphore, #tpu.memory_space<semaphore_mem>>
        %dma_start3A_541 = tpu.memref_squeeze %dma_start3A_540 : memref<1x!tpu.dma_semaphore, #tpu.memory_space<semaphore_mem>> -> memref<!tpu.dma_semaphore, #tpu.memory_space<semaphore_mem>>
        tpu.enqueue_indirect_dma source(%dma_start3A_539 : memref<100000x64xf32, #tpu.memory_space<hbm>>) target(%arg9 : memref<128x64xf32, #tpu.memory_space<vmem>>) offsets(%dma_start3A_536 : memref<128xi32, #tpu.memory_space<vmem>>) semaphore(%dma_start3A_541 : memref<!tpu.dma_semaphore, #tpu.memory_space<semaphore_mem>>)
      } else {
      }
      %ge3A = arith.constant 2 : i32
      %ge3A_272 = arith.cmpi sge, %add3A_258, %ge3A : i32
      %convert_element_type3A_273 = arith.extui %ge3A_272 : i1 to i32
      %cond3A_274 = arith.constant 0 : i32
      %cond3A_275 = arith.cmpi ne, %convert_element_type3A_273, %cond3A_274 : i32
      scf.if %cond3A_275 {
        %sub3A = arith.constant 2 : i32
        %sub3A_531 = arith.subi %add3A_258, %sub3A : i32
        %dma_wait3A_532 = arith.constant 0 : i32
        %dma_wait3A_533 = arith.constant 0 : i32
        %dma_wait3A_534 = arith.constant 0 : i32
        %dma_wait3A_535 = tpu.memref_slice %arg10[%dma_wait3A_534] : memref<8192xf32, #tpu.memory_space<vmem>> -> memref<1024xf32, #tpu.memory_space<vmem>>
        %dma_wait3A_536 = arith.constant 0 : i32
        %dma_wait3A_537 = tpu.memref_slice %arg5[%sub3A_531, %dma_wait3A_532, %add3A, %dma_wait3A_536] : memref<200x8x32x1024xf32, #tpu.memory_space<hbm>> -> memref<1x1x1x1024xf32, #tpu.memory_space<hbm>>
        %dma_wait3A_538 = tpu.memref_squeeze %dma_wait3A_537 : memref<1x1x1x1024xf32, #tpu.memory_space<hbm>> -> memref<1024xf32, #tpu.memory_space<hbm>>
        %dma_wait3A_539 = tpu.memref_slice %arg13[%dma_wait3A_533] : memref<2x!tpu.dma_semaphore, #tpu.memory_space<semaphore_mem>> -> memref<1x!tpu.dma_semaphore, #tpu.memory_space<semaphore_mem>>
        %dma_wait3A_540 = tpu.memref_squeeze %dma_wait3A_539 : memref<1x!tpu.dma_semaphore, #tpu.memory_space<semaphore_mem>> -> memref<!tpu.dma_semaphore, #tpu.memory_space<semaphore_mem>>
        %dma_wait3A_541 = arith.constant 0 : i32
        %dma_wait3A_542 = tpu.memref_slice %arg5[%sub3A_531, %dma_wait3A_532, %add3A, %dma_wait3A_541] : memref<200x8x32x1024xf32, #tpu.memory_space<hbm>> -> memref<1x1x1x1024xf32, #tpu.memory_space<hbm>>
        %dma_wait3A_543 = tpu.memref_squeeze %dma_wait3A_542 : memref<1x1x1x1024xf32, #tpu.memory_space<hbm>> -> memref<1024xf32, #tpu.memory_space<hbm>>
        %dma_wait3A_544 = arith.constant 0 : i32
        %dma_wait3A_545 = tpu.memref_slice %arg10[%dma_wait3A_544] : memref<8192xf32, #tpu.memory_space<vmem>> -> memref<1024xf32, #tpu.memory_space<vmem>>
        tpu.wait_dma2 semaphore(%dma_wait3A_540 : memref<!tpu.dma_semaphore, #tpu.memory_space<semaphore_mem>>) src(%dma_wait3A_545 : memref<1024xf32, #tpu.memory_space<vmem>>) dst(%dma_wait3A_543 : memref<1024xf32, #tpu.memory_space<hbm>>)
        %dma_wait3A_546 = arith.constant 1 : i32
        %dma_wait3A_547 = arith.constant 0 : i32
        %dma_wait3A_548 = arith.constant 1024 : i32
        %dma_wait3A_549 = tpu.memref_slice %arg10[%dma_wait3A_548] : memref<8192xf32, #tpu.memory_space<vmem>> -> memref<1024xf32, #tpu.memory_space<vmem>>
        %dma_wait3A_550 = arith.constant 0 : i32
        %dma_wait3A_551 = tpu.memref_slice %arg5[%sub3A_531, %dma_wait3A_546, %add3A, %dma_wait3A_550] : memref<200x8x32x1024xf32, #tpu.memory_space<hbm>> -> memref<1x1x1x1024xf32, #tpu.memory_space<hbm>>
        %dma_wait3A_552 = tpu.memref_squeeze %dma_wait3A_551 : memref<1x1x1x1024xf32, #tpu.memory_space<hbm>> -> memref<1024xf32, #tpu.memory_space<hbm>>
        %dma_wait3A_553 = tpu.memref_slice %arg13[%dma_wait3A_547] : memref<2x!tpu.dma_semaphore, #tpu.memory_space<semaphore_mem>> -> memref<1x!tpu.dma_semaphore, #tpu.memory_space<semaphore_mem>>
        %dma_wait3A_554 = tpu.memref_squeeze %dma_wait3A_553 : memref<1x!tpu.dma_semaphore, #tpu.memory_space<semaphore_mem>> -> memref<!tpu.dma_semaphore, #tpu.memory_space<semaphore_mem>>
        %dma_wait3A_555 = arith.constant 0 : i32
        %dma_wait3A_556 = tpu.memref_slice %arg5[%sub3A_531, %dma_wait3A_546, %add3A, %dma_wait3A_555] : memref<200x8x32x1024xf32, #tpu.memory_space<hbm>> -> memref<1x1x1x1024xf32, #tpu.memory_space<hbm>>
        %dma_wait3A_557 = tpu.memref_squeeze %dma_wait3A_556 : memref<1x1x1x1024xf32, #tpu.memory_space<hbm>> -> memref<1024xf32, #tpu.memory_space<hbm>>
        %dma_wait3A_558 = arith.constant 1024 : i32
        %dma_wait3A_559 = tpu.memref_slice %arg10[%dma_wait3A_558] : memref<8192xf32, #tpu.memory_space<vmem>> -> memref<1024xf32, #tpu.memory_space<vmem>>
        tpu.wait_dma2 semaphore(%dma_wait3A_554 : memref<!tpu.dma_semaphore, #tpu.memory_space<semaphore_mem>>) src(%dma_wait3A_559 : memref<1024xf32, #tpu.memory_space<vmem>>) dst(%dma_wait3A_557 : memref<1024xf32, #tpu.memory_space<hbm>>)
        %dma_wait3A_560 = arith.constant 2 : i32
        %dma_wait3A_561 = arith.constant 0 : i32
        %dma_wait3A_562 = arith.constant 2048 : i32
        %dma_wait3A_563 = tpu.memref_slice %arg10[%dma_wait3A_562] : memref<8192xf32, #tpu.memory_space<vmem>> -> memref<1024xf32, #tpu.memory_space<vmem>>
        %dma_wait3A_564 = arith.constant 0 : i32
        %dma_wait3A_565 = tpu.memref_slice %arg5[%sub3A_531, %dma_wait3A_560, %add3A, %dma_wait3A_564] : memref<200x8x32x1024xf32, #tpu.memory_space<hbm>> -> memref<1x1x1x1024xf32, #tpu.memory_space<hbm>>
        %dma_wait3A_566 = tpu.memref_squeeze %dma_wait3A_565 : memref<1x1x1x1024xf32, #tpu.memory_space<hbm>> -> memref<1024xf32, #tpu.memory_space<hbm>>
        %dma_wait3A_567 = tpu.memref_slice %arg13[%dma_wait3A_561] : memref<2x!tpu.dma_semaphore, #tpu.memory_space<semaphore_mem>> -> memref<1x!tpu.dma_semaphore, #tpu.memory_space<semaphore_mem>>
        %dma_wait3A_568 = tpu.memref_squeeze %dma_wait3A_567 : memref<1x!tpu.dma_semaphore, #tpu.memory_space<semaphore_mem>> -> memref<!tpu.dma_semaphore, #tpu.memory_space<semaphore_mem>>
        %dma_wait3A_569 = arith.constant 0 : i32
        %dma_wait3A_570 = tpu.memref_slice %arg5[%sub3A_531, %dma_wait3A_560, %add3A, %dma_wait3A_569] : memref<200x8x32x1024xf32, #tpu.memory_space<hbm>> -> memref<1x1x1x1024xf32, #tpu.memory_space<hbm>>
        %dma_wait3A_571 = tpu.memref_squeeze %dma_wait3A_570 : memref<1x1x1x1024xf32, #tpu.memory_space<hbm>> -> memref<1024xf32, #tpu.memory_space<hbm>>
        %dma_wait3A_572 = arith.constant 2048 : i32
        %dma_wait3A_573 = tpu.memref_slice %arg10[%dma_wait3A_572] : memref<8192xf32, #tpu.memory_space<vmem>> -> memref<1024xf32, #tpu.memory_space<vmem>>
        tpu.wait_dma2 semaphore(%dma_wait3A_568 : memref<!tpu.dma_semaphore, #tpu.memory_space<semaphore_mem>>) src(%dma_wait3A_573 : memref<1024xf32, #tpu.memory_space<vmem>>) dst(%dma_wait3A_571 : memref<1024xf32, #tpu.memory_space<hbm>>)
        %dma_wait3A_574 = arith.constant 3 : i32
        %dma_wait3A_575 = arith.constant 0 : i32
        %dma_wait3A_576 = arith.constant 3072 : i32
        %dma_wait3A_577 = tpu.memref_slice %arg10[%dma_wait3A_576] : memref<8192xf32, #tpu.memory_space<vmem>> -> memref<1024xf32, #tpu.memory_space<vmem>>
        %dma_wait3A_578 = arith.constant 0 : i32
        %dma_wait3A_579 = tpu.memref_slice %arg5[%sub3A_531, %dma_wait3A_574, %add3A, %dma_wait3A_578] : memref<200x8x32x1024xf32, #tpu.memory_space<hbm>> -> memref<1x1x1x1024xf32, #tpu.memory_space<hbm>>
        %dma_wait3A_580 = tpu.memref_squeeze %dma_wait3A_579 : memref<1x1x1x1024xf32, #tpu.memory_space<hbm>> -> memref<1024xf32, #tpu.memory_space<hbm>>
        %dma_wait3A_581 = tpu.memref_slice %arg13[%dma_wait3A_575] : memref<2x!tpu.dma_semaphore, #tpu.memory_space<semaphore_mem>> -> memref<1x!tpu.dma_semaphore, #tpu.memory_space<semaphore_mem>>
        %dma_wait3A_582 = tpu.memref_squeeze %dma_wait3A_581 : memref<1x!tpu.dma_semaphore, #tpu.memory_space<semaphore_mem>> -> memref<!tpu.dma_semaphore, #tpu.memory_space<semaphore_mem>>
        %dma_wait3A_583 = arith.constant 0 : i32
        %dma_wait3A_584 = tpu.memref_slice %arg5[%sub3A_531, %dma_wait3A_574, %add3A, %dma_wait3A_583] : memref<200x8x32x1024xf32, #tpu.memory_space<hbm>> -> memref<1x1x1x1024xf32, #tpu.memory_space<hbm>>
        %dma_wait3A_585 = tpu.memref_squeeze %dma_wait3A_584 : memref<1x1x1x1024xf32, #tpu.memory_space<hbm>> -> memref<1024xf32, #tpu.memory_space<hbm>>
        %dma_wait3A_586 = arith.constant 3072 : i32
        %dma_wait3A_587 = tpu.memref_slice %arg10[%dma_wait3A_586] : memref<8192xf32, #tpu.memory_space<vmem>> -> memref<1024xf32, #tpu.memory_space<vmem>>
        tpu.wait_dma2 semaphore(%dma_wait3A_582 : memref<!tpu.dma_semaphore, #tpu.memory_space<semaphore_mem>>) src(%dma_wait3A_587 : memref<1024xf32, #tpu.memory_space<vmem>>) dst(%dma_wait3A_585 : memref<1024xf32, #tpu.memory_space<hbm>>)
        %dma_wait3A_588 = arith.constant 4 : i32
        %dma_wait3A_589 = arith.constant 0 : i32
        %dma_wait3A_590 = arith.constant 4096 : i32
        %dma_wait3A_591 = tpu.memref_slice %arg10[%dma_wait3A_590] : memref<8192xf32, #tpu.memory_space<vmem>> -> memref<1024xf32, #tpu.memory_space<vmem>>
        %dma_wait3A_592 = arith.constant 0 : i32
        %dma_wait3A_593 = tpu.memref_slice %arg5[%sub3A_531, %dma_wait3A_588, %add3A, %dma_wait3A_592] : memref<200x8x32x1024xf32, #tpu.memory_space<hbm>> -> memref<1x1x1x1024xf32, #tpu.memory_space<hbm>>
        %dma_wait3A_594 = tpu.memref_squeeze %dma_wait3A_593 : memref<1x1x1x1024xf32, #tpu.memory_space<hbm>> -> memref<1024xf32, #tpu.memory_space<hbm>>
        %dma_wait3A_595 = tpu.memref_slice %arg13[%dma_wait3A_589] : memref<2x!tpu.dma_semaphore, #tpu.memory_space<semaphore_mem>> -> memref<1x!tpu.dma_semaphore, #tpu.memory_space<semaphore_mem>>
        %dma_wait3A_596 = tpu.memref_squeeze %dma_wait3A_595 : memref<1x!tpu.dma_semaphore, #tpu.memory_space<semaphore_mem>> -> memref<!tpu.dma_semaphore, #tpu.memory_space<semaphore_mem>>
        %dma_wait3A_597 = arith.constant 0 : i32
        %dma_wait3A_598 = tpu.memref_slice %arg5[%sub3A_531, %dma_wait3A_588, %add3A, %dma_wait3A_597] : memref<200x8x32x1024xf32, #tpu.memory_space<hbm>> -> memref<1x1x1x1024xf32, #tpu.memory_space<hbm>>
        %dma_wait3A_599 = tpu.memref_squeeze %dma_wait3A_598 : memref<1x1x1x1024xf32, #tpu.memory_space<hbm>> -> memref<1024xf32, #tpu.memory_space<hbm>>
        %dma_wait3A_600 = arith.constant 4096 : i32
        %dma_wait3A_601 = tpu.memref_slice %arg10[%dma_wait3A_600] : memref<8192xf32, #tpu.memory_space<vmem>> -> memref<1024xf32, #tpu.memory_space<vmem>>
        tpu.wait_dma2 semaphore(%dma_wait3A_596 : memref<!tpu.dma_semaphore, #tpu.memory_space<semaphore_mem>>) src(%dma_wait3A_601 : memref<1024xf32, #tpu.memory_space<vmem>>) dst(%dma_wait3A_599 : memref<1024xf32, #tpu.memory_space<hbm>>)
        %dma_wait3A_602 = arith.constant 5 : i32
        %dma_wait3A_603 = arith.constant 0 : i32
        %dma_wait3A_604 = arith.constant 5120 : i32
        %dma_wait3A_605 = tpu.memref_slice %arg10[%dma_wait3A_604] : memref<8192xf32, #tpu.memory_space<vmem>> -> memref<1024xf32, #tpu.memory_space<vmem>>
        %dma_wait3A_606 = arith.constant 0 : i32
        %dma_wait3A_607 = tpu.memref_slice %arg5[%sub3A_531, %dma_wait3A_602, %add3A, %dma_wait3A_606] : memref<200x8x32x1024xf32, #tpu.memory_space<hbm>> -> memref<1x1x1x1024xf32, #tpu.memory_space<hbm>>
        %dma_wait3A_608 = tpu.memref_squeeze %dma_wait3A_607 : memref<1x1x1x1024xf32, #tpu.memory_space<hbm>> -> memref<1024xf32, #tpu.memory_space<hbm>>
        %dma_wait3A_609 = tpu.memref_slice %arg13[%dma_wait3A_603] : memref<2x!tpu.dma_semaphore, #tpu.memory_space<semaphore_mem>> -> memref<1x!tpu.dma_semaphore, #tpu.memory_space<semaphore_mem>>
        %dma_wait3A_610 = tpu.memref_squeeze %dma_wait3A_609 : memref<1x!tpu.dma_semaphore, #tpu.memory_space<semaphore_mem>> -> memref<!tpu.dma_semaphore, #tpu.memory_space<semaphore_mem>>
        %dma_wait3A_611 = arith.constant 0 : i32
        %dma_wait3A_612 = tpu.memref_slice %arg5[%sub3A_531, %dma_wait3A_602, %add3A, %dma_wait3A_611] : memref<200x8x32x1024xf32, #tpu.memory_space<hbm>> -> memref<1x1x1x1024xf32, #tpu.memory_space<hbm>>
        %dma_wait3A_613 = tpu.memref_squeeze %dma_wait3A_612 : memref<1x1x1x1024xf32, #tpu.memory_space<hbm>> -> memref<1024xf32, #tpu.memory_space<hbm>>
        %dma_wait3A_614 = arith.constant 5120 : i32
        %dma_wait3A_615 = tpu.memref_slice %arg10[%dma_wait3A_614] : memref<8192xf32, #tpu.memory_space<vmem>> -> memref<1024xf32, #tpu.memory_space<vmem>>
        tpu.wait_dma2 semaphore(%dma_wait3A_610 : memref<!tpu.dma_semaphore, #tpu.memory_space<semaphore_mem>>) src(%dma_wait3A_615 : memref<1024xf32, #tpu.memory_space<vmem>>) dst(%dma_wait3A_613 : memref<1024xf32, #tpu.memory_space<hbm>>)
        %dma_wait3A_616 = arith.constant 6 : i32
        %dma_wait3A_617 = arith.constant 0 : i32
        %dma_wait3A_618 = arith.constant 6144 : i32
        %dma_wait3A_619 = tpu.memref_slice %arg10[%dma_wait3A_618] : memref<8192xf32, #tpu.memory_space<vmem>> -> memref<1024xf32, #tpu.memory_space<vmem>>
        %dma_wait3A_620 = arith.constant 0 : i32
        %dma_wait3A_621 = tpu.memref_slice %arg5[%sub3A_531, %dma_wait3A_616, %add3A, %dma_wait3A_620] : memref<200x8x32x1024xf32, #tpu.memory_space<hbm>> -> memref<1x1x1x1024xf32, #tpu.memory_space<hbm>>
        %dma_wait3A_622 = tpu.memref_squeeze %dma_wait3A_621 : memref<1x1x1x1024xf32, #tpu.memory_space<hbm>> -> memref<1024xf32, #tpu.memory_space<hbm>>
        %dma_wait3A_623 = tpu.memref_slice %arg13[%dma_wait3A_617] : memref<2x!tpu.dma_semaphore, #tpu.memory_space<semaphore_mem>> -> memref<1x!tpu.dma_semaphore, #tpu.memory_space<semaphore_mem>>
        %dma_wait3A_624 = tpu.memref_squeeze %dma_wait3A_623 : memref<1x!tpu.dma_semaphore, #tpu.memory_space<semaphore_mem>> -> memref<!tpu.dma_semaphore, #tpu.memory_space<semaphore_mem>>
        %dma_wait3A_625 = arith.constant 0 : i32
        %dma_wait3A_626 = tpu.memref_slice %arg5[%sub3A_531, %dma_wait3A_616, %add3A, %dma_wait3A_625] : memref<200x8x32x1024xf32, #tpu.memory_space<hbm>> -> memref<1x1x1x1024xf32, #tpu.memory_space<hbm>>
        %dma_wait3A_627 = tpu.memref_squeeze %dma_wait3A_626 : memref<1x1x1x1024xf32, #tpu.memory_space<hbm>> -> memref<1024xf32, #tpu.memory_space<hbm>>
        %dma_wait3A_628 = arith.constant 6144 : i32
        %dma_wait3A_629 = tpu.memref_slice %arg10[%dma_wait3A_628] : memref<8192xf32, #tpu.memory_space<vmem>> -> memref<1024xf32, #tpu.memory_space<vmem>>
        tpu.wait_dma2 semaphore(%dma_wait3A_624 : memref<!tpu.dma_semaphore, #tpu.memory_space<semaphore_mem>>) src(%dma_wait3A_629 : memref<1024xf32, #tpu.memory_space<vmem>>) dst(%dma_wait3A_627 : memref<1024xf32, #tpu.memory_space<hbm>>)
        %dma_wait3A_630 = arith.constant 7 : i32
        %dma_wait3A_631 = arith.constant 0 : i32
        %dma_wait3A_632 = arith.constant 7168 : i32
        %dma_wait3A_633 = tpu.memref_slice %arg10[%dma_wait3A_632] : memref<8192xf32, #tpu.memory_space<vmem>> -> memref<1024xf32, #tpu.memory_space<vmem>>
        %dma_wait3A_634 = arith.constant 0 : i32
        %dma_wait3A_635 = tpu.memref_slice %arg5[%sub3A_531, %dma_wait3A_630, %add3A, %dma_wait3A_634] : memref<200x8x32x1024xf32, #tpu.memory_space<hbm>> -> memref<1x1x1x1024xf32, #tpu.memory_space<hbm>>
        %dma_wait3A_636 = tpu.memref_squeeze %dma_wait3A_635 : memref<1x1x1x1024xf32, #tpu.memory_space<hbm>> -> memref<1024xf32, #tpu.memory_space<hbm>>
        %dma_wait3A_637 = tpu.memref_slice %arg13[%dma_wait3A_631] : memref<2x!tpu.dma_semaphore, #tpu.memory_space<semaphore_mem>> -> memref<1x!tpu.dma_semaphore, #tpu.memory_space<semaphore_mem>>
        %dma_wait3A_638 = tpu.memref_squeeze %dma_wait3A_637 : memref<1x!tpu.dma_semaphore, #tpu.memory_space<semaphore_mem>> -> memref<!tpu.dma_semaphore, #tpu.memory_space<semaphore_mem>>
        %dma_wait3A_639 = arith.constant 0 : i32
        %dma_wait3A_640 = tpu.memref_slice %arg5[%sub3A_531, %dma_wait3A_630, %add3A, %dma_wait3A_639] : memref<200x8x32x1024xf32, #tpu.memory_space<hbm>> -> memref<1x1x1x1024xf32, #tpu.memory_space<hbm>>
        %dma_wait3A_641 = tpu.memref_squeeze %dma_wait3A_640 : memref<1x1x1x1024xf32, #tpu.memory_space<hbm>> -> memref<1024xf32, #tpu.memory_space<hbm>>
        %dma_wait3A_642 = arith.constant 7168 : i32
        %dma_wait3A_643 = tpu.memref_slice %arg10[%dma_wait3A_642] : memref<8192xf32, #tpu.memory_space<vmem>> -> memref<1024xf32, #tpu.memory_space<vmem>>
        tpu.wait_dma2 semaphore(%dma_wait3A_638 : memref<!tpu.dma_semaphore, #tpu.memory_space<semaphore_mem>>) src(%dma_wait3A_643 : memref<1024xf32, #tpu.memory_space<vmem>>) dst(%dma_wait3A_641 : memref<1024xf32, #tpu.memory_space<hbm>>)
      } else {
      }
      %iota3A = tpu.iota {dimensions = array<i32: 0>} : vector<16xi32>
      %parallel_loop3A = arith.constant 0 : i32
      %parallel_loop3A_276 = arith.constant 64 : i32
      %parallel_loop3A_277 = arith.constant 1 : i32
      scf.for %parallel_loop3A_531 = %parallel_loop3A to %parallel_loop3A_276 step %parallel_loop3A_277  : i32 {
        %parallel_loop3A_532 = arith.constant 4 : i32
        %parallel_loop3A_533 = arith.shrsi %parallel_loop3A_531, %parallel_loop3A_532 : i32
        %parallel_loop3A_534 = arith.constant 15 : i32
        %parallel_loop3A_535 = arith.andi %parallel_loop3A_531, %parallel_loop3A_534 : i32
        %parallel_loop3A_536 = arith.constant 64 : i32
        %parallel_loop3A_537 = arith.muli %add3A_258, %parallel_loop3A_536 : i32
        %parallel_loop3A_538 = arith.constant 16 : i32
        %parallel_loop3A_539 = arith.muli %parallel_loop3A_533, %parallel_loop3A_538 : i32
        %parallel_loop3A_540 = arith.addi %parallel_loop3A_537, %parallel_loop3A_539 : i32
        %parallel_loop3A_541 = arith.index_cast %parallel_loop3A_540 : i32 to index
        %parallel_loop3A_542 = tpu.vector_load %arg7[%parallel_loop3A_541] {strides = array<i32>} : memref<12800xf32, #tpu.memory_space<vmem>>, vector<16xf32>,
        %parallel_loop3A_543 = vector.broadcast %parallel_loop3A_535 : i32 to vector<16xi32>
        %parallel_loop3A_544 = arith.addi %parallel_loop3A_543, %iota3A : vector<16xi32>
        %parallel_loop3A_545 = arith.constant 15 : i32
        %parallel_loop3A_546 = vector.broadcast %parallel_loop3A_545 : i32 to vector<16xi32>
        %parallel_loop3A_547 = arith.andi %parallel_loop3A_544, %parallel_loop3A_546 : vector<16xi32>
        %parallel_loop3A_548 = arith.constant 16 : i32
        %parallel_loop3A_549 = arith.muli %parallel_loop3A_533, %parallel_loop3A_548 : i32
        %parallel_loop3A_550 = vector.broadcast %parallel_loop3A_549 : i32 to vector<16xi32>
        %parallel_loop3A_551 = arith.addi %parallel_loop3A_550, %parallel_loop3A_547 : vector<16xi32>
        %parallel_loop3A_552 = arith.constant 0 : i32
        %parallel_loop3A_553 = vector.broadcast %parallel_loop3A_552 : i32 to vector<16xi32>
        %parallel_loop3A_554 = arith.cmpi slt, %parallel_loop3A_547, %parallel_loop3A_553 : vector<16xi32>
        %parallel_loop3A_555 = arith.constant 16 : i32
        %parallel_loop3A_556 = vector.broadcast %parallel_loop3A_555 : i32 to vector<16xi32>
        %parallel_loop3A_557 = arith.addi %parallel_loop3A_547, %parallel_loop3A_556 : vector<16xi32>
        %parallel_loop3A_558 = arith.select %parallel_loop3A_554, %parallel_loop3A_557, %parallel_loop3A_547 : vector<16xi1>, vector<16xi32>
        %parallel_loop3A_559 = vector.shape_cast %parallel_loop3A_558 : vector<16xi32> to vector<16x1xi32>
        %parallel_loop3A_560 = vector.shape_cast %parallel_loop3A_559 : vector<16x1xi32> to vector<16xi32>
        %parallel_loop3A_561 = tpu.dynamic_gather %parallel_loop3A_542[%parallel_loop3A_560] in [0] : vector<16xf32>, vector<16xi32> -> vector<16xf32>
        %parallel_loop3A_562 = arith.constant 128 : i32
        %parallel_loop3A_563 = vector.broadcast %parallel_loop3A_562 : i32 to vector<16xi32>
        %parallel_loop3A_564 = arith.muli %parallel_loop3A_551, %parallel_loop3A_563 : vector<16xi32>
        %parallel_loop3A_565 = arith.addi %parallel_loop3A_564, %iota3A : vector<16xi32>
        %parallel_loop3A_566 = arith.constant 0 : i32
        %parallel_loop3A_567 = vector.broadcast %parallel_loop3A_566 : i32 to vector<16xi32>
        %parallel_loop3A_568 = arith.addi %iota3A, %parallel_loop3A_567 : vector<16xi32>
        %parallel_loop3A_569 = tpu.vector_load_idx %arg8[%parallel_loop3A_568, %parallel_loop3A_551] : memref<128x64xf32, #tpu.memory_space<vmem>>[vector<16xi32>, vector<16xi32>], vector<16xf32>,
        %parallel_loop3A_570 = arith.constant 0 : i32
        %parallel_loop3A_571 = vector.broadcast %parallel_loop3A_570 : i32 to vector<16xi32>
        %parallel_loop3A_572 = arith.addi %parallel_loop3A_565, %parallel_loop3A_571 : vector<16xi32>
        %parallel_loop3A_573 = arith.addf %parallel_loop3A_569, %parallel_loop3A_561 : vector<16xf32>
        tpu.vector_store_idx %arg10[%parallel_loop3A_572], %parallel_loop3A_573 : memref<8192xf32, #tpu.memory_space<vmem>>[vector<16xi32>], vector<16xf32>,
        %parallel_loop3A_574 = arith.constant 16 : i32
        %parallel_loop3A_575 = vector.broadcast %parallel_loop3A_574 : i32 to vector<16xi32>
        %parallel_loop3A_576 = arith.addi %iota3A, %parallel_loop3A_575 : vector<16xi32>
        %parallel_loop3A_577 = tpu.vector_load_idx %arg8[%parallel_loop3A_576, %parallel_loop3A_551] : memref<128x64xf32, #tpu.memory_space<vmem>>[vector<16xi32>, vector<16xi32>], vector<16xf32>,
        %parallel_loop3A_578 = arith.constant 16 : i32
        %parallel_loop3A_579 = vector.broadcast %parallel_loop3A_578 : i32 to vector<16xi32>
        %parallel_loop3A_580 = arith.addi %parallel_loop3A_565, %parallel_loop3A_579 : vector<16xi32>
        %parallel_loop3A_581 = arith.addf %parallel_loop3A_577, %parallel_loop3A_561 : vector<16xf32>
        tpu.vector_store_idx %arg10[%parallel_loop3A_580], %parallel_loop3A_581 : memref<8192xf32, #tpu.memory_space<vmem>>[vector<16xi32>], vector<16xf32>,
        %parallel_loop3A_582 = arith.constant 32 : i32
        %parallel_loop3A_583 = vector.broadcast %parallel_loop3A_582 : i32 to vector<16xi32>
        %parallel_loop3A_584 = arith.addi %iota3A, %parallel_loop3A_583 : vector<16xi32>
        %parallel_loop3A_585 = tpu.vector_load_idx %arg8[%parallel_loop3A_584, %parallel_loop3A_551] : memref<128x64xf32, #tpu.memory_space<vmem>>[vector<16xi32>, vector<16xi32>], vector<16xf32>,
        %parallel_loop3A_586 = arith.constant 32 : i32
        %parallel_loop3A_587 = vector.broadcast %parallel_loop3A_586 : i32 to vector<16xi32>
        %parallel_loop3A_588 = arith.addi %parallel_loop3A_565, %parallel_loop3A_587 : vector<16xi32>
        %parallel_loop3A_589 = arith.addf %parallel_loop3A_585, %parallel_loop3A_561 : vector<16xf32>
        tpu.vector_store_idx %arg10[%parallel_loop3A_588], %parallel_loop3A_589 : memref<8192xf32, #tpu.memory_space<vmem>>[vector<16xi32>], vector<16xf32>,
        %parallel_loop3A_590 = arith.constant 48 : i32
        %parallel_loop3A_591 = vector.broadcast %parallel_loop3A_590 : i32 to vector<16xi32>
        %parallel_loop3A_592 = arith.addi %iota3A, %parallel_loop3A_591 : vector<16xi32>
        %parallel_loop3A_593 = tpu.vector_load_idx %arg8[%parallel_loop3A_592, %parallel_loop3A_551] : memref<128x64xf32, #tpu.memory_space<vmem>>[vector<16xi32>, vector<16xi32>], vector<16xf32>,
        %parallel_loop3A_594 = arith.constant 48 : i32
        %parallel_loop3A_595 = vector.broadcast %parallel_loop3A_594 : i32 to vector<16xi32>
        %parallel_loop3A_596 = arith.addi %parallel_loop3A_565, %parallel_loop3A_595 : vector<16xi32>
        %parallel_loop3A_597 = arith.addf %parallel_loop3A_593, %parallel_loop3A_561 : vector<16xf32>
        tpu.vector_store_idx %arg10[%parallel_loop3A_596], %parallel_loop3A_597 : memref<8192xf32, #tpu.memory_space<vmem>>[vector<16xi32>], vector<16xf32>,
        %parallel_loop3A_598 = arith.constant 64 : i32
        %parallel_loop3A_599 = vector.broadcast %parallel_loop3A_598 : i32 to vector<16xi32>
        %parallel_loop3A_600 = arith.addi %iota3A, %parallel_loop3A_599 : vector<16xi32>
        %parallel_loop3A_601 = tpu.vector_load_idx %arg8[%parallel_loop3A_600, %parallel_loop3A_551] : memref<128x64xf32, #tpu.memory_space<vmem>>[vector<16xi32>, vector<16xi32>], vector<16xf32>,
        %parallel_loop3A_602 = arith.constant 64 : i32
        %parallel_loop3A_603 = vector.broadcast %parallel_loop3A_602 : i32 to vector<16xi32>
        %parallel_loop3A_604 = arith.addi %parallel_loop3A_565, %parallel_loop3A_603 : vector<16xi32>
        %parallel_loop3A_605 = arith.addf %parallel_loop3A_601, %parallel_loop3A_561 : vector<16xf32>
        tpu.vector_store_idx %arg10[%parallel_loop3A_604], %parallel_loop3A_605 : memref<8192xf32, #tpu.memory_space<vmem>>[vector<16xi32>], vector<16xf32>,
        %parallel_loop3A_606 = arith.constant 80 : i32
        %parallel_loop3A_607 = vector.broadcast %parallel_loop3A_606 : i32 to vector<16xi32>
        %parallel_loop3A_608 = arith.addi %iota3A, %parallel_loop3A_607 : vector<16xi32>
        %parallel_loop3A_609 = tpu.vector_load_idx %arg8[%parallel_loop3A_608, %parallel_loop3A_551] : memref<128x64xf32, #tpu.memory_space<vmem>>[vector<16xi32>, vector<16xi32>], vector<16xf32>,
        %parallel_loop3A_610 = arith.constant 80 : i32
        %parallel_loop3A_611 = vector.broadcast %parallel_loop3A_610 : i32 to vector<16xi32>
        %parallel_loop3A_612 = arith.addi %parallel_loop3A_565, %parallel_loop3A_611 : vector<16xi32>
        %parallel_loop3A_613 = arith.addf %parallel_loop3A_609, %parallel_loop3A_561 : vector<16xf32>
        tpu.vector_store_idx %arg10[%parallel_loop3A_612], %parallel_loop3A_613 : memref<8192xf32, #tpu.memory_space<vmem>>[vector<16xi32>], vector<16xf32>,
        %parallel_loop3A_614 = arith.constant 96 : i32
        %parallel_loop3A_615 = vector.broadcast %parallel_loop3A_614 : i32 to vector<16xi32>
        %parallel_loop3A_616 = arith.addi %iota3A, %parallel_loop3A_615 : vector<16xi32>
        %parallel_loop3A_617 = tpu.vector_load_idx %arg8[%parallel_loop3A_616, %parallel_loop3A_551] : memref<128x64xf32, #tpu.memory_space<vmem>>[vector<16xi32>, vector<16xi32>], vector<16xf32>,
        %parallel_loop3A_618 = arith.constant 96 : i32
        %parallel_loop3A_619 = vector.broadcast %parallel_loop3A_618 : i32 to vector<16xi32>
        %parallel_loop3A_620 = arith.addi %parallel_loop3A_565, %parallel_loop3A_619 : vector<16xi32>
        %parallel_loop3A_621 = arith.addf %parallel_loop3A_617, %parallel_loop3A_561 : vector<16xf32>
        tpu.vector_store_idx %arg10[%parallel_loop3A_620], %parallel_loop3A_621 : memref<8192xf32, #tpu.memory_space<vmem>>[vector<16xi32>], vector<16xf32>,
        %parallel_loop3A_622 = arith.constant 112 : i32
        %parallel_loop3A_623 = vector.broadcast %parallel_loop3A_622 : i32 to vector<16xi32>
        %parallel_loop3A_624 = arith.addi %iota3A, %parallel_loop3A_623 : vector<16xi32>
        %parallel_loop3A_625 = tpu.vector_load_idx %arg8[%parallel_loop3A_624, %parallel_loop3A_551] : memref<128x64xf32, #tpu.memory_space<vmem>>[vector<16xi32>, vector<16xi32>], vector<16xf32>,
        %parallel_loop3A_626 = arith.constant 112 : i32
        %parallel_loop3A_627 = vector.broadcast %parallel_loop3A_626 : i32 to vector<16xi32>
        %parallel_loop3A_628 = arith.addi %parallel_loop3A_565, %parallel_loop3A_627 : vector<16xi32>
        %parallel_loop3A_629 = arith.addf %parallel_loop3A_625, %parallel_loop3A_561 : vector<16xf32>
        tpu.vector_store_idx %arg10[%parallel_loop3A_628], %parallel_loop3A_629 : memref<8192xf32, #tpu.memory_space<vmem>>[vector<16xi32>], vector<16xf32>,
      } {sc.loop_unroll_factor = 2 : i64, sc.parallel_access}
      %dma_start3A_278 = arith.constant 0 : i32
      %dma_start3A_279 = arith.constant 0 : i32
      %dma_start3A_280 = arith.constant 0 : i32
      %dma_start3A_281 = tpu.memref_slice %arg10[%dma_start3A_280] : memref<8192xf32, #tpu.memory_space<vmem>> -> memref<1024xf32, #tpu.memory_space<vmem>>
      %dma_start3A_282 = arith.constant 0 : i32
      %dma_start3A_283 = tpu.memref_slice %arg5[%add3A_258, %dma_start3A_278, %add3A, %dma_start3A_282] : memref<200x8x32x1024xf32, #tpu.memory_space<hbm>> -> memref<1x1x1x1024xf32, #tpu.memory_space<hbm>>
      %dma_start3A_284 = tpu.memref_squeeze %dma_start3A_283 : memref<1x1x1x1024xf32, #tpu.memory_space<hbm>> -> memref<1024xf32, #tpu.memory_space<hbm>>
      %dma_start3A_285 = tpu.memref_slice %arg13[%dma_start3A_279] : memref<2x!tpu.dma_semaphore, #tpu.memory_space<semaphore_mem>> -> memref<1x!tpu.dma_semaphore, #tpu.memory_space<semaphore_mem>>
      %dma_start3A_286 = tpu.memref_squeeze %dma_start3A_285 : memref<1x!tpu.dma_semaphore, #tpu.memory_space<semaphore_mem>> -> memref<!tpu.dma_semaphore, #tpu.memory_space<semaphore_mem>>
      %dma_start3A_287 = arith.constant 0 : i32
      %dma_start3A_288 = tpu.memref_slice %arg5[%add3A_258, %dma_start3A_278, %add3A, %dma_start3A_287] : memref<200x8x32x1024xf32, #tpu.memory_space<hbm>> -> memref<1x1x1x1024xf32, #tpu.memory_space<hbm>>
      %dma_start3A_289 = tpu.memref_squeeze %dma_start3A_288 : memref<1x1x1x1024xf32, #tpu.memory_space<hbm>> -> memref<1024xf32, #tpu.memory_space<hbm>>
      %dma_start3A_290 = arith.constant 0 : i32
      %dma_start3A_291 = tpu.memref_slice %arg10[%dma_start3A_290] : memref<8192xf32, #tpu.memory_space<vmem>> -> memref<1024xf32, #tpu.memory_space<vmem>>
      tpu.enqueue_dma source(%dma_start3A_291 : memref<1024xf32, #tpu.memory_space<vmem>>) target(%dma_start3A_289 : memref<1024xf32, #tpu.memory_space<hbm>>) target_semaphore(%dma_start3A_286 : memref<!tpu.dma_semaphore, #tpu.memory_space<semaphore_mem>>)
      %dma_start3A_292 = arith.constant 1 : i32
      %dma_start3A_293 = arith.constant 0 : i32
      %dma_start3A_294 = arith.constant 1024 : i32
      %dma_start3A_295 = tpu.memref_slice %arg10[%dma_start3A_294] : memref<8192xf32, #tpu.memory_space<vmem>> -> memref<1024xf32, #tpu.memory_space<vmem>>
      %dma_start3A_296 = arith.constant 0 : i32
      %dma_start3A_297 = tpu.memref_slice %arg5[%add3A_258, %dma_start3A_292, %add3A, %dma_start3A_296] : memref<200x8x32x1024xf32, #tpu.memory_space<hbm>> -> memref<1x1x1x1024xf32, #tpu.memory_space<hbm>>
      %dma_start3A_298 = tpu.memref_squeeze %dma_start3A_297 : memref<1x1x1x1024xf32, #tpu.memory_space<hbm>> -> memref<1024xf32, #tpu.memory_space<hbm>>
      %dma_start3A_299 = tpu.memref_slice %arg13[%dma_start3A_293] : memref<2x!tpu.dma_semaphore, #tpu.memory_space<semaphore_mem>> -> memref<1x!tpu.dma_semaphore, #tpu.memory_space<semaphore_mem>>
      %dma_start3A_300 = tpu.memref_squeeze %dma_start3A_299 : memref<1x!tpu.dma_semaphore, #tpu.memory_space<semaphore_mem>> -> memref<!tpu.dma_semaphore, #tpu.memory_space<semaphore_mem>>
      %dma_start3A_301 = arith.constant 0 : i32
      %dma_start3A_302 = tpu.memref_slice %arg5[%add3A_258, %dma_start3A_292, %add3A, %dma_start3A_301] : memref<200x8x32x1024xf32, #tpu.memory_space<hbm>> -> memref<1x1x1x1024xf32, #tpu.memory_space<hbm>>
      %dma_start3A_303 = tpu.memref_squeeze %dma_start3A_302 : memref<1x1x1x1024xf32, #tpu.memory_space<hbm>> -> memref<1024xf32, #tpu.memory_space<hbm>>
      %dma_start3A_304 = arith.constant 1024 : i32
      %dma_start3A_305 = tpu.memref_slice %arg10[%dma_start3A_304] : memref<8192xf32, #tpu.memory_space<vmem>> -> memref<1024xf32, #tpu.memory_space<vmem>>
      tpu.enqueue_dma source(%dma_start3A_305 : memref<1024xf32, #tpu.memory_space<vmem>>) target(%dma_start3A_303 : memref<1024xf32, #tpu.memory_space<hbm>>) target_semaphore(%dma_start3A_300 : memref<!tpu.dma_semaphore, #tpu.memory_space<semaphore_mem>>)
      %dma_start3A_306 = arith.constant 2 : i32
      %dma_start3A_307 = arith.constant 0 : i32
      %dma_start3A_308 = arith.constant 2048 : i32
      %dma_start3A_309 = tpu.memref_slice %arg10[%dma_start3A_308] : memref<8192xf32, #tpu.memory_space<vmem>> -> memref<1024xf32, #tpu.memory_space<vmem>>
      %dma_start3A_310 = arith.constant 0 : i32
      %dma_start3A_311 = tpu.memref_slice %arg5[%add3A_258, %dma_start3A_306, %add3A, %dma_start3A_310] : memref<200x8x32x1024xf32, #tpu.memory_space<hbm>> -> memref<1x1x1x1024xf32, #tpu.memory_space<hbm>>
      %dma_start3A_312 = tpu.memref_squeeze %dma_start3A_311 : memref<1x1x1x1024xf32, #tpu.memory_space<hbm>> -> memref<1024xf32, #tpu.memory_space<hbm>>
      %dma_start3A_313 = tpu.memref_slice %arg13[%dma_start3A_307] : memref<2x!tpu.dma_semaphore, #tpu.memory_space<semaphore_mem>> -> memref<1x!tpu.dma_semaphore, #tpu.memory_space<semaphore_mem>>
      %dma_start3A_314 = tpu.memref_squeeze %dma_start3A_313 : memref<1x!tpu.dma_semaphore, #tpu.memory_space<semaphore_mem>> -> memref<!tpu.dma_semaphore, #tpu.memory_space<semaphore_mem>>
      %dma_start3A_315 = arith.constant 0 : i32
      %dma_start3A_316 = tpu.memref_slice %arg5[%add3A_258, %dma_start3A_306, %add3A, %dma_start3A_315] : memref<200x8x32x1024xf32, #tpu.memory_space<hbm>> -> memref<1x1x1x1024xf32, #tpu.memory_space<hbm>>
      %dma_start3A_317 = tpu.memref_squeeze %dma_start3A_316 : memref<1x1x1x1024xf32, #tpu.memory_space<hbm>> -> memref<1024xf32, #tpu.memory_space<hbm>>
      %dma_start3A_318 = arith.constant 2048 : i32
      %dma_start3A_319 = tpu.memref_slice %arg10[%dma_start3A_318] : memref<8192xf32, #tpu.memory_space<vmem>> -> memref<1024xf32, #tpu.memory_space<vmem>>
      tpu.enqueue_dma source(%dma_start3A_319 : memref<1024xf32, #tpu.memory_space<vmem>>) target(%dma_start3A_317 : memref<1024xf32, #tpu.memory_space<hbm>>) target_semaphore(%dma_start3A_314 : memref<!tpu.dma_semaphore, #tpu.memory_space<semaphore_mem>>)
      %dma_start3A_320 = arith.constant 3 : i32
      %dma_start3A_321 = arith.constant 0 : i32
      %dma_start3A_322 = arith.constant 3072 : i32
      %dma_start3A_323 = tpu.memref_slice %arg10[%dma_start3A_322] : memref<8192xf32, #tpu.memory_space<vmem>> -> memref<1024xf32, #tpu.memory_space<vmem>>
      %dma_start3A_324 = arith.constant 0 : i32
      %dma_start3A_325 = tpu.memref_slice %arg5[%add3A_258, %dma_start3A_320, %add3A, %dma_start3A_324] : memref<200x8x32x1024xf32, #tpu.memory_space<hbm>> -> memref<1x1x1x1024xf32, #tpu.memory_space<hbm>>
      %dma_start3A_326 = tpu.memref_squeeze %dma_start3A_325 : memref<1x1x1x1024xf32, #tpu.memory_space<hbm>> -> memref<1024xf32, #tpu.memory_space<hbm>>
      %dma_start3A_327 = tpu.memref_slice %arg13[%dma_start3A_321] : memref<2x!tpu.dma_semaphore, #tpu.memory_space<semaphore_mem>> -> memref<1x!tpu.dma_semaphore, #tpu.memory_space<semaphore_mem>>
      %dma_start3A_328 = tpu.memref_squeeze %dma_start3A_327 : memref<1x!tpu.dma_semaphore, #tpu.memory_space<semaphore_mem>> -> memref<!tpu.dma_semaphore, #tpu.memory_space<semaphore_mem>>
      %dma_start3A_329 = arith.constant 0 : i32
      %dma_start3A_330 = tpu.memref_slice %arg5[%add3A_258, %dma_start3A_320, %add3A, %dma_start3A_329] : memref<200x8x32x1024xf32, #tpu.memory_space<hbm>> -> memref<1x1x1x1024xf32, #tpu.memory_space<hbm>>
      %dma_start3A_331 = tpu.memref_squeeze %dma_start3A_330 : memref<1x1x1x1024xf32, #tpu.memory_space<hbm>> -> memref<1024xf32, #tpu.memory_space<hbm>>
      %dma_start3A_332 = arith.constant 3072 : i32
      %dma_start3A_333 = tpu.memref_slice %arg10[%dma_start3A_332] : memref<8192xf32, #tpu.memory_space<vmem>> -> memref<1024xf32, #tpu.memory_space<vmem>>
      tpu.enqueue_dma source(%dma_start3A_333 : memref<1024xf32, #tpu.memory_space<vmem>>) target(%dma_start3A_331 : memref<1024xf32, #tpu.memory_space<hbm>>) target_semaphore(%dma_start3A_328 : memref<!tpu.dma_semaphore, #tpu.memory_space<semaphore_mem>>)
      %dma_start3A_334 = arith.constant 4 : i32
      %dma_start3A_335 = arith.constant 0 : i32
      %dma_start3A_336 = arith.constant 4096 : i32
      %dma_start3A_337 = tpu.memref_slice %arg10[%dma_start3A_336] : memref<8192xf32, #tpu.memory_space<vmem>> -> memref<1024xf32, #tpu.memory_space<vmem>>
      %dma_start3A_338 = arith.constant 0 : i32
      %dma_start3A_339 = tpu.memref_slice %arg5[%add3A_258, %dma_start3A_334, %add3A, %dma_start3A_338] : memref<200x8x32x1024xf32, #tpu.memory_space<hbm>> -> memref<1x1x1x1024xf32, #tpu.memory_space<hbm>>
      %dma_start3A_340 = tpu.memref_squeeze %dma_start3A_339 : memref<1x1x1x1024xf32, #tpu.memory_space<hbm>> -> memref<1024xf32, #tpu.memory_space<hbm>>
      %dma_start3A_341 = tpu.memref_slice %arg13[%dma_start3A_335] : memref<2x!tpu.dma_semaphore, #tpu.memory_space<semaphore_mem>> -> memref<1x!tpu.dma_semaphore, #tpu.memory_space<semaphore_mem>>
      %dma_start3A_342 = tpu.memref_squeeze %dma_start3A_341 : memref<1x!tpu.dma_semaphore, #tpu.memory_space<semaphore_mem>> -> memref<!tpu.dma_semaphore, #tpu.memory_space<semaphore_mem>>
      %dma_start3A_343 = arith.constant 0 : i32
      %dma_start3A_344 = tpu.memref_slice %arg5[%add3A_258, %dma_start3A_334, %add3A, %dma_start3A_343] : memref<200x8x32x1024xf32, #tpu.memory_space<hbm>> -> memref<1x1x1x1024xf32, #tpu.memory_space<hbm>>
      %dma_start3A_345 = tpu.memref_squeeze %dma_start3A_344 : memref<1x1x1x1024xf32, #tpu.memory_space<hbm>> -> memref<1024xf32, #tpu.memory_space<hbm>>
      %dma_start3A_346 = arith.constant 4096 : i32
      %dma_start3A_347 = tpu.memref_slice %arg10[%dma_start3A_346] : memref<8192xf32, #tpu.memory_space<vmem>> -> memref<1024xf32, #tpu.memory_space<vmem>>
      tpu.enqueue_dma source(%dma_start3A_347 : memref<1024xf32, #tpu.memory_space<vmem>>) target(%dma_start3A_345 : memref<1024xf32, #tpu.memory_space<hbm>>) target_semaphore(%dma_start3A_342 : memref<!tpu.dma_semaphore, #tpu.memory_space<semaphore_mem>>)
      %dma_start3A_348 = arith.constant 5 : i32
      %dma_start3A_349 = arith.constant 0 : i32
      %dma_start3A_350 = arith.constant 5120 : i32
      %dma_start3A_351 = tpu.memref_slice %arg10[%dma_start3A_350] : memref<8192xf32, #tpu.memory_space<vmem>> -> memref<1024xf32, #tpu.memory_space<vmem>>
      %dma_start3A_352 = arith.constant 0 : i32
      %dma_start3A_353 = tpu.memref_slice %arg5[%add3A_258, %dma_start3A_348, %add3A, %dma_start3A_352] : memref<200x8x32x1024xf32, #tpu.memory_space<hbm>> -> memref<1x1x1x1024xf32, #tpu.memory_space<hbm>>
      %dma_start3A_354 = tpu.memref_squeeze %dma_start3A_353 : memref<1x1x1x1024xf32, #tpu.memory_space<hbm>> -> memref<1024xf32, #tpu.memory_space<hbm>>
      %dma_start3A_355 = tpu.memref_slice %arg13[%dma_start3A_349] : memref<2x!tpu.dma_semaphore, #tpu.memory_space<semaphore_mem>> -> memref<1x!tpu.dma_semaphore, #tpu.memory_space<semaphore_mem>>
      %dma_start3A_356 = tpu.memref_squeeze %dma_start3A_355 : memref<1x!tpu.dma_semaphore, #tpu.memory_space<semaphore_mem>> -> memref<!tpu.dma_semaphore, #tpu.memory_space<semaphore_mem>>
      %dma_start3A_357 = arith.constant 0 : i32
      %dma_start3A_358 = tpu.memref_slice %arg5[%add3A_258, %dma_start3A_348, %add3A, %dma_start3A_357] : memref<200x8x32x1024xf32, #tpu.memory_space<hbm>> -> memref<1x1x1x1024xf32, #tpu.memory_space<hbm>>
      %dma_start3A_359 = tpu.memref_squeeze %dma_start3A_358 : memref<1x1x1x1024xf32, #tpu.memory_space<hbm>> -> memref<1024xf32, #tpu.memory_space<hbm>>
      %dma_start3A_360 = arith.constant 5120 : i32
      %dma_start3A_361 = tpu.memref_slice %arg10[%dma_start3A_360] : memref<8192xf32, #tpu.memory_space<vmem>> -> memref<1024xf32, #tpu.memory_space<vmem>>
      tpu.enqueue_dma source(%dma_start3A_361 : memref<1024xf32, #tpu.memory_space<vmem>>) target(%dma_start3A_359 : memref<1024xf32, #tpu.memory_space<hbm>>) target_semaphore(%dma_start3A_356 : memref<!tpu.dma_semaphore, #tpu.memory_space<semaphore_mem>>)
      %dma_start3A_362 = arith.constant 6 : i32
      %dma_start3A_363 = arith.constant 0 : i32
      %dma_start3A_364 = arith.constant 6144 : i32
      %dma_start3A_365 = tpu.memref_slice %arg10[%dma_start3A_364] : memref<8192xf32, #tpu.memory_space<vmem>> -> memref<1024xf32, #tpu.memory_space<vmem>>
      %dma_start3A_366 = arith.constant 0 : i32
      %dma_start3A_367 = tpu.memref_slice %arg5[%add3A_258, %dma_start3A_362, %add3A, %dma_start3A_366] : memref<200x8x32x1024xf32, #tpu.memory_space<hbm>> -> memref<1x1x1x1024xf32, #tpu.memory_space<hbm>>
      %dma_start3A_368 = tpu.memref_squeeze %dma_start3A_367 : memref<1x1x1x1024xf32, #tpu.memory_space<hbm>> -> memref<1024xf32, #tpu.memory_space<hbm>>
      %dma_start3A_369 = tpu.memref_slice %arg13[%dma_start3A_363] : memref<2x!tpu.dma_semaphore, #tpu.memory_space<semaphore_mem>> -> memref<1x!tpu.dma_semaphore, #tpu.memory_space<semaphore_mem>>
      %dma_start3A_370 = tpu.memref_squeeze %dma_start3A_369 : memref<1x!tpu.dma_semaphore, #tpu.memory_space<semaphore_mem>> -> memref<!tpu.dma_semaphore, #tpu.memory_space<semaphore_mem>>
      %dma_start3A_371 = arith.constant 0 : i32
      %dma_start3A_372 = tpu.memref_slice %arg5[%add3A_258, %dma_start3A_362, %add3A, %dma_start3A_371] : memref<200x8x32x1024xf32, #tpu.memory_space<hbm>> -> memref<1x1x1x1024xf32, #tpu.memory_space<hbm>>
      %dma_start3A_373 = tpu.memref_squeeze %dma_start3A_372 : memref<1x1x1x1024xf32, #tpu.memory_space<hbm>> -> memref<1024xf32, #tpu.memory_space<hbm>>
      %dma_start3A_374 = arith.constant 6144 : i32
      %dma_start3A_375 = tpu.memref_slice %arg10[%dma_start3A_374] : memref<8192xf32, #tpu.memory_space<vmem>> -> memref<1024xf32, #tpu.memory_space<vmem>>
      tpu.enqueue_dma source(%dma_start3A_375 : memref<1024xf32, #tpu.memory_space<vmem>>) target(%dma_start3A_373 : memref<1024xf32, #tpu.memory_space<hbm>>) target_semaphore(%dma_start3A_370 : memref<!tpu.dma_semaphore, #tpu.memory_space<semaphore_mem>>)
      %dma_start3A_376 = arith.constant 7 : i32
      %dma_start3A_377 = arith.constant 0 : i32
      %dma_start3A_378 = arith.constant 7168 : i32
      %dma_start3A_379 = tpu.memref_slice %arg10[%dma_start3A_378] : memref<8192xf32, #tpu.memory_space<vmem>> -> memref<1024xf32, #tpu.memory_space<vmem>>
      %dma_start3A_380 = arith.constant 0 : i32
      %dma_start3A_381 = tpu.memref_slice %arg5[%add3A_258, %dma_start3A_376, %add3A, %dma_start3A_380] : memref<200x8x32x1024xf32, #tpu.memory_space<hbm>> -> memref<1x1x1x1024xf32, #tpu.memory_space<hbm>>
      %dma_start3A_382 = tpu.memref_squeeze %dma_start3A_381 : memref<1x1x1x1024xf32, #tpu.memory_space<hbm>> -> memref<1024xf32, #tpu.memory_space<hbm>>
      %dma_start3A_383 = tpu.memref_slice %arg13[%dma_start3A_377] : memref<2x!tpu.dma_semaphore, #tpu.memory_space<semaphore_mem>> -> memref<1x!tpu.dma_semaphore, #tpu.memory_space<semaphore_mem>>
      %dma_start3A_384 = tpu.memref_squeeze %dma_start3A_383 : memref<1x!tpu.dma_semaphore, #tpu.memory_space<semaphore_mem>> -> memref<!tpu.dma_semaphore, #tpu.memory_space<semaphore_mem>>
      %dma_start3A_385 = arith.constant 0 : i32
      %dma_start3A_386 = tpu.memref_slice %arg5[%add3A_258, %dma_start3A_376, %add3A, %dma_start3A_385] : memref<200x8x32x1024xf32, #tpu.memory_space<hbm>> -> memref<1x1x1x1024xf32, #tpu.memory_space<hbm>>
      %dma_start3A_387 = tpu.memref_squeeze %dma_start3A_386 : memref<1x1x1x1024xf32, #tpu.memory_space<hbm>> -> memref<1024xf32, #tpu.memory_space<hbm>>
      %dma_start3A_388 = arith.constant 7168 : i32
      %dma_start3A_389 = tpu.memref_slice %arg10[%dma_start3A_388] : memref<8192xf32, #tpu.memory_space<vmem>> -> memref<1024xf32, #tpu.memory_space<vmem>>
      tpu.enqueue_dma source(%dma_start3A_389 : memref<1024xf32, #tpu.memory_space<vmem>>) target(%dma_start3A_387 : memref<1024xf32, #tpu.memory_space<hbm>>) target_semaphore(%dma_start3A_384 : memref<!tpu.dma_semaphore, #tpu.memory_space<semaphore_mem>>)
      %mul3A_390 = arith.constant 2 : i32
      %mul3A_391 = arith.muli %mul3A_390, %scan3A_254 : i32
      %add3A_392 = arith.constant 1 : i32
      %add3A_393 = arith.addi %mul3A_391, %add3A_392 : i32
      %dma_wait3A_394 = arith.constant 1 : i32
      %dma_wait3A_395 = arith.constant 0 : i32
      %dma_wait3A_396 = tpu.memref_slice %arg6[%add3A_393, %dma_wait3A_395] : memref<200x128xi32, #tpu.memory_space<vmem>> -> memref<1x128xi32, #tpu.memory_space<vmem>>
      %dma_wait3A_397 = tpu.memref_squeeze %dma_wait3A_396 : memref<1x128xi32, #tpu.memory_space<vmem>> -> memref<128xi32, #tpu.memory_space<vmem>>
      %dma_wait3A_398 = arith.constant 0 : i32
      %dma_wait3A_399 = arith.constant 0 : i32
      %dma_wait3A_400 = tpu.memref_slice %arg3[%dma_wait3A_398, %dma_wait3A_399] : memref<100000x64xf32, #tpu.memory_space<hbm>> -> memref<100000x64xf32, #tpu.memory_space<hbm>>
      %dma_wait3A_401 = tpu.memref_slice %arg12[%dma_wait3A_394] : memref<2x!tpu.dma_semaphore, #tpu.memory_space<semaphore_mem>> -> memref<1x!tpu.dma_semaphore, #tpu.memory_space<semaphore_mem>>
      %dma_wait3A_402 = tpu.memref_squeeze %dma_wait3A_401 : memref<1x!tpu.dma_semaphore, #tpu.memory_space<semaphore_mem>> -> memref<!tpu.dma_semaphore, #tpu.memory_space<semaphore_mem>>
      tpu.wait_indirect_dma semaphore(%dma_wait3A_402 : memref<!tpu.dma_semaphore, #tpu.memory_space<semaphore_mem>>) src(%dma_wait3A_400 : memref<100000x64xf32, #tpu.memory_space<hbm>>) dst(%arg9 : memref<128x64xf32, #tpu.memory_space<vmem>>)
      %add3A_403 = arith.constant 1 : i32
      %add3A_404 = arith.addi %add3A_393, %add3A_403 : i32
      %lt3A_405 = arith.constant 200 : i32
      %lt3A_406 = arith.cmpi slt, %add3A_404, %lt3A_405 : i32
      %convert_element_type3A_407 = arith.extui %lt3A_406 : i1 to i32
      %cond3A_408 = arith.constant 0 : i32
      %cond3A_409 = arith.cmpi ne, %convert_element_type3A_407, %cond3A_408 : i32
      scf.if %cond3A_409 {
        %add3A_531 = arith.constant 1 : i32
        %add3A_532 = arith.addi %add3A_393, %add3A_531 : i32
        %dma_start3A_533 = arith.constant 0 : i32
        %dma_start3A_534 = arith.constant 0 : i32
        %dma_start3A_535 = tpu.memref_slice %arg6[%add3A_532, %dma_start3A_534] : memref<200x128xi32, #tpu.memory_space<vmem>> -> memref<1x128xi32, #tpu.memory_space<vmem>>
        %dma_start3A_536 = tpu.memref_squeeze %dma_start3A_535 : memref<1x128xi32, #tpu.memory_space<vmem>> -> memref<128xi32, #tpu.memory_space<vmem>>
        %dma_start3A_537 = arith.constant 0 : i32
        %dma_start3A_538 = arith.constant 0 : i32
        %dma_start3A_539 = tpu.memref_slice %arg3[%dma_start3A_537, %dma_start3A_538] : memref<100000x64xf32, #tpu.memory_space<hbm>> -> memref<100000x64xf32, #tpu.memory_space<hbm>>
        %dma_start3A_540 = tpu.memref_slice %arg12[%dma_start3A_533] : memref<2x!tpu.dma_semaphore, #tpu.memory_space<semaphore_mem>> -> memref<1x!tpu.dma_semaphore, #tpu.memory_space<semaphore_mem>>
        %dma_start3A_541 = tpu.memref_squeeze %dma_start3A_540 : memref<1x!tpu.dma_semaphore, #tpu.memory_space<semaphore_mem>> -> memref<!tpu.dma_semaphore, #tpu.memory_space<semaphore_mem>>
        tpu.enqueue_indirect_dma source(%dma_start3A_539 : memref<100000x64xf32, #tpu.memory_space<hbm>>) target(%arg8 : memref<128x64xf32, #tpu.memory_space<vmem>>) offsets(%dma_start3A_536 : memref<128xi32, #tpu.memory_space<vmem>>) semaphore(%dma_start3A_541 : memref<!tpu.dma_semaphore, #tpu.memory_space<semaphore_mem>>)
      } else {
      }
      %ge3A_410 = arith.constant 2 : i32
      %ge3A_411 = arith.cmpi sge, %add3A_393, %ge3A_410 : i32
      %convert_element_type3A_412 = arith.extui %ge3A_411 : i1 to i32
      %cond3A_413 = arith.constant 0 : i32
      %cond3A_414 = arith.cmpi ne, %convert_element_type3A_412, %cond3A_413 : i32
      scf.if %cond3A_414 {
        %sub3A = arith.constant 2 : i32
        %sub3A_531 = arith.subi %add3A_393, %sub3A : i32
        %dma_wait3A_532 = arith.constant 0 : i32
        %dma_wait3A_533 = arith.constant 1 : i32
        %dma_wait3A_534 = arith.constant 0 : i32
        %dma_wait3A_535 = tpu.memref_slice %arg11[%dma_wait3A_534] : memref<8192xf32, #tpu.memory_space<vmem>> -> memref<1024xf32, #tpu.memory_space<vmem>>
        %dma_wait3A_536 = arith.constant 0 : i32
        %dma_wait3A_537 = tpu.memref_slice %arg5[%sub3A_531, %dma_wait3A_532, %add3A, %dma_wait3A_536] : memref<200x8x32x1024xf32, #tpu.memory_space<hbm>> -> memref<1x1x1x1024xf32, #tpu.memory_space<hbm>>
        %dma_wait3A_538 = tpu.memref_squeeze %dma_wait3A_537 : memref<1x1x1x1024xf32, #tpu.memory_space<hbm>> -> memref<1024xf32, #tpu.memory_space<hbm>>
        %dma_wait3A_539 = tpu.memref_slice %arg13[%dma_wait3A_533] : memref<2x!tpu.dma_semaphore, #tpu.memory_space<semaphore_mem>> -> memref<1x!tpu.dma_semaphore, #tpu.memory_space<semaphore_mem>>
        %dma_wait3A_540 = tpu.memref_squeeze %dma_wait3A_539 : memref<1x!tpu.dma_semaphore, #tpu.memory_space<semaphore_mem>> -> memref<!tpu.dma_semaphore, #tpu.memory_space<semaphore_mem>>
        %dma_wait3A_541 = arith.constant 0 : i32
        %dma_wait3A_542 = tpu.memref_slice %arg5[%sub3A_531, %dma_wait3A_532, %add3A, %dma_wait3A_541] : memref<200x8x32x1024xf32, #tpu.memory_space<hbm>> -> memref<1x1x1x1024xf32, #tpu.memory_space<hbm>>
        %dma_wait3A_543 = tpu.memref_squeeze %dma_wait3A_542 : memref<1x1x1x1024xf32, #tpu.memory_space<hbm>> -> memref<1024xf32, #tpu.memory_space<hbm>>
        %dma_wait3A_544 = arith.constant 0 : i32
        %dma_wait3A_545 = tpu.memref_slice %arg11[%dma_wait3A_544] : memref<8192xf32, #tpu.memory_space<vmem>> -> memref<1024xf32, #tpu.memory_space<vmem>>
        tpu.wait_dma2 semaphore(%dma_wait3A_540 : memref<!tpu.dma_semaphore, #tpu.memory_space<semaphore_mem>>) src(%dma_wait3A_545 : memref<1024xf32, #tpu.memory_space<vmem>>) dst(%dma_wait3A_543 : memref<1024xf32, #tpu.memory_space<hbm>>)
        %dma_wait3A_546 = arith.constant 1 : i32
        %dma_wait3A_547 = arith.constant 1 : i32
        %dma_wait3A_548 = arith.constant 1024 : i32
        %dma_wait3A_549 = tpu.memref_slice %arg11[%dma_wait3A_548] : memref<8192xf32, #tpu.memory_space<vmem>> -> memref<1024xf32, #tpu.memory_space<vmem>>
        %dma_wait3A_550 = arith.constant 0 : i32
        %dma_wait3A_551 = tpu.memref_slice %arg5[%sub3A_531, %dma_wait3A_546, %add3A, %dma_wait3A_550] : memref<200x8x32x1024xf32, #tpu.memory_space<hbm>> -> memref<1x1x1x1024xf32, #tpu.memory_space<hbm>>
        %dma_wait3A_552 = tpu.memref_squeeze %dma_wait3A_551 : memref<1x1x1x1024xf32, #tpu.memory_space<hbm>> -> memref<1024xf32, #tpu.memory_space<hbm>>
        %dma_wait3A_553 = tpu.memref_slice %arg13[%dma_wait3A_547] : memref<2x!tpu.dma_semaphore, #tpu.memory_space<semaphore_mem>> -> memref<1x!tpu.dma_semaphore, #tpu.memory_space<semaphore_mem>>
        %dma_wait3A_554 = tpu.memref_squeeze %dma_wait3A_553 : memref<1x!tpu.dma_semaphore, #tpu.memory_space<semaphore_mem>> -> memref<!tpu.dma_semaphore, #tpu.memory_space<semaphore_mem>>
        %dma_wait3A_555 = arith.constant 0 : i32
        %dma_wait3A_556 = tpu.memref_slice %arg5[%sub3A_531, %dma_wait3A_546, %add3A, %dma_wait3A_555] : memref<200x8x32x1024xf32, #tpu.memory_space<hbm>> -> memref<1x1x1x1024xf32, #tpu.memory_space<hbm>>
        %dma_wait3A_557 = tpu.memref_squeeze %dma_wait3A_556 : memref<1x1x1x1024xf32, #tpu.memory_space<hbm>> -> memref<1024xf32, #tpu.memory_space<hbm>>
        %dma_wait3A_558 = arith.constant 1024 : i32
        %dma_wait3A_559 = tpu.memref_slice %arg11[%dma_wait3A_558] : memref<8192xf32, #tpu.memory_space<vmem>> -> memref<1024xf32, #tpu.memory_space<vmem>>
        tpu.wait_dma2 semaphore(%dma_wait3A_554 : memref<!tpu.dma_semaphore, #tpu.memory_space<semaphore_mem>>) src(%dma_wait3A_559 : memref<1024xf32, #tpu.memory_space<vmem>>) dst(%dma_wait3A_557 : memref<1024xf32, #tpu.memory_space<hbm>>)
        %dma_wait3A_560 = arith.constant 2 : i32
        %dma_wait3A_561 = arith.constant 1 : i32
        %dma_wait3A_562 = arith.constant 2048 : i32
        %dma_wait3A_563 = tpu.memref_slice %arg11[%dma_wait3A_562] : memref<8192xf32, #tpu.memory_space<vmem>> -> memref<1024xf32, #tpu.memory_space<vmem>>
        %dma_wait3A_564 = arith.constant 0 : i32
        %dma_wait3A_565 = tpu.memref_slice %arg5[%sub3A_531, %dma_wait3A_560, %add3A, %dma_wait3A_564] : memref<200x8x32x1024xf32, #tpu.memory_space<hbm>> -> memref<1x1x1x1024xf32, #tpu.memory_space<hbm>>
        %dma_wait3A_566 = tpu.memref_squeeze %dma_wait3A_565 : memref<1x1x1x1024xf32, #tpu.memory_space<hbm>> -> memref<1024xf32, #tpu.memory_space<hbm>>
        %dma_wait3A_567 = tpu.memref_slice %arg13[%dma_wait3A_561] : memref<2x!tpu.dma_semaphore, #tpu.memory_space<semaphore_mem>> -> memref<1x!tpu.dma_semaphore, #tpu.memory_space<semaphore_mem>>
        %dma_wait3A_568 = tpu.memref_squeeze %dma_wait3A_567 : memref<1x!tpu.dma_semaphore, #tpu.memory_space<semaphore_mem>> -> memref<!tpu.dma_semaphore, #tpu.memory_space<semaphore_mem>>
        %dma_wait3A_569 = arith.constant 0 : i32
        %dma_wait3A_570 = tpu.memref_slice %arg5[%sub3A_531, %dma_wait3A_560, %add3A, %dma_wait3A_569] : memref<200x8x32x1024xf32, #tpu.memory_space<hbm>> -> memref<1x1x1x1024xf32, #tpu.memory_space<hbm>>
        %dma_wait3A_571 = tpu.memref_squeeze %dma_wait3A_570 : memref<1x1x1x1024xf32, #tpu.memory_space<hbm>> -> memref<1024xf32, #tpu.memory_space<hbm>>
        %dma_wait3A_572 = arith.constant 2048 : i32
        %dma_wait3A_573 = tpu.memref_slice %arg11[%dma_wait3A_572] : memref<8192xf32, #tpu.memory_space<vmem>> -> memref<1024xf32, #tpu.memory_space<vmem>>
        tpu.wait_dma2 semaphore(%dma_wait3A_568 : memref<!tpu.dma_semaphore, #tpu.memory_space<semaphore_mem>>) src(%dma_wait3A_573 : memref<1024xf32, #tpu.memory_space<vmem>>) dst(%dma_wait3A_571 : memref<1024xf32, #tpu.memory_space<hbm>>)
        %dma_wait3A_574 = arith.constant 3 : i32
        %dma_wait3A_575 = arith.constant 1 : i32
        %dma_wait3A_576 = arith.constant 3072 : i32
        %dma_wait3A_577 = tpu.memref_slice %arg11[%dma_wait3A_576] : memref<8192xf32, #tpu.memory_space<vmem>> -> memref<1024xf32, #tpu.memory_space<vmem>>
        %dma_wait3A_578 = arith.constant 0 : i32
        %dma_wait3A_579 = tpu.memref_slice %arg5[%sub3A_531, %dma_wait3A_574, %add3A, %dma_wait3A_578] : memref<200x8x32x1024xf32, #tpu.memory_space<hbm>> -> memref<1x1x1x1024xf32, #tpu.memory_space<hbm>>
        %dma_wait3A_580 = tpu.memref_squeeze %dma_wait3A_579 : memref<1x1x1x1024xf32, #tpu.memory_space<hbm>> -> memref<1024xf32, #tpu.memory_space<hbm>>
        %dma_wait3A_581 = tpu.memref_slice %arg13[%dma_wait3A_575] : memref<2x!tpu.dma_semaphore, #tpu.memory_space<semaphore_mem>> -> memref<1x!tpu.dma_semaphore, #tpu.memory_space<semaphore_mem>>
        %dma_wait3A_582 = tpu.memref_squeeze %dma_wait3A_581 : memref<1x!tpu.dma_semaphore, #tpu.memory_space<semaphore_mem>> -> memref<!tpu.dma_semaphore, #tpu.memory_space<semaphore_mem>>
        %dma_wait3A_583 = arith.constant 0 : i32
        %dma_wait3A_584 = tpu.memref_slice %arg5[%sub3A_531, %dma_wait3A_574, %add3A, %dma_wait3A_583] : memref<200x8x32x1024xf32, #tpu.memory_space<hbm>> -> memref<1x1x1x1024xf32, #tpu.memory_space<hbm>>
        %dma_wait3A_585 = tpu.memref_squeeze %dma_wait3A_584 : memref<1x1x1x1024xf32, #tpu.memory_space<hbm>> -> memref<1024xf32, #tpu.memory_space<hbm>>
        %dma_wait3A_586 = arith.constant 3072 : i32
        %dma_wait3A_587 = tpu.memref_slice %arg11[%dma_wait3A_586] : memref<8192xf32, #tpu.memory_space<vmem>> -> memref<1024xf32, #tpu.memory_space<vmem>>
        tpu.wait_dma2 semaphore(%dma_wait3A_582 : memref<!tpu.dma_semaphore, #tpu.memory_space<semaphore_mem>>) src(%dma_wait3A_587 : memref<1024xf32, #tpu.memory_space<vmem>>) dst(%dma_wait3A_585 : memref<1024xf32, #tpu.memory_space<hbm>>)
        %dma_wait3A_588 = arith.constant 4 : i32
        %dma_wait3A_589 = arith.constant 1 : i32
        %dma_wait3A_590 = arith.constant 4096 : i32
        %dma_wait3A_591 = tpu.memref_slice %arg11[%dma_wait3A_590] : memref<8192xf32, #tpu.memory_space<vmem>> -> memref<1024xf32, #tpu.memory_space<vmem>>
        %dma_wait3A_592 = arith.constant 0 : i32
        %dma_wait3A_593 = tpu.memref_slice %arg5[%sub3A_531, %dma_wait3A_588, %add3A, %dma_wait3A_592] : memref<200x8x32x1024xf32, #tpu.memory_space<hbm>> -> memref<1x1x1x1024xf32, #tpu.memory_space<hbm>>
        %dma_wait3A_594 = tpu.memref_squeeze %dma_wait3A_593 : memref<1x1x1x1024xf32, #tpu.memory_space<hbm>> -> memref<1024xf32, #tpu.memory_space<hbm>>
        %dma_wait3A_595 = tpu.memref_slice %arg13[%dma_wait3A_589] : memref<2x!tpu.dma_semaphore, #tpu.memory_space<semaphore_mem>> -> memref<1x!tpu.dma_semaphore, #tpu.memory_space<semaphore_mem>>
        %dma_wait3A_596 = tpu.memref_squeeze %dma_wait3A_595 : memref<1x!tpu.dma_semaphore, #tpu.memory_space<semaphore_mem>> -> memref<!tpu.dma_semaphore, #tpu.memory_space<semaphore_mem>>
        %dma_wait3A_597 = arith.constant 0 : i32
        %dma_wait3A_598 = tpu.memref_slice %arg5[%sub3A_531, %dma_wait3A_588, %add3A, %dma_wait3A_597] : memref<200x8x32x1024xf32, #tpu.memory_space<hbm>> -> memref<1x1x1x1024xf32, #tpu.memory_space<hbm>>
        %dma_wait3A_599 = tpu.memref_squeeze %dma_wait3A_598 : memref<1x1x1x1024xf32, #tpu.memory_space<hbm>> -> memref<1024xf32, #tpu.memory_space<hbm>>
        %dma_wait3A_600 = arith.constant 4096 : i32
        %dma_wait3A_601 = tpu.memref_slice %arg11[%dma_wait3A_600] : memref<8192xf32, #tpu.memory_space<vmem>> -> memref<1024xf32, #tpu.memory_space<vmem>>
        tpu.wait_dma2 semaphore(%dma_wait3A_596 : memref<!tpu.dma_semaphore, #tpu.memory_space<semaphore_mem>>) src(%dma_wait3A_601 : memref<1024xf32, #tpu.memory_space<vmem>>) dst(%dma_wait3A_599 : memref<1024xf32, #tpu.memory_space<hbm>>)
        %dma_wait3A_602 = arith.constant 5 : i32
        %dma_wait3A_603 = arith.constant 1 : i32
        %dma_wait3A_604 = arith.constant 5120 : i32
        %dma_wait3A_605 = tpu.memref_slice %arg11[%dma_wait3A_604] : memref<8192xf32, #tpu.memory_space<vmem>> -> memref<1024xf32, #tpu.memory_space<vmem>>
        %dma_wait3A_606 = arith.constant 0 : i32
        %dma_wait3A_607 = tpu.memref_slice %arg5[%sub3A_531, %dma_wait3A_602, %add3A, %dma_wait3A_606] : memref<200x8x32x1024xf32, #tpu.memory_space<hbm>> -> memref<1x1x1x1024xf32, #tpu.memory_space<hbm>>
        %dma_wait3A_608 = tpu.memref_squeeze %dma_wait3A_607 : memref<1x1x1x1024xf32, #tpu.memory_space<hbm>> -> memref<1024xf32, #tpu.memory_space<hbm>>
        %dma_wait3A_609 = tpu.memref_slice %arg13[%dma_wait3A_603] : memref<2x!tpu.dma_semaphore, #tpu.memory_space<semaphore_mem>> -> memref<1x!tpu.dma_semaphore, #tpu.memory_space<semaphore_mem>>
        %dma_wait3A_610 = tpu.memref_squeeze %dma_wait3A_609 : memref<1x!tpu.dma_semaphore, #tpu.memory_space<semaphore_mem>> -> memref<!tpu.dma_semaphore, #tpu.memory_space<semaphore_mem>>
        %dma_wait3A_611 = arith.constant 0 : i32
        %dma_wait3A_612 = tpu.memref_slice %arg5[%sub3A_531, %dma_wait3A_602, %add3A, %dma_wait3A_611] : memref<200x8x32x1024xf32, #tpu.memory_space<hbm>> -> memref<1x1x1x1024xf32, #tpu.memory_space<hbm>>
        %dma_wait3A_613 = tpu.memref_squeeze %dma_wait3A_612 : memref<1x1x1x1024xf32, #tpu.memory_space<hbm>> -> memref<1024xf32, #tpu.memory_space<hbm>>
        %dma_wait3A_614 = arith.constant 5120 : i32
        %dma_wait3A_615 = tpu.memref_slice %arg11[%dma_wait3A_614] : memref<8192xf32, #tpu.memory_space<vmem>> -> memref<1024xf32, #tpu.memory_space<vmem>>
        tpu.wait_dma2 semaphore(%dma_wait3A_610 : memref<!tpu.dma_semaphore, #tpu.memory_space<semaphore_mem>>) src(%dma_wait3A_615 : memref<1024xf32, #tpu.memory_space<vmem>>) dst(%dma_wait3A_613 : memref<1024xf32, #tpu.memory_space<hbm>>)
        %dma_wait3A_616 = arith.constant 6 : i32
        %dma_wait3A_617 = arith.constant 1 : i32
        %dma_wait3A_618 = arith.constant 6144 : i32
        %dma_wait3A_619 = tpu.memref_slice %arg11[%dma_wait3A_618] : memref<8192xf32, #tpu.memory_space<vmem>> -> memref<1024xf32, #tpu.memory_space<vmem>>
        %dma_wait3A_620 = arith.constant 0 : i32
        %dma_wait3A_621 = tpu.memref_slice %arg5[%sub3A_531, %dma_wait3A_616, %add3A, %dma_wait3A_620] : memref<200x8x32x1024xf32, #tpu.memory_space<hbm>> -> memref<1x1x1x1024xf32, #tpu.memory_space<hbm>>
        %dma_wait3A_622 = tpu.memref_squeeze %dma_wait3A_621 : memref<1x1x1x1024xf32, #tpu.memory_space<hbm>> -> memref<1024xf32, #tpu.memory_space<hbm>>
        %dma_wait3A_623 = tpu.memref_slice %arg13[%dma_wait3A_617] : memref<2x!tpu.dma_semaphore, #tpu.memory_space<semaphore_mem>> -> memref<1x!tpu.dma_semaphore, #tpu.memory_space<semaphore_mem>>
        %dma_wait3A_624 = tpu.memref_squeeze %dma_wait3A_623 : memref<1x!tpu.dma_semaphore, #tpu.memory_space<semaphore_mem>> -> memref<!tpu.dma_semaphore, #tpu.memory_space<semaphore_mem>>
        %dma_wait3A_625 = arith.constant 0 : i32
        %dma_wait3A_626 = tpu.memref_slice %arg5[%sub3A_531, %dma_wait3A_616, %add3A, %dma_wait3A_625] : memref<200x8x32x1024xf32, #tpu.memory_space<hbm>> -> memref<1x1x1x1024xf32, #tpu.memory_space<hbm>>
        %dma_wait3A_627 = tpu.memref_squeeze %dma_wait3A_626 : memref<1x1x1x1024xf32, #tpu.memory_space<hbm>> -> memref<1024xf32, #tpu.memory_space<hbm>>
        %dma_wait3A_628 = arith.constant 6144 : i32
        %dma_wait3A_629 = tpu.memref_slice %arg11[%dma_wait3A_628] : memref<8192xf32, #tpu.memory_space<vmem>> -> memref<1024xf32, #tpu.memory_space<vmem>>
        tpu.wait_dma2 semaphore(%dma_wait3A_624 : memref<!tpu.dma_semaphore, #tpu.memory_space<semaphore_mem>>) src(%dma_wait3A_629 : memref<1024xf32, #tpu.memory_space<vmem>>) dst(%dma_wait3A_627 : memref<1024xf32, #tpu.memory_space<hbm>>)
        %dma_wait3A_630 = arith.constant 7 : i32
        %dma_wait3A_631 = arith.constant 1 : i32
        %dma_wait3A_632 = arith.constant 7168 : i32
        %dma_wait3A_633 = tpu.memref_slice %arg11[%dma_wait3A_632] : memref<8192xf32, #tpu.memory_space<vmem>> -> memref<1024xf32, #tpu.memory_space<vmem>>
        %dma_wait3A_634 = arith.constant 0 : i32
        %dma_wait3A_635 = tpu.memref_slice %arg5[%sub3A_531, %dma_wait3A_630, %add3A, %dma_wait3A_634] : memref<200x8x32x1024xf32, #tpu.memory_space<hbm>> -> memref<1x1x1x1024xf32, #tpu.memory_space<hbm>>
        %dma_wait3A_636 = tpu.memref_squeeze %dma_wait3A_635 : memref<1x1x1x1024xf32, #tpu.memory_space<hbm>> -> memref<1024xf32, #tpu.memory_space<hbm>>
        %dma_wait3A_637 = tpu.memref_slice %arg13[%dma_wait3A_631] : memref<2x!tpu.dma_semaphore, #tpu.memory_space<semaphore_mem>> -> memref<1x!tpu.dma_semaphore, #tpu.memory_space<semaphore_mem>>
        %dma_wait3A_638 = tpu.memref_squeeze %dma_wait3A_637 : memref<1x!tpu.dma_semaphore, #tpu.memory_space<semaphore_mem>> -> memref<!tpu.dma_semaphore, #tpu.memory_space<semaphore_mem>>
        %dma_wait3A_639 = arith.constant 0 : i32
        %dma_wait3A_640 = tpu.memref_slice %arg5[%sub3A_531, %dma_wait3A_630, %add3A, %dma_wait3A_639] : memref<200x8x32x1024xf32, #tpu.memory_space<hbm>> -> memref<1x1x1x1024xf32, #tpu.memory_space<hbm>>
        %dma_wait3A_641 = tpu.memref_squeeze %dma_wait3A_640 : memref<1x1x1x1024xf32, #tpu.memory_space<hbm>> -> memref<1024xf32, #tpu.memory_space<hbm>>
        %dma_wait3A_642 = arith.constant 7168 : i32
        %dma_wait3A_643 = tpu.memref_slice %arg11[%dma_wait3A_642] : memref<8192xf32, #tpu.memory_space<vmem>> -> memref<1024xf32, #tpu.memory_space<vmem>>
        tpu.wait_dma2 semaphore(%dma_wait3A_638 : memref<!tpu.dma_semaphore, #tpu.memory_space<semaphore_mem>>) src(%dma_wait3A_643 : memref<1024xf32, #tpu.memory_space<vmem>>) dst(%dma_wait3A_641 : memref<1024xf32, #tpu.memory_space<hbm>>)
      } else {
      }
      %iota3A_415 = tpu.iota {dimensions = array<i32: 0>} : vector<16xi32>
      %parallel_loop3A_416 = arith.constant 0 : i32
      %parallel_loop3A_417 = arith.constant 64 : i32
      %parallel_loop3A_418 = arith.constant 1 : i32
      scf.for %parallel_loop3A_531 = %parallel_loop3A_416 to %parallel_loop3A_417 step %parallel_loop3A_418  : i32 {
        %parallel_loop3A_532 = arith.constant 4 : i32
        %parallel_loop3A_533 = arith.shrsi %parallel_loop3A_531, %parallel_loop3A_532 : i32
        %parallel_loop3A_534 = arith.constant 15 : i32
        %parallel_loop3A_535 = arith.andi %parallel_loop3A_531, %parallel_loop3A_534 : i32
        %parallel_loop3A_536 = arith.constant 64 : i32
        %parallel_loop3A_537 = arith.muli %add3A_393, %parallel_loop3A_536 : i32
        %parallel_loop3A_538 = arith.constant 16 : i32
        %parallel_loop3A_539 = arith.muli %parallel_loop3A_533, %parallel_loop3A_538 : i32
        %parallel_loop3A_540 = arith.addi %parallel_loop3A_537, %parallel_loop3A_539 : i32
        %parallel_loop3A_541 = arith.index_cast %parallel_loop3A_540 : i32 to index
        %parallel_loop3A_542 = tpu.vector_load %arg7[%parallel_loop3A_541] {strides = array<i32>} : memref<12800xf32, #tpu.memory_space<vmem>>, vector<16xf32>,
        %parallel_loop3A_543 = vector.broadcast %parallel_loop3A_535 : i32 to vector<16xi32>
        %parallel_loop3A_544 = arith.addi %parallel_loop3A_543, %iota3A_415 : vector<16xi32>
        %parallel_loop3A_545 = arith.constant 15 : i32
        %parallel_loop3A_546 = vector.broadcast %parallel_loop3A_545 : i32 to vector<16xi32>
        %parallel_loop3A_547 = arith.andi %parallel_loop3A_544, %parallel_loop3A_546 : vector<16xi32>
        %parallel_loop3A_548 = arith.constant 16 : i32
        %parallel_loop3A_549 = arith.muli %parallel_loop3A_533, %parallel_loop3A_548 : i32
        %parallel_loop3A_550 = vector.broadcast %parallel_loop3A_549 : i32 to vector<16xi32>
        %parallel_loop3A_551 = arith.addi %parallel_loop3A_550, %parallel_loop3A_547 : vector<16xi32>
        %parallel_loop3A_552 = arith.constant 0 : i32
        %parallel_loop3A_553 = vector.broadcast %parallel_loop3A_552 : i32 to vector<16xi32>
        %parallel_loop3A_554 = arith.cmpi slt, %parallel_loop3A_547, %parallel_loop3A_553 : vector<16xi32>
        %parallel_loop3A_555 = arith.constant 16 : i32
        %parallel_loop3A_556 = vector.broadcast %parallel_loop3A_555 : i32 to vector<16xi32>
        %parallel_loop3A_557 = arith.addi %parallel_loop3A_547, %parallel_loop3A_556 : vector<16xi32>
        %parallel_loop3A_558 = arith.select %parallel_loop3A_554, %parallel_loop3A_557, %parallel_loop3A_547 : vector<16xi1>, vector<16xi32>
        %parallel_loop3A_559 = vector.shape_cast %parallel_loop3A_558 : vector<16xi32> to vector<16x1xi32>
        %parallel_loop3A_560 = vector.shape_cast %parallel_loop3A_559 : vector<16x1xi32> to vector<16xi32>
        %parallel_loop3A_561 = tpu.dynamic_gather %parallel_loop3A_542[%parallel_loop3A_560] in [0] : vector<16xf32>, vector<16xi32> -> vector<16xf32>
        %parallel_loop3A_562 = arith.constant 128 : i32
        %parallel_loop3A_563 = vector.broadcast %parallel_loop3A_562 : i32 to vector<16xi32>
        %parallel_loop3A_564 = arith.muli %parallel_loop3A_551, %parallel_loop3A_563 : vector<16xi32>
        %parallel_loop3A_565 = arith.addi %parallel_loop3A_564, %iota3A_415 : vector<16xi32>
        %parallel_loop3A_566 = arith.constant 0 : i32
        %parallel_loop3A_567 = vector.broadcast %parallel_loop3A_566 : i32 to vector<16xi32>
        %parallel_loop3A_568 = arith.addi %iota3A_415, %parallel_loop3A_567 : vector<16xi32>
        %parallel_loop3A_569 = tpu.vector_load_idx %arg9[%parallel_loop3A_568, %parallel_loop3A_551] : memref<128x64xf32, #tpu.memory_space<vmem>>[vector<16xi32>, vector<16xi32>], vector<16xf32>,
        %parallel_loop3A_570 = arith.constant 0 : i32
        %parallel_loop3A_571 = vector.broadcast %parallel_loop3A_570 : i32 to vector<16xi32>
        %parallel_loop3A_572 = arith.addi %parallel_loop3A_565, %parallel_loop3A_571 : vector<16xi32>
        %parallel_loop3A_573 = arith.addf %parallel_loop3A_569, %parallel_loop3A_561 : vector<16xf32>
        tpu.vector_store_idx %arg11[%parallel_loop3A_572], %parallel_loop3A_573 : memref<8192xf32, #tpu.memory_space<vmem>>[vector<16xi32>], vector<16xf32>,
        %parallel_loop3A_574 = arith.constant 16 : i32
        %parallel_loop3A_575 = vector.broadcast %parallel_loop3A_574 : i32 to vector<16xi32>
        %parallel_loop3A_576 = arith.addi %iota3A_415, %parallel_loop3A_575 : vector<16xi32>
        %parallel_loop3A_577 = tpu.vector_load_idx %arg9[%parallel_loop3A_576, %parallel_loop3A_551] : memref<128x64xf32, #tpu.memory_space<vmem>>[vector<16xi32>, vector<16xi32>], vector<16xf32>,
        %parallel_loop3A_578 = arith.constant 16 : i32
        %parallel_loop3A_579 = vector.broadcast %parallel_loop3A_578 : i32 to vector<16xi32>
        %parallel_loop3A_580 = arith.addi %parallel_loop3A_565, %parallel_loop3A_579 : vector<16xi32>
        %parallel_loop3A_581 = arith.addf %parallel_loop3A_577, %parallel_loop3A_561 : vector<16xf32>
        tpu.vector_store_idx %arg11[%parallel_loop3A_580], %parallel_loop3A_581 : memref<8192xf32, #tpu.memory_space<vmem>>[vector<16xi32>], vector<16xf32>,
        %parallel_loop3A_582 = arith.constant 32 : i32
        %parallel_loop3A_583 = vector.broadcast %parallel_loop3A_582 : i32 to vector<16xi32>
        %parallel_loop3A_584 = arith.addi %iota3A_415, %parallel_loop3A_583 : vector<16xi32>
        %parallel_loop3A_585 = tpu.vector_load_idx %arg9[%parallel_loop3A_584, %parallel_loop3A_551] : memref<128x64xf32, #tpu.memory_space<vmem>>[vector<16xi32>, vector<16xi32>], vector<16xf32>,
        %parallel_loop3A_586 = arith.constant 32 : i32
        %parallel_loop3A_587 = vector.broadcast %parallel_loop3A_586 : i32 to vector<16xi32>
        %parallel_loop3A_588 = arith.addi %parallel_loop3A_565, %parallel_loop3A_587 : vector<16xi32>
        %parallel_loop3A_589 = arith.addf %parallel_loop3A_585, %parallel_loop3A_561 : vector<16xf32>
        tpu.vector_store_idx %arg11[%parallel_loop3A_588], %parallel_loop3A_589 : memref<8192xf32, #tpu.memory_space<vmem>>[vector<16xi32>], vector<16xf32>,
        %parallel_loop3A_590 = arith.constant 48 : i32
        %parallel_loop3A_591 = vector.broadcast %parallel_loop3A_590 : i32 to vector<16xi32>
        %parallel_loop3A_592 = arith.addi %iota3A_415, %parallel_loop3A_591 : vector<16xi32>
        %parallel_loop3A_593 = tpu.vector_load_idx %arg9[%parallel_loop3A_592, %parallel_loop3A_551] : memref<128x64xf32, #tpu.memory_space<vmem>>[vector<16xi32>, vector<16xi32>], vector<16xf32>,
        %parallel_loop3A_594 = arith.constant 48 : i32
        %parallel_loop3A_595 = vector.broadcast %parallel_loop3A_594 : i32 to vector<16xi32>
        %parallel_loop3A_596 = arith.addi %parallel_loop3A_565, %parallel_loop3A_595 : vector<16xi32>
        %parallel_loop3A_597 = arith.addf %parallel_loop3A_593, %parallel_loop3A_561 : vector<16xf32>
        tpu.vector_store_idx %arg11[%parallel_loop3A_596], %parallel_loop3A_597 : memref<8192xf32, #tpu.memory_space<vmem>>[vector<16xi32>], vector<16xf32>,
        %parallel_loop3A_598 = arith.constant 64 : i32
        %parallel_loop3A_599 = vector.broadcast %parallel_loop3A_598 : i32 to vector<16xi32>
        %parallel_loop3A_600 = arith.addi %iota3A_415, %parallel_loop3A_599 : vector<16xi32>
        %parallel_loop3A_601 = tpu.vector_load_idx %arg9[%parallel_loop3A_600, %parallel_loop3A_551] : memref<128x64xf32, #tpu.memory_space<vmem>>[vector<16xi32>, vector<16xi32>], vector<16xf32>,
        %parallel_loop3A_602 = arith.constant 64 : i32
        %parallel_loop3A_603 = vector.broadcast %parallel_loop3A_602 : i32 to vector<16xi32>
        %parallel_loop3A_604 = arith.addi %parallel_loop3A_565, %parallel_loop3A_603 : vector<16xi32>
        %parallel_loop3A_605 = arith.addf %parallel_loop3A_601, %parallel_loop3A_561 : vector<16xf32>
        tpu.vector_store_idx %arg11[%parallel_loop3A_604], %parallel_loop3A_605 : memref<8192xf32, #tpu.memory_space<vmem>>[vector<16xi32>], vector<16xf32>,
        %parallel_loop3A_606 = arith.constant 80 : i32
        %parallel_loop3A_607 = vector.broadcast %parallel_loop3A_606 : i32 to vector<16xi32>
        %parallel_loop3A_608 = arith.addi %iota3A_415, %parallel_loop3A_607 : vector<16xi32>
        %parallel_loop3A_609 = tpu.vector_load_idx %arg9[%parallel_loop3A_608, %parallel_loop3A_551] : memref<128x64xf32, #tpu.memory_space<vmem>>[vector<16xi32>, vector<16xi32>], vector<16xf32>,
        %parallel_loop3A_610 = arith.constant 80 : i32
        %parallel_loop3A_611 = vector.broadcast %parallel_loop3A_610 : i32 to vector<16xi32>
        %parallel_loop3A_612 = arith.addi %parallel_loop3A_565, %parallel_loop3A_611 : vector<16xi32>
        %parallel_loop3A_613 = arith.addf %parallel_loop3A_609, %parallel_loop3A_561 : vector<16xf32>
        tpu.vector_store_idx %arg11[%parallel_loop3A_612], %parallel_loop3A_613 : memref<8192xf32, #tpu.memory_space<vmem>>[vector<16xi32>], vector<16xf32>,
        %parallel_loop3A_614 = arith.constant 96 : i32
        %parallel_loop3A_615 = vector.broadcast %parallel_loop3A_614 : i32 to vector<16xi32>
        %parallel_loop3A_616 = arith.addi %iota3A_415, %parallel_loop3A_615 : vector<16xi32>
        %parallel_loop3A_617 = tpu.vector_load_idx %arg9[%parallel_loop3A_616, %parallel_loop3A_551] : memref<128x64xf32, #tpu.memory_space<vmem>>[vector<16xi32>, vector<16xi32>], vector<16xf32>,
        %parallel_loop3A_618 = arith.constant 96 : i32
        %parallel_loop3A_619 = vector.broadcast %parallel_loop3A_618 : i32 to vector<16xi32>
        %parallel_loop3A_620 = arith.addi %parallel_loop3A_565, %parallel_loop3A_619 : vector<16xi32>
        %parallel_loop3A_621 = arith.addf %parallel_loop3A_617, %parallel_loop3A_561 : vector<16xf32>
        tpu.vector_store_idx %arg11[%parallel_loop3A_620], %parallel_loop3A_621 : memref<8192xf32, #tpu.memory_space<vmem>>[vector<16xi32>], vector<16xf32>,
        %parallel_loop3A_622 = arith.constant 112 : i32
        %parallel_loop3A_623 = vector.broadcast %parallel_loop3A_622 : i32 to vector<16xi32>
        %parallel_loop3A_624 = arith.addi %iota3A_415, %parallel_loop3A_623 : vector<16xi32>
        %parallel_loop3A_625 = tpu.vector_load_idx %arg9[%parallel_loop3A_624, %parallel_loop3A_551] : memref<128x64xf32, #tpu.memory_space<vmem>>[vector<16xi32>, vector<16xi32>], vector<16xf32>,
        %parallel_loop3A_626 = arith.constant 112 : i32
        %parallel_loop3A_627 = vector.broadcast %parallel_loop3A_626 : i32 to vector<16xi32>
        %parallel_loop3A_628 = arith.addi %parallel_loop3A_565, %parallel_loop3A_627 : vector<16xi32>
        %parallel_loop3A_629 = arith.addf %parallel_loop3A_625, %parallel_loop3A_561 : vector<16xf32>
        tpu.vector_store_idx %arg11[%parallel_loop3A_628], %parallel_loop3A_629 : memref<8192xf32, #tpu.memory_space<vmem>>[vector<16xi32>], vector<16xf32>,
      } {sc.loop_unroll_factor = 2 : i64, sc.parallel_access}
      %dma_start3A_419 = arith.constant 0 : i32
      %dma_start3A_420 = arith.constant 1 : i32
      %dma_start3A_421 = arith.constant 0 : i32
      %dma_start3A_422 = tpu.memref_slice %arg11[%dma_start3A_421] : memref<8192xf32, #tpu.memory_space<vmem>> -> memref<1024xf32, #tpu.memory_space<vmem>>
      %dma_start3A_423 = arith.constant 0 : i32
      %dma_start3A_424 = tpu.memref_slice %arg5[%add3A_393, %dma_start3A_419, %add3A, %dma_start3A_423] : memref<200x8x32x1024xf32, #tpu.memory_space<hbm>> -> memref<1x1x1x1024xf32, #tpu.memory_space<hbm>>
      %dma_start3A_425 = tpu.memref_squeeze %dma_start3A_424 : memref<1x1x1x1024xf32, #tpu.memory_space<hbm>> -> memref<1024xf32, #tpu.memory_space<hbm>>
      %dma_start3A_426 = tpu.memref_slice %arg13[%dma_start3A_420] : memref<2x!tpu.dma_semaphore, #tpu.memory_space<semaphore_mem>> -> memref<1x!tpu.dma_semaphore, #tpu.memory_space<semaphore_mem>>
      %dma_start3A_427 = tpu.memref_squeeze %dma_start3A_426 : memref<1x!tpu.dma_semaphore, #tpu.memory_space<semaphore_mem>> -> memref<!tpu.dma_semaphore, #tpu.memory_space<semaphore_mem>>
      %dma_start3A_428 = arith.constant 0 : i32
      %dma_start3A_429 = tpu.memref_slice %arg5[%add3A_393, %dma_start3A_419, %add3A, %dma_start3A_428] : memref<200x8x32x1024xf32, #tpu.memory_space<hbm>> -> memref<1x1x1x1024xf32, #tpu.memory_space<hbm>>
      %dma_start3A_430 = tpu.memref_squeeze %dma_start3A_429 : memref<1x1x1x1024xf32, #tpu.memory_space<hbm>> -> memref<1024xf32, #tpu.memory_space<hbm>>
      %dma_start3A_431 = arith.constant 0 : i32
      %dma_start3A_432 = tpu.memref_slice %arg11[%dma_start3A_431] : memref<8192xf32, #tpu.memory_space<vmem>> -> memref<1024xf32, #tpu.memory_space<vmem>>
      tpu.enqueue_dma source(%dma_start3A_432 : memref<1024xf32, #tpu.memory_space<vmem>>) target(%dma_start3A_430 : memref<1024xf32, #tpu.memory_space<hbm>>) target_semaphore(%dma_start3A_427 : memref<!tpu.dma_semaphore, #tpu.memory_space<semaphore_mem>>)
      %dma_start3A_433 = arith.constant 1 : i32
      %dma_start3A_434 = arith.constant 1 : i32
      %dma_start3A_435 = arith.constant 1024 : i32
      %dma_start3A_436 = tpu.memref_slice %arg11[%dma_start3A_435] : memref<8192xf32, #tpu.memory_space<vmem>> -> memref<1024xf32, #tpu.memory_space<vmem>>
      %dma_start3A_437 = arith.constant 0 : i32
      %dma_start3A_438 = tpu.memref_slice %arg5[%add3A_393, %dma_start3A_433, %add3A, %dma_start3A_437] : memref<200x8x32x1024xf32, #tpu.memory_space<hbm>> -> memref<1x1x1x1024xf32, #tpu.memory_space<hbm>>
      %dma_start3A_439 = tpu.memref_squeeze %dma_start3A_438 : memref<1x1x1x1024xf32, #tpu.memory_space<hbm>> -> memref<1024xf32, #tpu.memory_space<hbm>>
      %dma_start3A_440 = tpu.memref_slice %arg13[%dma_start3A_434] : memref<2x!tpu.dma_semaphore, #tpu.memory_space<semaphore_mem>> -> memref<1x!tpu.dma_semaphore, #tpu.memory_space<semaphore_mem>>
      %dma_start3A_441 = tpu.memref_squeeze %dma_start3A_440 : memref<1x!tpu.dma_semaphore, #tpu.memory_space<semaphore_mem>> -> memref<!tpu.dma_semaphore, #tpu.memory_space<semaphore_mem>>
      %dma_start3A_442 = arith.constant 0 : i32
      %dma_start3A_443 = tpu.memref_slice %arg5[%add3A_393, %dma_start3A_433, %add3A, %dma_start3A_442] : memref<200x8x32x1024xf32, #tpu.memory_space<hbm>> -> memref<1x1x1x1024xf32, #tpu.memory_space<hbm>>
      %dma_start3A_444 = tpu.memref_squeeze %dma_start3A_443 : memref<1x1x1x1024xf32, #tpu.memory_space<hbm>> -> memref<1024xf32, #tpu.memory_space<hbm>>
      %dma_start3A_445 = arith.constant 1024 : i32
      %dma_start3A_446 = tpu.memref_slice %arg11[%dma_start3A_445] : memref<8192xf32, #tpu.memory_space<vmem>> -> memref<1024xf32, #tpu.memory_space<vmem>>
      tpu.enqueue_dma source(%dma_start3A_446 : memref<1024xf32, #tpu.memory_space<vmem>>) target(%dma_start3A_444 : memref<1024xf32, #tpu.memory_space<hbm>>) target_semaphore(%dma_start3A_441 : memref<!tpu.dma_semaphore, #tpu.memory_space<semaphore_mem>>)
      %dma_start3A_447 = arith.constant 2 : i32
      %dma_start3A_448 = arith.constant 1 : i32
      %dma_start3A_449 = arith.constant 2048 : i32
      %dma_start3A_450 = tpu.memref_slice %arg11[%dma_start3A_449] : memref<8192xf32, #tpu.memory_space<vmem>> -> memref<1024xf32, #tpu.memory_space<vmem>>
      %dma_start3A_451 = arith.constant 0 : i32
      %dma_start3A_452 = tpu.memref_slice %arg5[%add3A_393, %dma_start3A_447, %add3A, %dma_start3A_451] : memref<200x8x32x1024xf32, #tpu.memory_space<hbm>> -> memref<1x1x1x1024xf32, #tpu.memory_space<hbm>>
      %dma_start3A_453 = tpu.memref_squeeze %dma_start3A_452 : memref<1x1x1x1024xf32, #tpu.memory_space<hbm>> -> memref<1024xf32, #tpu.memory_space<hbm>>
      %dma_start3A_454 = tpu.memref_slice %arg13[%dma_start3A_448] : memref<2x!tpu.dma_semaphore, #tpu.memory_space<semaphore_mem>> -> memref<1x!tpu.dma_semaphore, #tpu.memory_space<semaphore_mem>>
      %dma_start3A_455 = tpu.memref_squeeze %dma_start3A_454 : memref<1x!tpu.dma_semaphore, #tpu.memory_space<semaphore_mem>> -> memref<!tpu.dma_semaphore, #tpu.memory_space<semaphore_mem>>
      %dma_start3A_456 = arith.constant 0 : i32
      %dma_start3A_457 = tpu.memref_slice %arg5[%add3A_393, %dma_start3A_447, %add3A, %dma_start3A_456] : memref<200x8x32x1024xf32, #tpu.memory_space<hbm>> -> memref<1x1x1x1024xf32, #tpu.memory_space<hbm>>
      %dma_start3A_458 = tpu.memref_squeeze %dma_start3A_457 : memref<1x1x1x1024xf32, #tpu.memory_space<hbm>> -> memref<1024xf32, #tpu.memory_space<hbm>>
      %dma_start3A_459 = arith.constant 2048 : i32
      %dma_start3A_460 = tpu.memref_slice %arg11[%dma_start3A_459] : memref<8192xf32, #tpu.memory_space<vmem>> -> memref<1024xf32, #tpu.memory_space<vmem>>
      tpu.enqueue_dma source(%dma_start3A_460 : memref<1024xf32, #tpu.memory_space<vmem>>) target(%dma_start3A_458 : memref<1024xf32, #tpu.memory_space<hbm>>) target_semaphore(%dma_start3A_455 : memref<!tpu.dma_semaphore, #tpu.memory_space<semaphore_mem>>)
      %dma_start3A_461 = arith.constant 3 : i32
      %dma_start3A_462 = arith.constant 1 : i32
      %dma_start3A_463 = arith.constant 3072 : i32
      %dma_start3A_464 = tpu.memref_slice %arg11[%dma_start3A_463] : memref<8192xf32, #tpu.memory_space<vmem>> -> memref<1024xf32, #tpu.memory_space<vmem>>
      %dma_start3A_465 = arith.constant 0 : i32
      %dma_start3A_466 = tpu.memref_slice %arg5[%add3A_393, %dma_start3A_461, %add3A, %dma_start3A_465] : memref<200x8x32x1024xf32, #tpu.memory_space<hbm>> -> memref<1x1x1x1024xf32, #tpu.memory_space<hbm>>
      %dma_start3A_467 = tpu.memref_squeeze %dma_start3A_466 : memref<1x1x1x1024xf32, #tpu.memory_space<hbm>> -> memref<1024xf32, #tpu.memory_space<hbm>>
      %dma_start3A_468 = tpu.memref_slice %arg13[%dma_start3A_462] : memref<2x!tpu.dma_semaphore, #tpu.memory_space<semaphore_mem>> -> memref<1x!tpu.dma_semaphore, #tpu.memory_space<semaphore_mem>>
      %dma_start3A_469 = tpu.memref_squeeze %dma_start3A_468 : memref<1x!tpu.dma_semaphore, #tpu.memory_space<semaphore_mem>> -> memref<!tpu.dma_semaphore, #tpu.memory_space<semaphore_mem>>
      %dma_start3A_470 = arith.constant 0 : i32
      %dma_start3A_471 = tpu.memref_slice %arg5[%add3A_393, %dma_start3A_461, %add3A, %dma_start3A_470] : memref<200x8x32x1024xf32, #tpu.memory_space<hbm>> -> memref<1x1x1x1024xf32, #tpu.memory_space<hbm>>
      %dma_start3A_472 = tpu.memref_squeeze %dma_start3A_471 : memref<1x1x1x1024xf32, #tpu.memory_space<hbm>> -> memref<1024xf32, #tpu.memory_space<hbm>>
      %dma_start3A_473 = arith.constant 3072 : i32
      %dma_start3A_474 = tpu.memref_slice %arg11[%dma_start3A_473] : memref<8192xf32, #tpu.memory_space<vmem>> -> memref<1024xf32, #tpu.memory_space<vmem>>
      tpu.enqueue_dma source(%dma_start3A_474 : memref<1024xf32, #tpu.memory_space<vmem>>) target(%dma_start3A_472 : memref<1024xf32, #tpu.memory_space<hbm>>) target_semaphore(%dma_start3A_469 : memref<!tpu.dma_semaphore, #tpu.memory_space<semaphore_mem>>)
      %dma_start3A_475 = arith.constant 4 : i32
      %dma_start3A_476 = arith.constant 1 : i32
      %dma_start3A_477 = arith.constant 4096 : i32
      %dma_start3A_478 = tpu.memref_slice %arg11[%dma_start3A_477] : memref<8192xf32, #tpu.memory_space<vmem>> -> memref<1024xf32, #tpu.memory_space<vmem>>
      %dma_start3A_479 = arith.constant 0 : i32
      %dma_start3A_480 = tpu.memref_slice %arg5[%add3A_393, %dma_start3A_475, %add3A, %dma_start3A_479] : memref<200x8x32x1024xf32, #tpu.memory_space<hbm>> -> memref<1x1x1x1024xf32, #tpu.memory_space<hbm>>
      %dma_start3A_481 = tpu.memref_squeeze %dma_start3A_480 : memref<1x1x1x1024xf32, #tpu.memory_space<hbm>> -> memref<1024xf32, #tpu.memory_space<hbm>>
      %dma_start3A_482 = tpu.memref_slice %arg13[%dma_start3A_476] : memref<2x!tpu.dma_semaphore, #tpu.memory_space<semaphore_mem>> -> memref<1x!tpu.dma_semaphore, #tpu.memory_space<semaphore_mem>>
      %dma_start3A_483 = tpu.memref_squeeze %dma_start3A_482 : memref<1x!tpu.dma_semaphore, #tpu.memory_space<semaphore_mem>> -> memref<!tpu.dma_semaphore, #tpu.memory_space<semaphore_mem>>
      %dma_start3A_484 = arith.constant 0 : i32
      %dma_start3A_485 = tpu.memref_slice %arg5[%add3A_393, %dma_start3A_475, %add3A, %dma_start3A_484] : memref<200x8x32x1024xf32, #tpu.memory_space<hbm>> -> memref<1x1x1x1024xf32, #tpu.memory_space<hbm>>
      %dma_start3A_486 = tpu.memref_squeeze %dma_start3A_485 : memref<1x1x1x1024xf32, #tpu.memory_space<hbm>> -> memref<1024xf32, #tpu.memory_space<hbm>>
      %dma_start3A_487 = arith.constant 4096 : i32
      %dma_start3A_488 = tpu.memref_slice %arg11[%dma_start3A_487] : memref<8192xf32, #tpu.memory_space<vmem>> -> memref<1024xf32, #tpu.memory_space<vmem>>
      tpu.enqueue_dma source(%dma_start3A_488 : memref<1024xf32, #tpu.memory_space<vmem>>) target(%dma_start3A_486 : memref<1024xf32, #tpu.memory_space<hbm>>) target_semaphore(%dma_start3A_483 : memref<!tpu.dma_semaphore, #tpu.memory_space<semaphore_mem>>)
      %dma_start3A_489 = arith.constant 5 : i32
      %dma_start3A_490 = arith.constant 1 : i32
      %dma_start3A_491 = arith.constant 5120 : i32
      %dma_start3A_492 = tpu.memref_slice %arg11[%dma_start3A_491] : memref<8192xf32, #tpu.memory_space<vmem>> -> memref<1024xf32, #tpu.memory_space<vmem>>
      %dma_start3A_493 = arith.constant 0 : i32
      %dma_start3A_494 = tpu.memref_slice %arg5[%add3A_393, %dma_start3A_489, %add3A, %dma_start3A_493] : memref<200x8x32x1024xf32, #tpu.memory_space<hbm>> -> memref<1x1x1x1024xf32, #tpu.memory_space<hbm>>
      %dma_start3A_495 = tpu.memref_squeeze %dma_start3A_494 : memref<1x1x1x1024xf32, #tpu.memory_space<hbm>> -> memref<1024xf32, #tpu.memory_space<hbm>>
      %dma_start3A_496 = tpu.memref_slice %arg13[%dma_start3A_490] : memref<2x!tpu.dma_semaphore, #tpu.memory_space<semaphore_mem>> -> memref<1x!tpu.dma_semaphore, #tpu.memory_space<semaphore_mem>>
      %dma_start3A_497 = tpu.memref_squeeze %dma_start3A_496 : memref<1x!tpu.dma_semaphore, #tpu.memory_space<semaphore_mem>> -> memref<!tpu.dma_semaphore, #tpu.memory_space<semaphore_mem>>
      %dma_start3A_498 = arith.constant 0 : i32
      %dma_start3A_499 = tpu.memref_slice %arg5[%add3A_393, %dma_start3A_489, %add3A, %dma_start3A_498] : memref<200x8x32x1024xf32, #tpu.memory_space<hbm>> -> memref<1x1x1x1024xf32, #tpu.memory_space<hbm>>
      %dma_start3A_500 = tpu.memref_squeeze %dma_start3A_499 : memref<1x1x1x1024xf32, #tpu.memory_space<hbm>> -> memref<1024xf32, #tpu.memory_space<hbm>>
      %dma_start3A_501 = arith.constant 5120 : i32
      %dma_start3A_502 = tpu.memref_slice %arg11[%dma_start3A_501] : memref<8192xf32, #tpu.memory_space<vmem>> -> memref<1024xf32, #tpu.memory_space<vmem>>
      tpu.enqueue_dma source(%dma_start3A_502 : memref<1024xf32, #tpu.memory_space<vmem>>) target(%dma_start3A_500 : memref<1024xf32, #tpu.memory_space<hbm>>) target_semaphore(%dma_start3A_497 : memref<!tpu.dma_semaphore, #tpu.memory_space<semaphore_mem>>)
      %dma_start3A_503 = arith.constant 6 : i32
      %dma_start3A_504 = arith.constant 1 : i32
      %dma_start3A_505 = arith.constant 6144 : i32
      %dma_start3A_506 = tpu.memref_slice %arg11[%dma_start3A_505] : memref<8192xf32, #tpu.memory_space<vmem>> -> memref<1024xf32, #tpu.memory_space<vmem>>
      %dma_start3A_507 = arith.constant 0 : i32
      %dma_start3A_508 = tpu.memref_slice %arg5[%add3A_393, %dma_start3A_503, %add3A, %dma_start3A_507] : memref<200x8x32x1024xf32, #tpu.memory_space<hbm>> -> memref<1x1x1x1024xf32, #tpu.memory_space<hbm>>
      %dma_start3A_509 = tpu.memref_squeeze %dma_start3A_508 : memref<1x1x1x1024xf32, #tpu.memory_space<hbm>> -> memref<1024xf32, #tpu.memory_space<hbm>>
      %dma_start3A_510 = tpu.memref_slice %arg13[%dma_start3A_504] : memref<2x!tpu.dma_semaphore, #tpu.memory_space<semaphore_mem>> -> memref<1x!tpu.dma_semaphore, #tpu.memory_space<semaphore_mem>>
      %dma_start3A_511 = tpu.memref_squeeze %dma_start3A_510 : memref<1x!tpu.dma_semaphore, #tpu.memory_space<semaphore_mem>> -> memref<!tpu.dma_semaphore, #tpu.memory_space<semaphore_mem>>
      %dma_start3A_512 = arith.constant 0 : i32
      %dma_start3A_513 = tpu.memref_slice %arg5[%add3A_393, %dma_start3A_503, %add3A, %dma_start3A_512] : memref<200x8x32x1024xf32, #tpu.memory_space<hbm>> -> memref<1x1x1x1024xf32, #tpu.memory_space<hbm>>
      %dma_start3A_514 = tpu.memref_squeeze %dma_start3A_513 : memref<1x1x1x1024xf32, #tpu.memory_space<hbm>> -> memref<1024xf32, #tpu.memory_space<hbm>>
      %dma_start3A_515 = arith.constant 6144 : i32
      %dma_start3A_516 = tpu.memref_slice %arg11[%dma_start3A_515] : memref<8192xf32, #tpu.memory_space<vmem>> -> memref<1024xf32, #tpu.memory_space<vmem>>
      tpu.enqueue_dma source(%dma_start3A_516 : memref<1024xf32, #tpu.memory_space<vmem>>) target(%dma_start3A_514 : memref<1024xf32, #tpu.memory_space<hbm>>) target_semaphore(%dma_start3A_511 : memref<!tpu.dma_semaphore, #tpu.memory_space<semaphore_mem>>)
      %dma_start3A_517 = arith.constant 7 : i32
      %dma_start3A_518 = arith.constant 1 : i32
      %dma_start3A_519 = arith.constant 7168 : i32
      %dma_start3A_520 = tpu.memref_slice %arg11[%dma_start3A_519] : memref<8192xf32, #tpu.memory_space<vmem>> -> memref<1024xf32, #tpu.memory_space<vmem>>
      %dma_start3A_521 = arith.constant 0 : i32
      %dma_start3A_522 = tpu.memref_slice %arg5[%add3A_393, %dma_start3A_517, %add3A, %dma_start3A_521] : memref<200x8x32x1024xf32, #tpu.memory_space<hbm>> -> memref<1x1x1x1024xf32, #tpu.memory_space<hbm>>
      %dma_start3A_523 = tpu.memref_squeeze %dma_start3A_522 : memref<1x1x1x1024xf32, #tpu.memory_space<hbm>> -> memref<1024xf32, #tpu.memory_space<hbm>>
      %dma_start3A_524 = tpu.memref_slice %arg13[%dma_start3A_518] : memref<2x!tpu.dma_semaphore, #tpu.memory_space<semaphore_mem>> -> memref<1x!tpu.dma_semaphore, #tpu.memory_space<semaphore_mem>>
      %dma_start3A_525 = tpu.memref_squeeze %dma_start3A_524 : memref<1x!tpu.dma_semaphore, #tpu.memory_space<semaphore_mem>> -> memref<!tpu.dma_semaphore, #tpu.memory_space<semaphore_mem>>
      %dma_start3A_526 = arith.constant 0 : i32
      %dma_start3A_527 = tpu.memref_slice %arg5[%add3A_393, %dma_start3A_517, %add3A, %dma_start3A_526] : memref<200x8x32x1024xf32, #tpu.memory_space<hbm>> -> memref<1x1x1x1024xf32, #tpu.memory_space<hbm>>
      %dma_start3A_528 = tpu.memref_squeeze %dma_start3A_527 : memref<1x1x1x1024xf32, #tpu.memory_space<hbm>> -> memref<1024xf32, #tpu.memory_space<hbm>>
      %dma_start3A_529 = arith.constant 7168 : i32
      %dma_start3A_530 = tpu.memref_slice %arg11[%dma_start3A_529] : memref<8192xf32, #tpu.memory_space<vmem>> -> memref<1024xf32, #tpu.memory_space<vmem>>
      tpu.enqueue_dma source(%dma_start3A_530 : memref<1024xf32, #tpu.memory_space<vmem>>) target(%dma_start3A_528 : memref<1024xf32, #tpu.memory_space<hbm>>) target_semaphore(%dma_start3A_525 : memref<!tpu.dma_semaphore, #tpu.memory_space<semaphore_mem>>)
    }
    %scan3A_14 = arith.constant 100 : i32
    %dma_wait3A = arith.constant 198 : i32
    %dma_wait3A_15 = arith.constant 0 : i32
    %dma_wait3A_16 = arith.constant 0 : i32
    %dma_wait3A_17 = arith.constant 0 : i32
    %dma_wait3A_18 = tpu.memref_slice %arg10[%dma_wait3A_17] : memref<8192xf32, #tpu.memory_space<vmem>> -> memref<1024xf32, #tpu.memory_space<vmem>>
    %dma_wait3A_19 = arith.constant 0 : i32
    %dma_wait3A_20 = tpu.memref_slice %arg5[%dma_wait3A, %dma_wait3A_15, %add3A, %dma_wait3A_19] : memref<200x8x32x1024xf32, #tpu.memory_space<hbm>> -> memref<1x1x1x1024xf32, #tpu.memory_space<hbm>>
    %dma_wait3A_21 = tpu.memref_squeeze %dma_wait3A_20 : memref<1x1x1x1024xf32, #tpu.memory_space<hbm>> -> memref<1024xf32, #tpu.memory_space<hbm>>
    %dma_wait3A_22 = tpu.memref_slice %arg13[%dma_wait3A_16] : memref<2x!tpu.dma_semaphore, #tpu.memory_space<semaphore_mem>> -> memref<1x!tpu.dma_semaphore, #tpu.memory_space<semaphore_mem>>
    %dma_wait3A_23 = tpu.memref_squeeze %dma_wait3A_22 : memref<1x!tpu.dma_semaphore, #tpu.memory_space<semaphore_mem>> -> memref<!tpu.dma_semaphore, #tpu.memory_space<semaphore_mem>>
    %dma_wait3A_24 = arith.constant 0 : i32
    %dma_wait3A_25 = tpu.memref_slice %arg5[%dma_wait3A, %dma_wait3A_15, %add3A, %dma_wait3A_24] : memref<200x8x32x1024xf32, #tpu.memory_space<hbm>> -> memref<1x1x1x1024xf32, #tpu.memory_space<hbm>>
    %dma_wait3A_26 = tpu.memref_squeeze %dma_wait3A_25 : memref<1x1x1x1024xf32, #tpu.memory_space<hbm>> -> memref<1024xf32, #tpu.memory_space<hbm>>
    %dma_wait3A_27 = arith.constant 0 : i32
    %dma_wait3A_28 = tpu.memref_slice %arg10[%dma_wait3A_27] : memref<8192xf32, #tpu.memory_space<vmem>> -> memref<1024xf32, #tpu.memory_space<vmem>>
    tpu.wait_dma2 semaphore(%dma_wait3A_23 : memref<!tpu.dma_semaphore, #tpu.memory_space<semaphore_mem>>) src(%dma_wait3A_28 : memref<1024xf32, #tpu.memory_space<vmem>>) dst(%dma_wait3A_26 : memref<1024xf32, #tpu.memory_space<hbm>>)
    %dma_wait3A_29 = arith.constant 198 : i32
    %dma_wait3A_30 = arith.constant 1 : i32
    %dma_wait3A_31 = arith.constant 0 : i32
    %dma_wait3A_32 = arith.constant 1024 : i32
    %dma_wait3A_33 = tpu.memref_slice %arg10[%dma_wait3A_32] : memref<8192xf32, #tpu.memory_space<vmem>> -> memref<1024xf32, #tpu.memory_space<vmem>>
    %dma_wait3A_34 = arith.constant 0 : i32
    %dma_wait3A_35 = tpu.memref_slice %arg5[%dma_wait3A_29, %dma_wait3A_30, %add3A, %dma_wait3A_34] : memref<200x8x32x1024xf32, #tpu.memory_space<hbm>> -> memref<1x1x1x1024xf32, #tpu.memory_space<hbm>>
    %dma_wait3A_36 = tpu.memref_squeeze %dma_wait3A_35 : memref<1x1x1x1024xf32, #tpu.memory_space<hbm>> -> memref<1024xf32, #tpu.memory_space<hbm>>
    %dma_wait3A_37 = tpu.memref_slice %arg13[%dma_wait3A_31] : memref<2x!tpu.dma_semaphore, #tpu.memory_space<semaphore_mem>> -> memref<1x!tpu.dma_semaphore, #tpu.memory_space<semaphore_mem>>
    %dma_wait3A_38 = tpu.memref_squeeze %dma_wait3A_37 : memref<1x!tpu.dma_semaphore, #tpu.memory_space<semaphore_mem>> -> memref<!tpu.dma_semaphore, #tpu.memory_space<semaphore_mem>>
    %dma_wait3A_39 = arith.constant 0 : i32
    %dma_wait3A_40 = tpu.memref_slice %arg5[%dma_wait3A_29, %dma_wait3A_30, %add3A, %dma_wait3A_39] : memref<200x8x32x1024xf32, #tpu.memory_space<hbm>> -> memref<1x1x1x1024xf32, #tpu.memory_space<hbm>>
    %dma_wait3A_41 = tpu.memref_squeeze %dma_wait3A_40 : memref<1x1x1x1024xf32, #tpu.memory_space<hbm>> -> memref<1024xf32, #tpu.memory_space<hbm>>
    %dma_wait3A_42 = arith.constant 1024 : i32
    %dma_wait3A_43 = tpu.memref_slice %arg10[%dma_wait3A_42] : memref<8192xf32, #tpu.memory_space<vmem>> -> memref<1024xf32, #tpu.memory_space<vmem>>
    tpu.wait_dma2 semaphore(%dma_wait3A_38 : memref<!tpu.dma_semaphore, #tpu.memory_space<semaphore_mem>>) src(%dma_wait3A_43 : memref<1024xf32, #tpu.memory_space<vmem>>) dst(%dma_wait3A_41 : memref<1024xf32, #tpu.memory_space<hbm>>)
    %dma_wait3A_44 = arith.constant 198 : i32
    %dma_wait3A_45 = arith.constant 2 : i32
    %dma_wait3A_46 = arith.constant 0 : i32
    %dma_wait3A_47 = arith.constant 2048 : i32
    %dma_wait3A_48 = tpu.memref_slice %arg10[%dma_wait3A_47] : memref<8192xf32, #tpu.memory_space<vmem>> -> memref<1024xf32, #tpu.memory_space<vmem>>
    %dma_wait3A_49 = arith.constant 0 : i32
    %dma_wait3A_50 = tpu.memref_slice %arg5[%dma_wait3A_44, %dma_wait3A_45, %add3A, %dma_wait3A_49] : memref<200x8x32x1024xf32, #tpu.memory_space<hbm>> -> memref<1x1x1x1024xf32, #tpu.memory_space<hbm>>
    %dma_wait3A_51 = tpu.memref_squeeze %dma_wait3A_50 : memref<1x1x1x1024xf32, #tpu.memory_space<hbm>> -> memref<1024xf32, #tpu.memory_space<hbm>>
    %dma_wait3A_52 = tpu.memref_slice %arg13[%dma_wait3A_46] : memref<2x!tpu.dma_semaphore, #tpu.memory_space<semaphore_mem>> -> memref<1x!tpu.dma_semaphore, #tpu.memory_space<semaphore_mem>>
    %dma_wait3A_53 = tpu.memref_squeeze %dma_wait3A_52 : memref<1x!tpu.dma_semaphore, #tpu.memory_space<semaphore_mem>> -> memref<!tpu.dma_semaphore, #tpu.memory_space<semaphore_mem>>
    %dma_wait3A_54 = arith.constant 0 : i32
    %dma_wait3A_55 = tpu.memref_slice %arg5[%dma_wait3A_44, %dma_wait3A_45, %add3A, %dma_wait3A_54] : memref<200x8x32x1024xf32, #tpu.memory_space<hbm>> -> memref<1x1x1x1024xf32, #tpu.memory_space<hbm>>
    %dma_wait3A_56 = tpu.memref_squeeze %dma_wait3A_55 : memref<1x1x1x1024xf32, #tpu.memory_space<hbm>> -> memref<1024xf32, #tpu.memory_space<hbm>>
    %dma_wait3A_57 = arith.constant 2048 : i32
    %dma_wait3A_58 = tpu.memref_slice %arg10[%dma_wait3A_57] : memref<8192xf32, #tpu.memory_space<vmem>> -> memref<1024xf32, #tpu.memory_space<vmem>>
    tpu.wait_dma2 semaphore(%dma_wait3A_53 : memref<!tpu.dma_semaphore, #tpu.memory_space<semaphore_mem>>) src(%dma_wait3A_58 : memref<1024xf32, #tpu.memory_space<vmem>>) dst(%dma_wait3A_56 : memref<1024xf32, #tpu.memory_space<hbm>>)
    %dma_wait3A_59 = arith.constant 198 : i32
    %dma_wait3A_60 = arith.constant 3 : i32
    %dma_wait3A_61 = arith.constant 0 : i32
    %dma_wait3A_62 = arith.constant 3072 : i32
    %dma_wait3A_63 = tpu.memref_slice %arg10[%dma_wait3A_62] : memref<8192xf32, #tpu.memory_space<vmem>> -> memref<1024xf32, #tpu.memory_space<vmem>>
    %dma_wait3A_64 = arith.constant 0 : i32
    %dma_wait3A_65 = tpu.memref_slice %arg5[%dma_wait3A_59, %dma_wait3A_60, %add3A, %dma_wait3A_64] : memref<200x8x32x1024xf32, #tpu.memory_space<hbm>> -> memref<1x1x1x1024xf32, #tpu.memory_space<hbm>>
    %dma_wait3A_66 = tpu.memref_squeeze %dma_wait3A_65 : memref<1x1x1x1024xf32, #tpu.memory_space<hbm>> -> memref<1024xf32, #tpu.memory_space<hbm>>
    %dma_wait3A_67 = tpu.memref_slice %arg13[%dma_wait3A_61] : memref<2x!tpu.dma_semaphore, #tpu.memory_space<semaphore_mem>> -> memref<1x!tpu.dma_semaphore, #tpu.memory_space<semaphore_mem>>
    %dma_wait3A_68 = tpu.memref_squeeze %dma_wait3A_67 : memref<1x!tpu.dma_semaphore, #tpu.memory_space<semaphore_mem>> -> memref<!tpu.dma_semaphore, #tpu.memory_space<semaphore_mem>>
    %dma_wait3A_69 = arith.constant 0 : i32
    %dma_wait3A_70 = tpu.memref_slice %arg5[%dma_wait3A_59, %dma_wait3A_60, %add3A, %dma_wait3A_69] : memref<200x8x32x1024xf32, #tpu.memory_space<hbm>> -> memref<1x1x1x1024xf32, #tpu.memory_space<hbm>>
    %dma_wait3A_71 = tpu.memref_squeeze %dma_wait3A_70 : memref<1x1x1x1024xf32, #tpu.memory_space<hbm>> -> memref<1024xf32, #tpu.memory_space<hbm>>
    %dma_wait3A_72 = arith.constant 3072 : i32
    %dma_wait3A_73 = tpu.memref_slice %arg10[%dma_wait3A_72] : memref<8192xf32, #tpu.memory_space<vmem>> -> memref<1024xf32, #tpu.memory_space<vmem>>
    tpu.wait_dma2 semaphore(%dma_wait3A_68 : memref<!tpu.dma_semaphore, #tpu.memory_space<semaphore_mem>>) src(%dma_wait3A_73 : memref<1024xf32, #tpu.memory_space<vmem>>) dst(%dma_wait3A_71 : memref<1024xf32, #tpu.memory_space<hbm>>)
    %dma_wait3A_74 = arith.constant 198 : i32
    %dma_wait3A_75 = arith.constant 4 : i32
    %dma_wait3A_76 = arith.constant 0 : i32
    %dma_wait3A_77 = arith.constant 4096 : i32
    %dma_wait3A_78 = tpu.memref_slice %arg10[%dma_wait3A_77] : memref<8192xf32, #tpu.memory_space<vmem>> -> memref<1024xf32, #tpu.memory_space<vmem>>
    %dma_wait3A_79 = arith.constant 0 : i32
    %dma_wait3A_80 = tpu.memref_slice %arg5[%dma_wait3A_74, %dma_wait3A_75, %add3A, %dma_wait3A_79] : memref<200x8x32x1024xf32, #tpu.memory_space<hbm>> -> memref<1x1x1x1024xf32, #tpu.memory_space<hbm>>
    %dma_wait3A_81 = tpu.memref_squeeze %dma_wait3A_80 : memref<1x1x1x1024xf32, #tpu.memory_space<hbm>> -> memref<1024xf32, #tpu.memory_space<hbm>>
    %dma_wait3A_82 = tpu.memref_slice %arg13[%dma_wait3A_76] : memref<2x!tpu.dma_semaphore, #tpu.memory_space<semaphore_mem>> -> memref<1x!tpu.dma_semaphore, #tpu.memory_space<semaphore_mem>>
    %dma_wait3A_83 = tpu.memref_squeeze %dma_wait3A_82 : memref<1x!tpu.dma_semaphore, #tpu.memory_space<semaphore_mem>> -> memref<!tpu.dma_semaphore, #tpu.memory_space<semaphore_mem>>
    %dma_wait3A_84 = arith.constant 0 : i32
    %dma_wait3A_85 = tpu.memref_slice %arg5[%dma_wait3A_74, %dma_wait3A_75, %add3A, %dma_wait3A_84] : memref<200x8x32x1024xf32, #tpu.memory_space<hbm>> -> memref<1x1x1x1024xf32, #tpu.memory_space<hbm>>
    %dma_wait3A_86 = tpu.memref_squeeze %dma_wait3A_85 : memref<1x1x1x1024xf32, #tpu.memory_space<hbm>> -> memref<1024xf32, #tpu.memory_space<hbm>>
    %dma_wait3A_87 = arith.constant 4096 : i32
    %dma_wait3A_88 = tpu.memref_slice %arg10[%dma_wait3A_87] : memref<8192xf32, #tpu.memory_space<vmem>> -> memref<1024xf32, #tpu.memory_space<vmem>>
    tpu.wait_dma2 semaphore(%dma_wait3A_83 : memref<!tpu.dma_semaphore, #tpu.memory_space<semaphore_mem>>) src(%dma_wait3A_88 : memref<1024xf32, #tpu.memory_space<vmem>>) dst(%dma_wait3A_86 : memref<1024xf32, #tpu.memory_space<hbm>>)
    %dma_wait3A_89 = arith.constant 198 : i32
    %dma_wait3A_90 = arith.constant 5 : i32
    %dma_wait3A_91 = arith.constant 0 : i32
    %dma_wait3A_92 = arith.constant 5120 : i32
    %dma_wait3A_93 = tpu.memref_slice %arg10[%dma_wait3A_92] : memref<8192xf32, #tpu.memory_space<vmem>> -> memref<1024xf32, #tpu.memory_space<vmem>>
    %dma_wait3A_94 = arith.constant 0 : i32
    %dma_wait3A_95 = tpu.memref_slice %arg5[%dma_wait3A_89, %dma_wait3A_90, %add3A, %dma_wait3A_94] : memref<200x8x32x1024xf32, #tpu.memory_space<hbm>> -> memref<1x1x1x1024xf32, #tpu.memory_space<hbm>>
    %dma_wait3A_96 = tpu.memref_squeeze %dma_wait3A_95 : memref<1x1x1x1024xf32, #tpu.memory_space<hbm>> -> memref<1024xf32, #tpu.memory_space<hbm>>
    %dma_wait3A_97 = tpu.memref_slice %arg13[%dma_wait3A_91] : memref<2x!tpu.dma_semaphore, #tpu.memory_space<semaphore_mem>> -> memref<1x!tpu.dma_semaphore, #tpu.memory_space<semaphore_mem>>
    %dma_wait3A_98 = tpu.memref_squeeze %dma_wait3A_97 : memref<1x!tpu.dma_semaphore, #tpu.memory_space<semaphore_mem>> -> memref<!tpu.dma_semaphore, #tpu.memory_space<semaphore_mem>>
    %dma_wait3A_99 = arith.constant 0 : i32
    %dma_wait3A_100 = tpu.memref_slice %arg5[%dma_wait3A_89, %dma_wait3A_90, %add3A, %dma_wait3A_99] : memref<200x8x32x1024xf32, #tpu.memory_space<hbm>> -> memref<1x1x1x1024xf32, #tpu.memory_space<hbm>>
    %dma_wait3A_101 = tpu.memref_squeeze %dma_wait3A_100 : memref<1x1x1x1024xf32, #tpu.memory_space<hbm>> -> memref<1024xf32, #tpu.memory_space<hbm>>
    %dma_wait3A_102 = arith.constant 5120 : i32
    %dma_wait3A_103 = tpu.memref_slice %arg10[%dma_wait3A_102] : memref<8192xf32, #tpu.memory_space<vmem>> -> memref<1024xf32, #tpu.memory_space<vmem>>
    tpu.wait_dma2 semaphore(%dma_wait3A_98 : memref<!tpu.dma_semaphore, #tpu.memory_space<semaphore_mem>>) src(%dma_wait3A_103 : memref<1024xf32, #tpu.memory_space<vmem>>) dst(%dma_wait3A_101 : memref<1024xf32, #tpu.memory_space<hbm>>)
    %dma_wait3A_104 = arith.constant 198 : i32
    %dma_wait3A_105 = arith.constant 6 : i32
    %dma_wait3A_106 = arith.constant 0 : i32
    %dma_wait3A_107 = arith.constant 6144 : i32
    %dma_wait3A_108 = tpu.memref_slice %arg10[%dma_wait3A_107] : memref<8192xf32, #tpu.memory_space<vmem>> -> memref<1024xf32, #tpu.memory_space<vmem>>
    %dma_wait3A_109 = arith.constant 0 : i32
    %dma_wait3A_110 = tpu.memref_slice %arg5[%dma_wait3A_104, %dma_wait3A_105, %add3A, %dma_wait3A_109] : memref<200x8x32x1024xf32, #tpu.memory_space<hbm>> -> memref<1x1x1x1024xf32, #tpu.memory_space<hbm>>
    %dma_wait3A_111 = tpu.memref_squeeze %dma_wait3A_110 : memref<1x1x1x1024xf32, #tpu.memory_space<hbm>> -> memref<1024xf32, #tpu.memory_space<hbm>>
    %dma_wait3A_112 = tpu.memref_slice %arg13[%dma_wait3A_106] : memref<2x!tpu.dma_semaphore, #tpu.memory_space<semaphore_mem>> -> memref<1x!tpu.dma_semaphore, #tpu.memory_space<semaphore_mem>>
    %dma_wait3A_113 = tpu.memref_squeeze %dma_wait3A_112 : memref<1x!tpu.dma_semaphore, #tpu.memory_space<semaphore_mem>> -> memref<!tpu.dma_semaphore, #tpu.memory_space<semaphore_mem>>
    %dma_wait3A_114 = arith.constant 0 : i32
    %dma_wait3A_115 = tpu.memref_slice %arg5[%dma_wait3A_104, %dma_wait3A_105, %add3A, %dma_wait3A_114] : memref<200x8x32x1024xf32, #tpu.memory_space<hbm>> -> memref<1x1x1x1024xf32, #tpu.memory_space<hbm>>
    %dma_wait3A_116 = tpu.memref_squeeze %dma_wait3A_115 : memref<1x1x1x1024xf32, #tpu.memory_space<hbm>> -> memref<1024xf32, #tpu.memory_space<hbm>>
    %dma_wait3A_117 = arith.constant 6144 : i32
    %dma_wait3A_118 = tpu.memref_slice %arg10[%dma_wait3A_117] : memref<8192xf32, #tpu.memory_space<vmem>> -> memref<1024xf32, #tpu.memory_space<vmem>>
    tpu.wait_dma2 semaphore(%dma_wait3A_113 : memref<!tpu.dma_semaphore, #tpu.memory_space<semaphore_mem>>) src(%dma_wait3A_118 : memref<1024xf32, #tpu.memory_space<vmem>>) dst(%dma_wait3A_116 : memref<1024xf32, #tpu.memory_space<hbm>>)
    %dma_wait3A_119 = arith.constant 198 : i32
    %dma_wait3A_120 = arith.constant 7 : i32
    %dma_wait3A_121 = arith.constant 0 : i32
    %dma_wait3A_122 = arith.constant 7168 : i32
    %dma_wait3A_123 = tpu.memref_slice %arg10[%dma_wait3A_122] : memref<8192xf32, #tpu.memory_space<vmem>> -> memref<1024xf32, #tpu.memory_space<vmem>>
    %dma_wait3A_124 = arith.constant 0 : i32
    %dma_wait3A_125 = tpu.memref_slice %arg5[%dma_wait3A_119, %dma_wait3A_120, %add3A, %dma_wait3A_124] : memref<200x8x32x1024xf32, #tpu.memory_space<hbm>> -> memref<1x1x1x1024xf32, #tpu.memory_space<hbm>>
    %dma_wait3A_126 = tpu.memref_squeeze %dma_wait3A_125 : memref<1x1x1x1024xf32, #tpu.memory_space<hbm>> -> memref<1024xf32, #tpu.memory_space<hbm>>
    %dma_wait3A_127 = tpu.memref_slice %arg13[%dma_wait3A_121] : memref<2x!tpu.dma_semaphore, #tpu.memory_space<semaphore_mem>> -> memref<1x!tpu.dma_semaphore, #tpu.memory_space<semaphore_mem>>
    %dma_wait3A_128 = tpu.memref_squeeze %dma_wait3A_127 : memref<1x!tpu.dma_semaphore, #tpu.memory_space<semaphore_mem>> -> memref<!tpu.dma_semaphore, #tpu.memory_space<semaphore_mem>>
    %dma_wait3A_129 = arith.constant 0 : i32
    %dma_wait3A_130 = tpu.memref_slice %arg5[%dma_wait3A_119, %dma_wait3A_120, %add3A, %dma_wait3A_129] : memref<200x8x32x1024xf32, #tpu.memory_space<hbm>> -> memref<1x1x1x1024xf32, #tpu.memory_space<hbm>>
    %dma_wait3A_131 = tpu.memref_squeeze %dma_wait3A_130 : memref<1x1x1x1024xf32, #tpu.memory_space<hbm>> -> memref<1024xf32, #tpu.memory_space<hbm>>
    %dma_wait3A_132 = arith.constant 7168 : i32
    %dma_wait3A_133 = tpu.memref_slice %arg10[%dma_wait3A_132] : memref<8192xf32, #tpu.memory_space<vmem>> -> memref<1024xf32, #tpu.memory_space<vmem>>
    tpu.wait_dma2 semaphore(%dma_wait3A_128 : memref<!tpu.dma_semaphore, #tpu.memory_space<semaphore_mem>>) src(%dma_wait3A_133 : memref<1024xf32, #tpu.memory_space<vmem>>) dst(%dma_wait3A_131 : memref<1024xf32, #tpu.memory_space<hbm>>)
    %dma_wait3A_134 = arith.constant 199 : i32
    %dma_wait3A_135 = arith.constant 0 : i32
    %dma_wait3A_136 = arith.constant 1 : i32
    %dma_wait3A_137 = arith.constant 0 : i32
    %dma_wait3A_138 = tpu.memref_slice %arg11[%dma_wait3A_137] : memref<8192xf32, #tpu.memory_space<vmem>> -> memref<1024xf32, #tpu.memory_space<vmem>>
    %dma_wait3A_139 = arith.constant 0 : i32
    %dma_wait3A_140 = tpu.memref_slice %arg5[%dma_wait3A_134, %dma_wait3A_135, %add3A, %dma_wait3A_139] : memref<200x8x32x1024xf32, #tpu.memory_space<hbm>> -> memref<1x1x1x1024xf32, #tpu.memory_space<hbm>>
    %dma_wait3A_141 = tpu.memref_squeeze %dma_wait3A_140 : memref<1x1x1x1024xf32, #tpu.memory_space<hbm>> -> memref<1024xf32, #tpu.memory_space<hbm>>
    %dma_wait3A_142 = tpu.memref_slice %arg13[%dma_wait3A_136] : memref<2x!tpu.dma_semaphore, #tpu.memory_space<semaphore_mem>> -> memref<1x!tpu.dma_semaphore, #tpu.memory_space<semaphore_mem>>
    %dma_wait3A_143 = tpu.memref_squeeze %dma_wait3A_142 : memref<1x!tpu.dma_semaphore, #tpu.memory_space<semaphore_mem>> -> memref<!tpu.dma_semaphore, #tpu.memory_space<semaphore_mem>>
    %dma_wait3A_144 = arith.constant 0 : i32
    %dma_wait3A_145 = tpu.memref_slice %arg5[%dma_wait3A_134, %dma_wait3A_135, %add3A, %dma_wait3A_144] : memref<200x8x32x1024xf32, #tpu.memory_space<hbm>> -> memref<1x1x1x1024xf32, #tpu.memory_space<hbm>>
    %dma_wait3A_146 = tpu.memref_squeeze %dma_wait3A_145 : memref<1x1x1x1024xf32, #tpu.memory_space<hbm>> -> memref<1024xf32, #tpu.memory_space<hbm>>
    %dma_wait3A_147 = arith.constant 0 : i32
    %dma_wait3A_148 = tpu.memref_slice %arg11[%dma_wait3A_147] : memref<8192xf32, #tpu.memory_space<vmem>> -> memref<1024xf32, #tpu.memory_space<vmem>>
    tpu.wait_dma2 semaphore(%dma_wait3A_143 : memref<!tpu.dma_semaphore, #tpu.memory_space<semaphore_mem>>) src(%dma_wait3A_148 : memref<1024xf32, #tpu.memory_space<vmem>>) dst(%dma_wait3A_146 : memref<1024xf32, #tpu.memory_space<hbm>>)
    %dma_wait3A_149 = arith.constant 199 : i32
    %dma_wait3A_150 = arith.constant 1 : i32
    %dma_wait3A_151 = arith.constant 1 : i32
    %dma_wait3A_152 = arith.constant 1024 : i32
    %dma_wait3A_153 = tpu.memref_slice %arg11[%dma_wait3A_152] : memref<8192xf32, #tpu.memory_space<vmem>> -> memref<1024xf32, #tpu.memory_space<vmem>>
    %dma_wait3A_154 = arith.constant 0 : i32
    %dma_wait3A_155 = tpu.memref_slice %arg5[%dma_wait3A_149, %dma_wait3A_150, %add3A, %dma_wait3A_154] : memref<200x8x32x1024xf32, #tpu.memory_space<hbm>> -> memref<1x1x1x1024xf32, #tpu.memory_space<hbm>>
    %dma_wait3A_156 = tpu.memref_squeeze %dma_wait3A_155 : memref<1x1x1x1024xf32, #tpu.memory_space<hbm>> -> memref<1024xf32, #tpu.memory_space<hbm>>
    %dma_wait3A_157 = tpu.memref_slice %arg13[%dma_wait3A_151] : memref<2x!tpu.dma_semaphore, #tpu.memory_space<semaphore_mem>> -> memref<1x!tpu.dma_semaphore, #tpu.memory_space<semaphore_mem>>
    %dma_wait3A_158 = tpu.memref_squeeze %dma_wait3A_157 : memref<1x!tpu.dma_semaphore, #tpu.memory_space<semaphore_mem>> -> memref<!tpu.dma_semaphore, #tpu.memory_space<semaphore_mem>>
    %dma_wait3A_159 = arith.constant 0 : i32
    %dma_wait3A_160 = tpu.memref_slice %arg5[%dma_wait3A_149, %dma_wait3A_150, %add3A, %dma_wait3A_159] : memref<200x8x32x1024xf32, #tpu.memory_space<hbm>> -> memref<1x1x1x1024xf32, #tpu.memory_space<hbm>>
    %dma_wait3A_161 = tpu.memref_squeeze %dma_wait3A_160 : memref<1x1x1x1024xf32, #tpu.memory_space<hbm>> -> memref<1024xf32, #tpu.memory_space<hbm>>
    %dma_wait3A_162 = arith.constant 1024 : i32
    %dma_wait3A_163 = tpu.memref_slice %arg11[%dma_wait3A_162] : memref<8192xf32, #tpu.memory_space<vmem>> -> memref<1024xf32, #tpu.memory_space<vmem>>
    tpu.wait_dma2 semaphore(%dma_wait3A_158 : memref<!tpu.dma_semaphore, #tpu.memory_space<semaphore_mem>>) src(%dma_wait3A_163 : memref<1024xf32, #tpu.memory_space<vmem>>) dst(%dma_wait3A_161 : memref<1024xf32, #tpu.memory_space<hbm>>)
    %dma_wait3A_164 = arith.constant 199 : i32
    %dma_wait3A_165 = arith.constant 2 : i32
    %dma_wait3A_166 = arith.constant 1 : i32
    %dma_wait3A_167 = arith.constant 2048 : i32
    %dma_wait3A_168 = tpu.memref_slice %arg11[%dma_wait3A_167] : memref<8192xf32, #tpu.memory_space<vmem>> -> memref<1024xf32, #tpu.memory_space<vmem>>
    %dma_wait3A_169 = arith.constant 0 : i32
    %dma_wait3A_170 = tpu.memref_slice %arg5[%dma_wait3A_164, %dma_wait3A_165, %add3A, %dma_wait3A_169] : memref<200x8x32x1024xf32, #tpu.memory_space<hbm>> -> memref<1x1x1x1024xf32, #tpu.memory_space<hbm>>
    %dma_wait3A_171 = tpu.memref_squeeze %dma_wait3A_170 : memref<1x1x1x1024xf32, #tpu.memory_space<hbm>> -> memref<1024xf32, #tpu.memory_space<hbm>>
    %dma_wait3A_172 = tpu.memref_slice %arg13[%dma_wait3A_166] : memref<2x!tpu.dma_semaphore, #tpu.memory_space<semaphore_mem>> -> memref<1x!tpu.dma_semaphore, #tpu.memory_space<semaphore_mem>>
    %dma_wait3A_173 = tpu.memref_squeeze %dma_wait3A_172 : memref<1x!tpu.dma_semaphore, #tpu.memory_space<semaphore_mem>> -> memref<!tpu.dma_semaphore, #tpu.memory_space<semaphore_mem>>
    %dma_wait3A_174 = arith.constant 0 : i32
    %dma_wait3A_175 = tpu.memref_slice %arg5[%dma_wait3A_164, %dma_wait3A_165, %add3A, %dma_wait3A_174] : memref<200x8x32x1024xf32, #tpu.memory_space<hbm>> -> memref<1x1x1x1024xf32, #tpu.memory_space<hbm>>
    %dma_wait3A_176 = tpu.memref_squeeze %dma_wait3A_175 : memref<1x1x1x1024xf32, #tpu.memory_space<hbm>> -> memref<1024xf32, #tpu.memory_space<hbm>>
    %dma_wait3A_177 = arith.constant 2048 : i32
    %dma_wait3A_178 = tpu.memref_slice %arg11[%dma_wait3A_177] : memref<8192xf32, #tpu.memory_space<vmem>> -> memref<1024xf32, #tpu.memory_space<vmem>>
    tpu.wait_dma2 semaphore(%dma_wait3A_173 : memref<!tpu.dma_semaphore, #tpu.memory_space<semaphore_mem>>) src(%dma_wait3A_178 : memref<1024xf32, #tpu.memory_space<vmem>>) dst(%dma_wait3A_176 : memref<1024xf32, #tpu.memory_space<hbm>>)
    %dma_wait3A_179 = arith.constant 199 : i32
    %dma_wait3A_180 = arith.constant 3 : i32
    %dma_wait3A_181 = arith.constant 1 : i32
    %dma_wait3A_182 = arith.constant 3072 : i32
    %dma_wait3A_183 = tpu.memref_slice %arg11[%dma_wait3A_182] : memref<8192xf32, #tpu.memory_space<vmem>> -> memref<1024xf32, #tpu.memory_space<vmem>>
    %dma_wait3A_184 = arith.constant 0 : i32
    %dma_wait3A_185 = tpu.memref_slice %arg5[%dma_wait3A_179, %dma_wait3A_180, %add3A, %dma_wait3A_184] : memref<200x8x32x1024xf32, #tpu.memory_space<hbm>> -> memref<1x1x1x1024xf32, #tpu.memory_space<hbm>>
    %dma_wait3A_186 = tpu.memref_squeeze %dma_wait3A_185 : memref<1x1x1x1024xf32, #tpu.memory_space<hbm>> -> memref<1024xf32, #tpu.memory_space<hbm>>
    %dma_wait3A_187 = tpu.memref_slice %arg13[%dma_wait3A_181] : memref<2x!tpu.dma_semaphore, #tpu.memory_space<semaphore_mem>> -> memref<1x!tpu.dma_semaphore, #tpu.memory_space<semaphore_mem>>
    %dma_wait3A_188 = tpu.memref_squeeze %dma_wait3A_187 : memref<1x!tpu.dma_semaphore, #tpu.memory_space<semaphore_mem>> -> memref<!tpu.dma_semaphore, #tpu.memory_space<semaphore_mem>>
    %dma_wait3A_189 = arith.constant 0 : i32
    %dma_wait3A_190 = tpu.memref_slice %arg5[%dma_wait3A_179, %dma_wait3A_180, %add3A, %dma_wait3A_189] : memref<200x8x32x1024xf32, #tpu.memory_space<hbm>> -> memref<1x1x1x1024xf32, #tpu.memory_space<hbm>>
    %dma_wait3A_191 = tpu.memref_squeeze %dma_wait3A_190 : memref<1x1x1x1024xf32, #tpu.memory_space<hbm>> -> memref<1024xf32, #tpu.memory_space<hbm>>
    %dma_wait3A_192 = arith.constant 3072 : i32
    %dma_wait3A_193 = tpu.memref_slice %arg11[%dma_wait3A_192] : memref<8192xf32, #tpu.memory_space<vmem>> -> memref<1024xf32, #tpu.memory_space<vmem>>
    tpu.wait_dma2 semaphore(%dma_wait3A_188 : memref<!tpu.dma_semaphore, #tpu.memory_space<semaphore_mem>>) src(%dma_wait3A_193 : memref<1024xf32, #tpu.memory_space<vmem>>) dst(%dma_wait3A_191 : memref<1024xf32, #tpu.memory_space<hbm>>)
    %dma_wait3A_194 = arith.constant 199 : i32
    %dma_wait3A_195 = arith.constant 4 : i32
    %dma_wait3A_196 = arith.constant 1 : i32
    %dma_wait3A_197 = arith.constant 4096 : i32
    %dma_wait3A_198 = tpu.memref_slice %arg11[%dma_wait3A_197] : memref<8192xf32, #tpu.memory_space<vmem>> -> memref<1024xf32, #tpu.memory_space<vmem>>
    %dma_wait3A_199 = arith.constant 0 : i32
    %dma_wait3A_200 = tpu.memref_slice %arg5[%dma_wait3A_194, %dma_wait3A_195, %add3A, %dma_wait3A_199] : memref<200x8x32x1024xf32, #tpu.memory_space<hbm>> -> memref<1x1x1x1024xf32, #tpu.memory_space<hbm>>
    %dma_wait3A_201 = tpu.memref_squeeze %dma_wait3A_200 : memref<1x1x1x1024xf32, #tpu.memory_space<hbm>> -> memref<1024xf32, #tpu.memory_space<hbm>>
    %dma_wait3A_202 = tpu.memref_slice %arg13[%dma_wait3A_196] : memref<2x!tpu.dma_semaphore, #tpu.memory_space<semaphore_mem>> -> memref<1x!tpu.dma_semaphore, #tpu.memory_space<semaphore_mem>>
    %dma_wait3A_203 = tpu.memref_squeeze %dma_wait3A_202 : memref<1x!tpu.dma_semaphore, #tpu.memory_space<semaphore_mem>> -> memref<!tpu.dma_semaphore, #tpu.memory_space<semaphore_mem>>
    %dma_wait3A_204 = arith.constant 0 : i32
    %dma_wait3A_205 = tpu.memref_slice %arg5[%dma_wait3A_194, %dma_wait3A_195, %add3A, %dma_wait3A_204] : memref<200x8x32x1024xf32, #tpu.memory_space<hbm>> -> memref<1x1x1x1024xf32, #tpu.memory_space<hbm>>
    %dma_wait3A_206 = tpu.memref_squeeze %dma_wait3A_205 : memref<1x1x1x1024xf32, #tpu.memory_space<hbm>> -> memref<1024xf32, #tpu.memory_space<hbm>>
    %dma_wait3A_207 = arith.constant 4096 : i32
    %dma_wait3A_208 = tpu.memref_slice %arg11[%dma_wait3A_207] : memref<8192xf32, #tpu.memory_space<vmem>> -> memref<1024xf32, #tpu.memory_space<vmem>>
    tpu.wait_dma2 semaphore(%dma_wait3A_203 : memref<!tpu.dma_semaphore, #tpu.memory_space<semaphore_mem>>) src(%dma_wait3A_208 : memref<1024xf32, #tpu.memory_space<vmem>>) dst(%dma_wait3A_206 : memref<1024xf32, #tpu.memory_space<hbm>>)
    %dma_wait3A_209 = arith.constant 199 : i32
    %dma_wait3A_210 = arith.constant 5 : i32
    %dma_wait3A_211 = arith.constant 1 : i32
    %dma_wait3A_212 = arith.constant 5120 : i32
    %dma_wait3A_213 = tpu.memref_slice %arg11[%dma_wait3A_212] : memref<8192xf32, #tpu.memory_space<vmem>> -> memref<1024xf32, #tpu.memory_space<vmem>>
    %dma_wait3A_214 = arith.constant 0 : i32
    %dma_wait3A_215 = tpu.memref_slice %arg5[%dma_wait3A_209, %dma_wait3A_210, %add3A, %dma_wait3A_214] : memref<200x8x32x1024xf32, #tpu.memory_space<hbm>> -> memref<1x1x1x1024xf32, #tpu.memory_space<hbm>>
    %dma_wait3A_216 = tpu.memref_squeeze %dma_wait3A_215 : memref<1x1x1x1024xf32, #tpu.memory_space<hbm>> -> memref<1024xf32, #tpu.memory_space<hbm>>
    %dma_wait3A_217 = tpu.memref_slice %arg13[%dma_wait3A_211] : memref<2x!tpu.dma_semaphore, #tpu.memory_space<semaphore_mem>> -> memref<1x!tpu.dma_semaphore, #tpu.memory_space<semaphore_mem>>
    %dma_wait3A_218 = tpu.memref_squeeze %dma_wait3A_217 : memref<1x!tpu.dma_semaphore, #tpu.memory_space<semaphore_mem>> -> memref<!tpu.dma_semaphore, #tpu.memory_space<semaphore_mem>>
    %dma_wait3A_219 = arith.constant 0 : i32
    %dma_wait3A_220 = tpu.memref_slice %arg5[%dma_wait3A_209, %dma_wait3A_210, %add3A, %dma_wait3A_219] : memref<200x8x32x1024xf32, #tpu.memory_space<hbm>> -> memref<1x1x1x1024xf32, #tpu.memory_space<hbm>>
    %dma_wait3A_221 = tpu.memref_squeeze %dma_wait3A_220 : memref<1x1x1x1024xf32, #tpu.memory_space<hbm>> -> memref<1024xf32, #tpu.memory_space<hbm>>
    %dma_wait3A_222 = arith.constant 5120 : i32
    %dma_wait3A_223 = tpu.memref_slice %arg11[%dma_wait3A_222] : memref<8192xf32, #tpu.memory_space<vmem>> -> memref<1024xf32, #tpu.memory_space<vmem>>
    tpu.wait_dma2 semaphore(%dma_wait3A_218 : memref<!tpu.dma_semaphore, #tpu.memory_space<semaphore_mem>>) src(%dma_wait3A_223 : memref<1024xf32, #tpu.memory_space<vmem>>) dst(%dma_wait3A_221 : memref<1024xf32, #tpu.memory_space<hbm>>)
    %dma_wait3A_224 = arith.constant 199 : i32
    %dma_wait3A_225 = arith.constant 6 : i32
    %dma_wait3A_226 = arith.constant 1 : i32
    %dma_wait3A_227 = arith.constant 6144 : i32
    %dma_wait3A_228 = tpu.memref_slice %arg11[%dma_wait3A_227] : memref<8192xf32, #tpu.memory_space<vmem>> -> memref<1024xf32, #tpu.memory_space<vmem>>
    %dma_wait3A_229 = arith.constant 0 : i32
    %dma_wait3A_230 = tpu.memref_slice %arg5[%dma_wait3A_224, %dma_wait3A_225, %add3A, %dma_wait3A_229] : memref<200x8x32x1024xf32, #tpu.memory_space<hbm>> -> memref<1x1x1x1024xf32, #tpu.memory_space<hbm>>
    %dma_wait3A_231 = tpu.memref_squeeze %dma_wait3A_230 : memref<1x1x1x1024xf32, #tpu.memory_space<hbm>> -> memref<1024xf32, #tpu.memory_space<hbm>>
    %dma_wait3A_232 = tpu.memref_slice %arg13[%dma_wait3A_226] : memref<2x!tpu.dma_semaphore, #tpu.memory_space<semaphore_mem>> -> memref<1x!tpu.dma_semaphore, #tpu.memory_space<semaphore_mem>>
    %dma_wait3A_233 = tpu.memref_squeeze %dma_wait3A_232 : memref<1x!tpu.dma_semaphore, #tpu.memory_space<semaphore_mem>> -> memref<!tpu.dma_semaphore, #tpu.memory_space<semaphore_mem>>
    %dma_wait3A_234 = arith.constant 0 : i32
    %dma_wait3A_235 = tpu.memref_slice %arg5[%dma_wait3A_224, %dma_wait3A_225, %add3A, %dma_wait3A_234] : memref<200x8x32x1024xf32, #tpu.memory_space<hbm>> -> memref<1x1x1x1024xf32, #tpu.memory_space<hbm>>
    %dma_wait3A_236 = tpu.memref_squeeze %dma_wait3A_235 : memref<1x1x1x1024xf32, #tpu.memory_space<hbm>> -> memref<1024xf32, #tpu.memory_space<hbm>>
    %dma_wait3A_237 = arith.constant 6144 : i32
    %dma_wait3A_238 = tpu.memref_slice %arg11[%dma_wait3A_237] : memref<8192xf32, #tpu.memory_space<vmem>> -> memref<1024xf32, #tpu.memory_space<vmem>>
    tpu.wait_dma2 semaphore(%dma_wait3A_233 : memref<!tpu.dma_semaphore, #tpu.memory_space<semaphore_mem>>) src(%dma_wait3A_238 : memref<1024xf32, #tpu.memory_space<vmem>>) dst(%dma_wait3A_236 : memref<1024xf32, #tpu.memory_space<hbm>>)
    %dma_wait3A_239 = arith.constant 199 : i32
    %dma_wait3A_240 = arith.constant 7 : i32
    %dma_wait3A_241 = arith.constant 1 : i32
    %dma_wait3A_242 = arith.constant 7168 : i32
    %dma_wait3A_243 = tpu.memref_slice %arg11[%dma_wait3A_242] : memref<8192xf32, #tpu.memory_space<vmem>> -> memref<1024xf32, #tpu.memory_space<vmem>>
    %dma_wait3A_244 = arith.constant 0 : i32
    %dma_wait3A_245 = tpu.memref_slice %arg5[%dma_wait3A_239, %dma_wait3A_240, %add3A, %dma_wait3A_244] : memref<200x8x32x1024xf32, #tpu.memory_space<hbm>> -> memref<1x1x1x1024xf32, #tpu.memory_space<hbm>>
    %dma_wait3A_246 = tpu.memref_squeeze %dma_wait3A_245 : memref<1x1x1x1024xf32, #tpu.memory_space<hbm>> -> memref<1024xf32, #tpu.memory_space<hbm>>
    %dma_wait3A_247 = tpu.memref_slice %arg13[%dma_wait3A_241] : memref<2x!tpu.dma_semaphore, #tpu.memory_space<semaphore_mem>> -> memref<1x!tpu.dma_semaphore, #tpu.memory_space<semaphore_mem>>
    %dma_wait3A_248 = tpu.memref_squeeze %dma_wait3A_247 : memref<1x!tpu.dma_semaphore, #tpu.memory_space<semaphore_mem>> -> memref<!tpu.dma_semaphore, #tpu.memory_space<semaphore_mem>>
    %dma_wait3A_249 = arith.constant 0 : i32
    %dma_wait3A_250 = tpu.memref_slice %arg5[%dma_wait3A_239, %dma_wait3A_240, %add3A, %dma_wait3A_249] : memref<200x8x32x1024xf32, #tpu.memory_space<hbm>> -> memref<1x1x1x1024xf32, #tpu.memory_space<hbm>>
    %dma_wait3A_251 = tpu.memref_squeeze %dma_wait3A_250 : memref<1x1x1x1024xf32, #tpu.memory_space<hbm>> -> memref<1024xf32, #tpu.memory_space<hbm>>
    %dma_wait3A_252 = arith.constant 7168 : i32
    %dma_wait3A_253 = tpu.memref_slice %arg11[%dma_wait3A_252] : memref<8192xf32, #tpu.memory_space<vmem>> -> memref<1024xf32, #tpu.memory_space<vmem>>
    tpu.wait_dma2 semaphore(%dma_wait3A_248 : memref<!tpu.dma_semaphore, #tpu.memory_space<semaphore_mem>>) src(%dma_wait3A_253 : memref<1024xf32, #tpu.memory_space<vmem>>) dst(%dma_wait3A_251 : memref<1024xf32, #tpu.memory_space<hbm>>)
    return
  }
}

</mosaic_0001>

<sc_bundles>
// kernel: _run.3.cloned.1.call-start
scs
__scs_entry_jumppad:
0x0: {  	(pc) =	sbr.rel $0x88, $3  }
0x1: {  	(tag) =	ssettag $0x0;
	lr =	simm.s32 $0x1  }
0x2: {  	[smem:$0x3F9E] =	sst lr;
	_ =	strace $0xD0000000  }
0x3: {  	_ = 	snop  }
0x4: {  	_ = 	snop  }
0x5: {  	_ = 	snop  }
0x6: {  	_ = 	snop  }
0x7: {  	_ = 	snop  }
__scs_overlays_trampoline_lowered:
0x8: {  	[smem:$0x3FAD] =	sst s0  }
0x9: {  	[smem:$0x3FAE] =	sst s1  }
0xa: {  	[smem:$0x3FAF] =	sst s2  }
0xb: {  	[smem:$0x3FB0] =	sst s3  }
0xc: {  	[smem:$0x3FB1] =	sst s4  }
0xd: {  	[smem:$0x3FB2] =	sst s5  }
0xe: {  	[smem:$0x3FB3] =	sst s6  }
0xf: {  	[smem:$0x3FB4] =	sst s7  }
0x10: {  	[smem:$0x3FB5] =	sst s8  }
0x11: {  	[smem:$0x3FB6] =	sst s9;
	s0 =	simm.s32 @!p0 $0x0  }
0x12: {  	s1 =	sld [smem:$0x3F9C];
	s0 =	simm.s32 @p0 $0x1  }
0x13: {  	[smem:$0x3FB7] =	sst s0;
	s0 =	simm.s32 @!p1 $0x0  }
0x14: {  	s2 =	sld [smem:$0x3F9B];
	s0 =	simm.s32 @p1 $0x1  }
0x15: {  	[smem:$0x3FB8] =	sst s0;
	s0 =	simm.s32 @!p2 $0x0  }
0x16: {  	s3 =	sld [smem:$0x3FDB];
	s0 =	simm.s32 @p2 $0x1  }
0x17: {  	s4 =	simm.s32 $0x1BF5;
	[smem:$0x3FBA] =	sst s0  }
0x18: {  	s0 =	sld [smem:$0x3F9D];
	_ =	swait.ge [sflag:s4], $0x0  }
0x19: {  	s7 =	sld [smem:$0x3F9E]  }
0x1a: {  	s8 =	sadd.s32 $0xFFFFE003, lr  }
0x1b: {  	s9 =	sadd.s32 $0xFFFFFEF7, lr;
	s5 =	simm.s32 $0xFFFFFFFF;
	p2 =	slt.u32 s8, $0xFFFFF086  }
0x1c: {  	p1 =	slt.u32 s9, $0xF7A;
	s5 =	simm.s32 @!p2 $0x0  }
0x1d: {  	s5 =	simm.s32 @p1 $0x1;
	p0 =	seq.s32 s7, s2  }
0x1e: {  	s7 =	smul.u32 @!p0 $0xF7A, s2;
	p2 =	seq.s32 @!p0 s5, $0x0  }
0x1f: {  	s9 =	smul.u32 $0xF7A, s1;
	s8 =	simm.s32 @!p0 $0x1BF5;
	p2 =	por !p2, p0  }
0x20: {  	[sflag:s8] =	ssyncset.s32 @!p0 $0xFFFFF086;
	s6 =	sadd.s32 @!p0 s3, s7;
	s7 =	simm.s32 @!p0 $0x108  }
0x21: {  	s3 =	sadd.s32 s3, s9;
	s6 =	sadd.s32 @!p0 $0x88, s6;
	s7 =	simm.s32 @p2 $0x1082  }
0x22: {  	[simem:s7], [sflag:s8] =	dma.local @!p0 [hbm:s6], $0xF7A  }
0x23: {  	s9 =	sor.u32 $0xD0000000, s2;
	s6 =	simm.s32 $0x108;
	_ =	swait.ge @!p0 [sflag:s8], $0x0  }
0x24: {  	s3 =	sadd.s32 $0x88, s3;
	s6 =	simm.s32 @!p1 $0x1082;
	[sflag:s4] =	ssyncset.s32 $0xFFFFF086  }
0x25: {  	[simem:s6], [sflag:s4] =	dma.local [hbm:s3], $0xF7A  }
0x26: {  	[smem:$0x3F9E] =	sst s1;
	(tag) =	ssettag s2;
	_ =	strace s9  }
0x27: {  	s1 =	sld [smem:$0x3FAE]  }
0x28: {  	s2 =	sld [smem:$0x3FAF]  }
0x29: {  	s4 =	sld [smem:$0x3FB1]  }
0x2a: {  	p0 =	seq.s32 s5, $0x0;
	s5 =	sld [smem:$0x3FB2]  }
0x2b: {  	s6 =	sld [smem:$0x3FB3]  }
0x2c: {  	s7 =	sld [smem:$0x3FB4]  }
0x2d: {  	s3 =	simm.s32 $0x108;
	s8 =	sld [smem:$0x3FB5]  }
0x2e: {  	s3 =	simm.s32 @!p0 $0x1082;
	s9 =	sld [smem:$0x3FB6]  }
0x2f: {  	lr =	sadd.s32 s0, s3;
	s0 =	sld [smem:$0x3FAD]  }
0x30: {  	s3 =	sld [smem:$0x3FB0]  }
0x31: {  	[smem:$0x3FB9] =	sst s10  }
0x32: {  	s10 =	sld [smem:$0x3FB7];
	_ =	sdelay $0x3  }
0x33: {  	p0 =	seq.s32 s10, $0x1;
	s10 =	sld [smem:$0x3FB9];
	_ =	sdelay $0x3  }
0x34: {  	[smem:$0x3FB9] =	sst s10  }
0x35: {  	s10 =	sld [smem:$0x3FB8];
	_ =	sdelay $0x3  }
0x36: {  	p1 =	seq.s32 s10, $0x1;
	s10 =	sld [smem:$0x3FB9];
	_ =	sdelay $0x3  }
0x37: {  	[smem:$0x3FB9] =	sst s10  }
0x38: {  	s10 =	sld [smem:$0x3FBA]  }
0x39: {  	_ = 	snop;
	(pc) =	sbr.ind lr, $3  }
0x3a: {  	_ = 	snop  }
0x3b: {  	_ = 	snop  }
0x3c: {  	p2 =	seq.s32 s10, $0x1;
	s10 =	sld [smem:$0x3FB9]  }
0x3d: {  	_ =	shalt  }
0x3e: {  	_ =	shalt  }
0x3f: {  	_ =	shalt  }
0x40: {  	_ =	shalt  }
0x41: {  	_ =	shalt  }
0x42: {  	_ =	shalt  }
0x43: {  	_ =	shalt  }
0x44: {  	_ =	shalt  }
0x45: {  	_ =	shalt  }
0x46: {  	_ =	shalt  }
0x47: {  	_ =	shalt  }
0x48: {  	_ =	shalt  }
0x49: {  	_ =	shalt  }
0x4a: {  	_ =	shalt  }
0x4b: {  	_ =	shalt  }
0x4c: {  	_ =	shalt  }
0x4d: {  	_ =	shalt  }
0x4e: {  	_ =	shalt  }
0x4f: {  	_ =	shalt  }
0x50: {  	_ =	shalt  }
0x51: {  	_ =	shalt  }
0x52: {  	_ =	shalt  }
0x53: {  	_ =	shalt  }
0x54: {  	_ =	shalt  }
0x55: {  	_ =	shalt  }
0x56: {  	_ =	shalt  }
0x57: {  	_ =	shalt  }
0x58: {  	_ =	shalt  }
0x59: {  	_ =	shalt  }
0x5a: {  	_ =	shalt  }
0x5b: {  	_ =	shalt  }
0x5c: {  	_ =	shalt  }
0x5d: {  	_ =	shalt  }
0x5e: {  	_ =	shalt  }
0x5f: {  	_ =	shalt  }
0x60: {  	_ =	shalt  }
0x61: {  	_ =	shalt  }
0x62: {  	_ =	shalt  }
0x63: {  	_ =	shalt  }
0x64: {  	_ =	shalt  }
0x65: {  	_ =	shalt  }
0x66: {  	_ =	shalt  }
0x67: {  	_ =	shalt  }
0x68: {  	_ =	shalt  }
0x69: {  	_ =	shalt  }
0x6a: {  	_ =	shalt  }
0x6b: {  	_ =	shalt  }
0x6c: {  	_ =	shalt  }
0x6d: {  	_ =	shalt  }
0x6e: {  	_ =	shalt  }
0x6f: {  	_ =	shalt  }
0x70: {  	_ =	shalt  }
0x71: {  	_ =	shalt  }
0x72: {  	_ =	shalt  }
0x73: {  	_ =	shalt  }
0x74: {  	_ =	shalt  }
0x75: {  	_ =	shalt  }
0x76: {  	_ =	shalt  }
0x77: {  	_ =	shalt  }
0x78: {  	_ =	shalt  }
0x79: {  	_ =	shalt  }
0x7a: {  	_ =	shalt  }
0x7b: {  	_ =	shalt  }
0x7c: {  	_ =	shalt  }
0x7d: {  	_ =	shalt  }
0x7e: {  	_ =	shalt  }
0x7f: {  	_ =	shalt  }
0x80: {  	_ =	shalt  }
0x81: {  	_ =	shalt  }
0x82: {  	_ =	shalt  }
0x83: {  	_ =	shalt  }
0x84: {  	_ =	shalt  }
0x85: {  	_ =	shalt  }
0x86: {  	_ =	shalt  }
0x87: {  	_ =	shalt  }
.Lfunc_end0:
.L_simem_size_0:
called_computation_lowered:
.L_overlay_start_0:
0x88: {  	s2 =	sld [smem:$0x3FD9]  }
0x89: {  	s3 =	sld [smem:$0x3FFE];
	_ =	sdelay $0x1  }
0x8a: {  	s1 =	srdreg.scid  }
0x8b: {  	s0 =	sand.u32 $0x1, s1  }
0x8c: {  	s17 =	sshll.u32 s0, $0xA;
	s2 =	sadd.s32 s3, s2  }
0x8d: {  	s2 =	sadd.s32 s2, s17  }
0x8e: {  	[smem:$0x3FC5] =	sst s2  }
0x8f: {  	_ = 	snop  }
0x90: {  	s2 =	sld [smem:$0x3FC9]  }
0x91: {  	s18 =	sld [smem:$0x3FC7];
	(tm) =	ssettm $0x1  }
0x92: {  	s4 =	sld [smem:$0x3FFB];
	_ =	sdelay $0x3  }
0x93: {  	_ =	strace s4  }
0x94: {  	s4 =	sld [smem:$0x3FFC];
	_ =	sdelay $0x3  }
0x95: {  	_ =	strace s4  }
0x96: {  	s4 =	sld [smem:$0x3FFD];
	_ =	sdelay $0x3  }
0x97: {  	_ =	strace s4  }
0x98: {  	_ =	strace $0x8FFFFFFF  }
0x99: {  	s19 =	sld [smem:$0x3FDB];
	_ =	sdelay $0x1  }
0x9a: {  	s5 =	simm.s32 $_scs_section_size  }
0x9b: {  	s6 =	simm.s32 $_size__tile_overlayer_lowered;
	s7 =	simm.s32 $_tile_overlayer_lowered  }
0x9c: {  	s22 =	simm.s32 $0x1BFF;
	s21 =	sshll.u32 s7, $0x1;
	s4 =	sadd.s32 s5, s19  }
0x9d: {  	s8 =	simm.s32 $0x0;
	s20 =	sshll.u32 s6, $0x1;
	s6 =	sadd.s32 s21, s4  }
0x9e: {  	[timem:s8], [sflag:s22] =	dma.local [hbm:s6], s20  }
0x9f: {  	_ =	swait.ge [sflag:s22], s20  }
0xa0: {  	s5 =	ssub.s32 $0x0, s20;
	[sflag:s22] =	ssyncset.done $0x0  }
0xa1: {  	[sflag:s22] =	ssyncadd.s32 s5;
	_ =	sdelay $0x1  }
0xa2: {  	s23 =	simm.s32 $0x1B8B  }
0xa3: {  	_ =	swait.ge [sflag:s23], $0x1  }
0xa4: {  	[sflag:s23] =	ssyncset.done $0x0  }
0xa5: {  	s25 =	simm.s32 $0x1B8E;
	s24 =	sld [smem:$0x3FFE];
	[sflag:s23] =	ssyncadd.s32 $0xFFFFFFFF  }
0xa6: {  	s26 =	simm.s32 $execute0_lowered;
	[smem:$0x3FD2] =	sst s25  }
0xa7: {  	s6 =	sshll.u32 s26, $0x1;
	_ =	strace $0x80000046;
	[dreg:$0x1] =	wrdreg $0xFFFFFFFF  }
0xa8: {  	s28 =	simm.s32 $_size_execute0_lowered;
	s4 =	sadd.s32 s4, s6;
	[dreg:$0x0] =	wrdreg $0x0  }
0xa9: {  	s6 =	sshll.u32 s28, $0x1;
	[dreg:$0x2] =	wrdreg s4  }
0xaa: {  	[dreg:$0x3] =	wrdreg s6  }
0xab: {  	[dreg:$0x4] =	wrdreg $0xC0  }
0xac: {  	_ =	task [dreg:s8], $0x5FFFF  }
0xad: {  	[dreg:$0x1] =	wrdreg $0xFFFFFFFF  }
0xae: {  	[dreg:$0x0] =	wrdreg $0x60  }
0xaf: {  	[dreg:$0x2] =	wrdreg s2  }
0xb0: {  	[dreg:$0x3] =	wrdreg s24  }
0xb1: {  	[dreg:$0x4] =	wrdreg s18  }
0xb2: {  	[dreg:$0x5] =	wrdreg $0x9  }
0xb3: {  	_ =	task.clear_ibuf [dreg:s8], $0x6FFFF;
	_ =	strace $0x90000046  }
0xb4: {  	s29 =	simm.s32 $0x9;
	_ =	strace $0x80000048  }
0xb5: {  	_ =	swait.ge [sflag:s29], $0x1  }
0xb6: {  	[sflag:s29] =	ssyncadd.s32 $0xFFFFFFFF  }
0xb7: {  	_ =	strace $0x90000048  }
0xb8: {  	_ =	sfence  }
0xb9: {  	s30 =	sld [smem:$0x0];
	_ =	sdelay $0x2  }
0xba: {  	s31 =	sshll.u32 s1, $0xD;
	s1 =	sshrl.u32 s1, $0x2  }
0xbb: {  	s3 =	sand.u32 $0x4000, s31;
	s1 =	sadd.s32 s1, s30  }
0xbc: {  	s0 =	sor.u32 s3, s0;
	s1 =	sshll.u32 s1, $0x11  }
0xbd: {  	s0 =	sor.u32 s1, s0  }
0xbe: {  	s0 =	sadd.s32 $0x8F2B, s0  }
0xbf: {  	[sflag:s0] =	ssyncadd.remote.s32 $0x1  }
0xc0: {  	_ =	sfence.sel $0xFFFF  }
0xc1: {  	[dreg:$0x0] =	wrdreg $0xFFFFFFFF;
	(pc) =	sbr.abs _section_cstart, $3  }
0xc2: {  	[dreg:$0x1] =	wrdreg $0xFFFFFFFF  }
0xc3: {  	_ =	task.clear_ibuf [dreg:s8], $0x2FFFF;
	_ =	strace $0x9FFFFFFF  }
0xc4: {  	(tm) =	ssettm $0x7FFFFFFF  }
0xc5: {  	_ =	shalt  }
tec
execute0_lowered:
.L_overlay_start_1:
0x0: {  	(tag) =	ssettag $0x1  }
0x1: {  	s0 =	rddreg [dreg:$0x0]  }
0x2: {  	s1 =	rddreg [dreg:$0x1]  }
0x3: {  	s2 =	srdreg.scid;
	s4 =	stileid.u32  }
0x4: {  	s3 =	simm.s32 $0x0;
	s18 =	simm.s32 $0x80;
	s19 =	simm.s32 $0x9600  }
0x5: {  	s20 =	simm.s32 $0x1;
	s21 =	simm.s32 $0xB600;
	s22 =	simm.s32 $0xD600  }
0x6: {  	s31 =	simm.s32 $0x2;
	s17 =	simm.s32 $0x10200;
	s15 =	simm.s32 $0x10A00  }
0x7: {  	s16 =	simm.s32 $0x10E00;
	s23 =	simm.s32 $0x11200;
	s24 =	simm.s32 $0x4  }
0x8: {  	s25 =	simm.s32 $0x0;
	s2 =	sand.u32 $0x1, s2;
	s4 =	sshll.u32 s4, $0x1  }
0x9: {  	[smem:$0x7FF] =	sst s3;
	s5 =	sadd.s32 $0xC3A00, s1;
	s9 =	sadd.s32 $0xC5A00, s1  }
0xa: {  	s10 =	sadd.s32 $0xC6A00, s1;
	s11 =	sadd.s32 $0xC7A00, s1;
	s12 =	sadd.s32 $0xC8A00, s1  }
0xb: {  	v0 =	vlaneseq.u32;
	s13 =	sadd.s32 $0xC9A00, s1;
	s6 =	ssub.s32 $0x2, s2;
	s2 =	sor.u32 s2, s4  }
0xc: {  	s14 =	sadd.s32 $0xCAA00, s1;
	v1 =	vmul.u32 $0x40, v0;
	v3 =	vor.u32 $0x10, v0;
	v5 =	vor.u32 $0x20, v0;
	s7 =	sshrl.u32 s6, $0x1;
	s8 =	smul.u32 $0xC80, s2  }
0xd: {  	v7 =	vor.u32 $0x30, v0;
	v9 =	vor.u32 $0x40, v0;
	v11 =	vor.u32 $0x50, v0;
	_ =	strace $0x80000047;
	s4 =	sadd.s32 $0x400, s1;
	s6 =	ssub.s32 s6, s7  }
0xe: {  	v13 =	vor.u32 $0x60, v0;
	v15 =	vor.u32 $0x70, v0;
	v2 =	vor.u32 $0x400, v1;
	s7 =	sshll.u32 s2, $0xA;
	s2 =	simm.s32 $0xFE00;
	s0 =	sadd.s32 s0, s8  }
0xf: {  	v4 =	vor.u32 $0x800, v1;
	v6 =	vor.u32 $0xC00, v1;
	v8 =	vor.u32 $0x1000, v1;
	s8 =	sadd.s32 $0xC4A00, s1;
	s30 =	smax.u32 s6, $0x1;
	[dreg:$0x4] =	wrdreg s0  }
0x10: {  	v10 =	vor.u32 $0x1400, v1;
	v12 =	vor.u32 $0x1800, v1;
	v14 =	vor.u32 $0x1C00, v1;
	s6 =	simm.s32 $0x10600;
	[dreg:$0x5] =	wrdreg s30;
	s0 =	simm.s32 $0xF600  }
.LBB2_1:
0x11: {  	[dreg:$0x6] =	wrdreg s25  }
0x12: {  	s1 =	rddreg [dreg:$0x4];
	s29 =	simm.s32 $0x5  }
0x13: {  	[tilespmem:s3], [sflag:$0x5] =	stream.linear.gather [hbm4b:s1+s3], $0x6400, $0x38;
	[tilespmem:$0x11600] =	vst v63  }
0x14: {  	_ =	swait.ge [sflag:s29], $0x6400  }
0x15: {  	[sflag:s29] =	ssyncset.done $0x0  }
0x16: {  	[sflag:s29] =	ssyncadd.s32 $0xFFFF9C00  }
0x17: {  	s26 =	simm.s32 $0x6400;
	s30 =	rddreg [dreg:$0x2]  }
0x18: {  	[tilespmem:s26], [sflag:$0x5] =	stream.linear.gather [hbm4b:s30+s3], $0x3200, $0x38;
	[tilespmem:$0x11600] =	vst v63  }
0x19: {  	_ =	swait.ge [sflag:s29], $0x3200  }
0x1a: {  	[sflag:s29] =	ssyncset.done $0x0  }
0x1b: {  	s25 =	simm.s32 $0x0;
	[sflag:s29] =	ssyncadd.s32 $0xFFFFCE00  }
0x1c: {  	[tilespmem:s19], [sflag:$0x1] =	stream.indirect.gather [hbm4b:s4+s18], $0x40, s3, s18, $0xb8;
	[tilespmem:$0x11600] =	vst v63  }
.LBB2_2:
0x1d: {  	_ =	swait.ge [sflag:s20], $0x2000;
	s26 =	sshllo.u32 s25, $0x1  }
0x1e: {  	[sflag:s20] =	ssyncset.done $0x0;
	s28 =	sshll.u32 s26, $0x7  }
0x1f: {  	p0 =	seq.s32 s25, $0x0;
	[sflag:s20] =	ssyncadd.s32 $0xFFFFE000;
	s28 =	sand.u32 $0x3FFFFF80, s28  }
0x20: {  	[tilespmem:s21], [sflag:$0x2] =	stream.indirect.gather [hbm4b:s4+s18], $0x40, s28, s18, $0xb8;
	[tilespmem:$0x11600] =	vst v63  }
0x21: {  	s28 =	simm.s32 @!p0 $0x3  }
0x22: {  	_ =	swait.ge @!p0 [sflag:s28], $0x400  }
0x23: {  	[sflag:s28] =	ssyncset.done @!p0 $0x0  }
0x24: {  	[sflag:s28] =	ssyncadd.s32 @!p0 $0xFFFFFC00  }
0x25: {  	_ =	swait.ge @!p0 [sflag:s28], $0x400  }
0x26: {  	[sflag:s28] =	ssyncset.done @!p0 $0x0  }
0x27: {  	[sflag:s28] =	ssyncadd.s32 @!p0 $0xFFFFFC00  }
0x28: {  	_ =	swait.ge @!p0 [sflag:s28], $0x400  }
0x29: {  	[sflag:s28] =	ssyncset.done @!p0 $0x0  }
0x2a: {  	[sflag:s28] =	ssyncadd.s32 @!p0 $0xFFFFFC00  }
0x2b: {  	_ =	swait.ge @!p0 [sflag:s28], $0x400  }
0x2c: {  	[sflag:s28] =	ssyncset.done @!p0 $0x0  }
0x2d: {  	[sflag:s28] =	ssyncadd.s32 @!p0 $0xFFFFFC00  }
0x2e: {  	_ =	swait.ge @!p0 [sflag:s28], $0x400  }
0x2f: {  	s29 =	simm.s32 $0x0;
	[sflag:s28] =	ssyncset.done @!p0 $0x0  }
0x30: {  	s30 =	sand.u32 $0xE, s29;
	[sflag:s28] =	ssyncadd.s32 @!p0 $0xFFFFFC00  }
0x31: {  	s1 =	sor.u32 $0x1, s30;
	_ =	swait.ge @!p0 [sflag:s28], $0x400  }
0x32: {  	v16 =	vadd.s32 s1, v0;
	s1 =	sshll.u32 s25, $0x7;
	[sflag:s28] =	ssyncset.done @!p0 $0x0  }
0x33: {  	s29 =	sand.u32 $0x30, s29;
	s1 =	sand.u32 $0x3FFFFF80, s1;
	v17 =	vand.u32 $0xF, v16;
	[sflag:s28] =	ssyncadd.s32 @!p0 $0xFFFFFC00  }
0x34: {  	s1 =	sadd.s32 $0x6400, s1;
	v18 =	vor.u32 s29, v17;
	_ =	swait.ge @!p0 [sflag:s28], $0x400  }
0x35: {  	v16 =	vand.u32 $0x7, v16;
	v19 =	vmov s1;
	v20 =	vand.u32 $0x38, v18;
	[sflag:s28] =	ssyncset.done @!p0 $0x0  }
0x36: {  	v21 =	vadd.s32 s30, v0;
	v33 =	vor.u32 v16, v20;
	[sflag:s28] =	ssyncadd.s32 @!p0 $0xFFFFFC00  }
0x37: {  	v16 =	vand.u32 $0xF, v21;
	v20 =	vor.u32 v1, v33;
	_ =	swait.ge @!p0 [sflag:s28], $0x400  }
0x38: {  	v22 =	vor.u32 s29, v16;
	[sflag:s28] =	ssyncset.done @!p0 $0x0  }
0x39: {  	v21 =	vand.u32 $0x7, v21;
	v23 =	vand.u32 $0x38, v22;
	[sflag:s28] =	ssyncadd.s32 @!p0 $0xFFFFFC00  }
0x3a: {  	v28 =	vor.u32 v21, v23;
	v24 =	vld.idx.msk [tilespmem:v19+s29+$0x0 ss:$0x1], $0xffff  }
0x3b: {  	v21 =	vor.u32 v1, v28  }
0x3c: {  	v20 =	vld.idx.msk [tilespmem:v20+s19+$0x0], $0xffff  }
0x3d: {  	v31 =	vshll.u32 v18, $0x7  }
0x3e: {  	v18 =	vor.u32 v0, v31  }
0x3f: {  	v30 =	vperm.xlane v24, v17;
	v17 =	vor.u32 v2, v33  }
0x40: {  	v21 =	vld.idx.msk [tilespmem:v21+s19+$0x0], $0xffff  }
0x41: {  	v32 =	vshll.u32 v22, $0x7;
	v20 =	vadd.f32 v20, v30  }
0x42: {  	v22 =	vor.u32 v0, v32  }
0x43: {  	v29 =	vperm.xlane v24, v16;
	v16 =	vor.u32 v2, v28;
	[tilespmem:v18+s22+$0x0] =	vst.idx.msk $0xffff, v20  }
0x44: {  	v17 =	vld.idx.msk [tilespmem:v17+s19+$0x0], $0xffff  }
0x45: {  	v18 =	vadd.f32 v21, v29  }
0x46: {  	s1 =	simm.s32 $0x2;
	v20 =	vor.u32 v3, v31  }
0x47: {  	s28 =	sand.u32 $0xE, s1;
	v21 =	vor.u32 v4, v33;
	[tilespmem:v22+s22+$0x0] =	vst.idx.msk $0xffff, v18  }
0x48: {  	s30 =	sor.u32 $0x1, s28;
	v16 =	vld.idx.msk [tilespmem:v16+s19+$0x0], $0xffff  }
0x49: {  	v18 =	vadd.s32 s30, v0;
	v17 =	vadd.f32 v17, v30  }
0x4a: {  	v26 =	vor.u32 v5, v31;
	s1 =	sand.u32 $0x30, s1;
	v22 =	vor.u32 v3, v32;
	v24 =	vand.u32 $0xF, v18  }
0x4b: {  	v25 =	vor.u32 v4, v28;
	v23 =	vadd.s32 s28, v0;
	[tilespmem:v20+s22+$0x0] =	vst.idx.msk $0xffff, v17;
	v17 =	vor.u32 s1, v24  }
0x4c: {  	v27 =	vand.u32 $0xF, v23;
	v18 =	vand.u32 $0x7, v18;
	v21 =	vld.idx.msk [tilespmem:v21+s19+$0x0], $0xffff;
	v20 =	vand.u32 $0x38, v17  }
0x4d: {  	v34 =	vor.u32 s1, v27;
	v16 =	vadd.f32 v16, v29;
	v20 =	vor.u32 v18, v20  }
0x4e: {  	v18 =	vand.u32 $0x7, v23;
	v23 =	vand.u32 $0x38, v34;
	v35 =	vor.u32 v1, v20  }
0x4f: {  	[tilespmem:v22+s22+$0x0] =	vst.idx.msk $0xffff, v16;
	v36 =	vor.u32 v18, v23;
	v18 =	vor.u32 v6, v33  }
0x50: {  	v22 =	vld.idx.msk [tilespmem:v25+s19+$0x0], $0xffff;
	v23 =	vor.u32 v1, v36  }
0x51: {  	v25 =	vld.idx.msk [tilespmem:v19+s1+$0x0 ss:$0x1], $0xffff;
	v16 =	vadd.f32 v21, v30  }
0x52: {  	v21 =	vor.u32 v5, v32  }
0x53: {  	v35 =	vld.idx.msk [tilespmem:v35+s19+$0x0], $0xffff;
	[tilespmem:v26+s22+$0x0] =	vst.idx.msk $0xffff, v16  }
0x54: {  	v16 =	vshll.u32 v17, $0x7;
	v26 =	vor.u32 v6, v28;
	v38 =	vld.idx.msk [tilespmem:v18+s19+$0x0], $0xffff  }
0x55: {  	v18 =	vadd.f32 v22, v29;
	v22 =	vld.idx.msk [tilespmem:v23+s19+$0x0], $0xffff;
	v23 =	vor.u32 v0, v16  }
0x56: {  	v37 =	vshll.u32 v34, $0x7;
	v17 =	vperm.xlane v25, v24;
	v24 =	vor.u32 v2, v20  }
0x57: {  	v39 =	vor.u32 v7, v31;
	v34 =	vor.u32 v0, v37;
	[tilespmem:v21+s22+$0x0] =	vst.idx.msk $0xffff, v18  }
0x58: {  	v18 =	vperm.xlane v25, v27;
	v25 =	vor.u32 v2, v36;
	v27 =	vadd.f32 v35, v17  }
0x59: {  	v55 =	vor.u32 v9, v31;
	v58 =	vor.u32 v10, v33;
	v21 =	vor.u32 v8, v33;
	v26 =	vld.idx.msk [tilespmem:v26+s19+$0x0], $0xffff  }
0x5a: {  	v49 =	vor.u32 v12, v33;
	v22 =	vadd.f32 v22, v18;
	[tilespmem:v23+s22+$0x0] =	vst.idx.msk $0xffff, v27  }
0x5b: {  	v41 =	vor.u32 v9, v32;
	v54 =	vadd.f32 v38, v30;
	v23 =	vor.u32 v7, v32;
	v24 =	vld.idx.msk [tilespmem:v24+s19+$0x0], $0xffff  }
0x5c: {  	v61 =	vor.u32 v11, v32;
	v27 =	vor.u32 v8, v28;
	[tilespmem:v34+s22+$0x0] =	vst.idx.msk $0xffff, v22  }
0x5d: {  	v57 =	vor.u32 v10, v28;
	s1 =	simm.s32 $0x4;
	[tilespmem:v39+s22+$0x0] =	vst.idx.msk $0xffff, v54;
	v22 =	vld.idx.msk [tilespmem:v25+s19+$0x0], $0xffff;
	v25 =	vor.u32 v3, v16  }
0x5e: {  	v40 =	vor.u32 v3, v37;
	v56 =	vor.u32 v4, v20;
	s28 =	sand.u32 $0xE, s1;
	v21 =	vld.idx.msk [tilespmem:v21+s19+$0x0], $0xffff;
	v26 =	vadd.f32 v26, v29  }
0x5f: {  	v59 =	vor.u32 v6, v20;
	v51 =	vor.u32 v8, v20;
	s30 =	sor.u32 $0x1, s28;
	v42 =	vadd.s32 s28, v0  }
0x60: {  	[tilespmem:v23+s22+$0x0] =	vst.idx.msk $0xffff, v26;
	v23 =	vor.u32 v4, v36;
	v26 =	vadd.s32 s30, v0;
	v24 =	vadd.f32 v24, v17  }
0x61: {  	s1 =	sand.u32 $0x30, s1;
	v48 =	vor.u32 v6, v36;
	v44 =	vand.u32 $0xF, v42;
	v27 =	vld.idx.msk [tilespmem:v27+s19+$0x0], $0xffff;
	v43 =	vand.u32 $0xF, v26  }
0x62: {  	v45 =	vor.u32 v5, v16;
	v22 =	vadd.f32 v22, v18;
	[tilespmem:v25+s22+$0x0] =	vst.idx.msk $0xffff, v24;
	v25 =	vor.u32 s1, v43  }
0x63: {  	v26 =	vand.u32 $0x7, v26;
	v21 =	vadd.f32 v21, v30;
	v35 =	vld.idx.msk [tilespmem:v56+s19+$0x0], $0xffff;
	v24 =	vand.u32 $0x38, v25  }
0x64: {  	v46 =	vor.u32 s1, v44;
	v53 =	vor.u32 v7, v16;
	[tilespmem:v40+s22+$0x0] =	vst.idx.msk $0xffff, v22;
	v22 =	vor.u32 v26, v24  }
0x65: {  	[tilespmem:v55+s22+$0x0] =	vst.idx.msk $0xffff, v21;
	v21 =	vand.u32 $0x38, v46;
	v24 =	vand.u32 $0x7, v42;
	v23 =	vld.idx.msk [tilespmem:v23+s19+$0x0], $0xffff;
	v26 =	vor.u32 v1, v22  }
0x66: {  	v40 =	vor.u32 v9, v16;
	v34 =	vld.idx.msk [tilespmem:v58+s19+$0x0], $0xffff;
	v24 =	vor.u32 v24, v21;
	v27 =	vadd.f32 v27, v29  }
0x67: {  	v60 =	vld.idx.msk [tilespmem:v19+s1+$0x0 ss:$0x1], $0xffff;
	v21 =	vshll.u32 v25, $0x7;
	v25 =	vor.u32 v5, v37;
	v47 =	vor.u32 v1, v24  }
0x68: {  	v56 =	vor.u32 v12, v28;
	[tilespmem:v41+s22+$0x0] =	vst.idx.msk $0xffff, v27;
	v35 =	vadd.f32 v35, v17  }
0x69: {  	v28 =	vor.u32 v14, v28;
	v62 =	vor.u32 v2, v22;
	v27 =	vor.u32 v11, v31;
	v38 =	vld.idx.msk [tilespmem:v57+s19+$0x0], $0xffff  }
0x6a: {  	v52 =	vor.u32 v0, v21;
	v23 =	vadd.f32 v23, v18;
	v50 =	vld.idx.msk [tilespmem:v26+s19+$0x0], $0xffff;
	[tilespmem:v45+s22+$0x0] =	vst.idx.msk $0xffff, v35  }
0x6b: {  	v41 =	vor.u32 v4, v22;
	v57 =	vor.u32 v2, v24;
	v34 =	vadd.f32 v34, v30;
	v35 =	vld.idx.msk [tilespmem:v59+s19+$0x0], $0xffff  }
0x6c: {  	v26 =	vshll.u32 v46, $0x7;
	v47 =	vld.idx.msk [tilespmem:v47+s19+$0x0], $0xffff;
	[tilespmem:v25+s22+$0x0] =	vst.idx.msk $0xffff, v23;
	v23 =	vperm.xlane v60, v43  }
0x6d: {  	v54 =	vor.u32 v0, v26;
	v25 =	vperm.xlane v60, v44;
	v59 =	vor.u32 v7, v37  }
0x6e: {  	v44 =	vor.u32 v13, v31;
	v63 =	vld.idx.msk [tilespmem:v48+s19+$0x0], $0xffff;
	[tilespmem:v27+s22+$0x0] =	vst.idx.msk $0xffff, v34;
	v27 =	vadd.f32 v38, v29  }
0x6f: {  	v31 =	vor.u32 v15, v31;
	v48 =	vor.u32 v10, v36;
	v55 =	vld.idx.msk [tilespmem:v49+s19+$0x0], $0xffff;
	v58 =	vadd.f32 v50, v23  }
0x70: {  	v49 =	vor.u32 v10, v20;
	[tilespmem:v61+s22+$0x0] =	vst.idx.msk $0xffff, v27;
	v35 =	vadd.f32 v35, v17  }
0x71: {  	v27 =	vor.u32 v9, v21;
	v60 =	vadd.f32 v47, v25;
	v39 =	vld.idx.msk [tilespmem:v56+s19+$0x0], $0xffff;
	[tilespmem:v52+s22+$0x0] =	vst.idx.msk $0xffff, v58  }
0x72: {  	v61 =	vor.u32 v8, v36;
	v56 =	vor.u32 v13, v32;
	v43 =	vld.idx.msk [tilespmem:v62+s19+$0x0], $0xffff;
	[tilespmem:v53+s22+$0x0] =	vst.idx.msk $0xffff, v35  }
0x73: {  	v58 =	vor.u32 v3, v26;
	v62 =	vadd.f32 v63, v18;
	[tilespmem:v54+s22+$0x0] =	vst.idx.msk $0xffff, v60;
	v63 =	vld.idx.msk [tilespmem:v51+s19+$0x0], $0xffff  }
0x74: {  	s28 =	simm.s32 $0x6;
	v52 =	vor.u32 v9, v37;
	v38 =	vadd.f32 v55, v30;
	v42 =	vld.idx.msk [tilespmem:v57+s19+$0x0], $0xffff;
	v57 =	vor.u32 v3, v21  }
0x75: {  	s1 =	sand.u32 $0xE, s28;
	v35 =	vor.u32 v15, v32;
	v54 =	vor.u32 v8, v22;
	v51 =	vor.u32 v5, v21  }
0x76: {  	s30 =	sor.u32 $0x1, s1;
	[tilespmem:v59+s22+$0x0] =	vst.idx.msk $0xffff, v62;
	v59 =	vor.u32 v4, v24;
	v39 =	vadd.f32 v39, v29  }
0x77: {  	v60 =	vadd.s32 s30, v0;
	[tilespmem:v44+s22+$0x0] =	vst.idx.msk $0xffff, v38;
	v44 =	vor.u32 v12, v36;
	v43 =	vadd.f32 v43, v23  }
0x78: {  	s30 =	sand.u32 $0x30, s28;
	v45 =	vand.u32 $0xF, v60;
	v47 =	vld.idx.msk [tilespmem:v61+s19+$0x0], $0xffff;
	v61 =	vadd.s32 s1, v0;
	[tilespmem:v56+s22+$0x0] =	vst.idx.msk $0xffff, v39;
	v34 =	vadd.f32 v63, v17  }
0x79: {  	v38 =	vand.u32 $0xF, v61;
	v42 =	vadd.f32 v42, v25;
	v62 =	vld.idx.msk [tilespmem:v28+s19+$0x0], $0xffff;
	v63 =	vor.u32 s30, v45;
	[tilespmem:v57+s22+$0x0] =	vst.idx.msk $0xffff, v43  }
0x7a: {  	v56 =	vand.u32 $0x7, v60;
	v53 =	vor.u32 s30, v38;
	v28 =	vand.u32 $0x38, v63;
	v41 =	vld.idx.msk [tilespmem:v41+s19+$0x0], $0xffff  }
0x7b: {  	v57 =	vand.u32 $0x7, v61;
	v61 =	vor.u32 v6, v22;
	[tilespmem:v58+s22+$0x0] =	vst.idx.msk $0xffff, v42;
	v28 =	vor.u32 v56, v28  }
0x7c: {  	[tilespmem:v40+s22+$0x0] =	vst.idx.msk $0xffff, v34;
	v58 =	vand.u32 $0x38, v53;
	v40 =	vld.idx.msk [tilespmem:v59+s19+$0x0], $0xffff;
	v59 =	vor.u32 v1, v28  }
0x7d: {  	v55 =	vadd.f32 v47, v18;
	v32 =	vor.u32 v57, v58;
	v60 =	vld.idx.msk [tilespmem:v49+s19+$0x0], $0xffff;
	v57 =	vor.u32 v5, v26  }
0x7e: {  	v47 =	vld.idx.msk [tilespmem:v19+s30+$0x0 ss:$0x1], $0xffff;
	v58 =	vor.u32 v6, v24;
	v56 =	vor.u32 v1, v32;
	v43 =	vadd.f32 v62, v29  }
0x7f: {  	[tilespmem:v52+s22+$0x0] =	vst.idx.msk $0xffff, v55;
	v29 =	vshll.u32 v63, $0x7;
	v62 =	vor.u32 v11, v16;
	v41 =	vadd.f32 v41, v23  }
0x80: {  	v48 =	vld.idx.msk [tilespmem:v48+s19+$0x0], $0xffff;
	v63 =	vor.u32 v12, v20;
	v55 =	vor.u32 v0, v29;
	[tilespmem:v35+s22+$0x0] =	vst.idx.msk $0xffff, v43  }
0x81: {  	v42 =	vld.idx.msk [tilespmem:v59+s19+$0x0], $0xffff;
	v59 =	vadd.f32 v40, v25;
	v40 =	vor.u32 v14, v33;
	[tilespmem:v51+s22+$0x0] =	vst.idx.msk $0xffff, v41  }
0x82: {  	v35 =	vshll.u32 v53, $0x7;
	v60 =	vadd.f32 v60, v17;
	v41 =	vld.idx.msk [tilespmem:v61+s19+$0x0], $0xffff;
	v61 =	vor.u32 v11, v37  }
0x83: {  	v53 =	vor.u32 v7, v26;
	v33 =	vperm.xlane v47, v45;
	v49 =	vld.idx.msk [tilespmem:v56+s19+$0x0], $0xffff;
	[tilespmem:v57+s22+$0x0] =	vst.idx.msk $0xffff, v59  }
0x84: {  	v56 =	vor.u32 v7, v21;
	[tilespmem:v62+s22+$0x0] =	vst.idx.msk $0xffff, v60;
	v62 =	vor.u32 v2, v28;
	v46 =	vld.idx.msk [tilespmem:v58+s19+$0x0], $0xffff  }
0x85: {  	v34 =	vperm.xlane v47, v38;
	v48 =	vadd.f32 v48, v18;
	v43 =	vld.idx.msk [tilespmem:v63+s19+$0x0], $0xffff;
	v63 =	vor.u32 v0, v35  }
0x86: {  	v47 =	vor.u32 v2, v32;
	v51 =	vor.u32 v13, v16;
	v57 =	vld.idx.msk [tilespmem:v40+s19+$0x0], $0xffff;
	v60 =	vadd.f32 v42, v33  }
0x87: {  	v58 =	vor.u32 v8, v24;
	v41 =	vadd.f32 v41, v23;
	[tilespmem:v61+s22+$0x0] =	vst.idx.msk $0xffff, v48  }
0x88: {  	v36 =	vor.u32 v14, v36;
	v61 =	vadd.f32 v49, v34;
	[tilespmem:v55+s22+$0x0] =	vst.idx.msk $0xffff, v60;
	v40 =	vld.idx.msk [tilespmem:v44+s19+$0x0], $0xffff  }
0x89: {  	v39 =	vor.u32 v4, v28;
	v45 =	vld.idx.msk [tilespmem:v62+s19+$0x0], $0xffff;
	v62 =	vadd.f32 v46, v25;
	[tilespmem:v56+s22+$0x0] =	vst.idx.msk $0xffff, v41  }
0x8a: {  	v38 =	vor.u32 v9, v29;
	[tilespmem:v63+s22+$0x0] =	vst.idx.msk $0xffff, v61;
	v63 =	vadd.f32 v43, v17;
	v44 =	vld.idx.msk [tilespmem:v54+s19+$0x0], $0xffff  }
0x8b: {  	v42 =	vor.u32 v13, v37;
	v46 =	vld.idx.msk [tilespmem:v47+s19+$0x0], $0xffff;
	[tilespmem:v53+s22+$0x0] =	vst.idx.msk $0xffff, v62;
	v41 =	vadd.f32 v57, v30  }
0x8c: {  	v47 =	vor.u32 v3, v29;
	v30 =	vor.u32 v15, v37;
	v43 =	vld.idx.msk [tilespmem:v58+s19+$0x0], $0xffff;
	[tilespmem:v51+s22+$0x0] =	vst.idx.msk $0xffff, v63  }
.LBB2_3:
0x8d: {  	s28 =	sadd.s32 $0x2, s28;
	v37 =	vor.u32 v10, v24;
	v48 =	vor.u32 v10, v22;
	[tilespmem:v31+s22+$0x0] =	vst.idx.msk $0xffff, v41;
	v41 =	vmov v24  }
0x8e: {  	v31 =	vor.u32 v3, v35;
	v49 =	vor.u32 v9, v26;
	v40 =	vadd.f32 v40, v18;
	v24 =	vmovc v32;
	s1 =	sand.u32 $0xE, s28;
	p0 =	slt.u32 s28, $0x3E  }
0x8f: {  	v51 =	vmovc v29;
	v52 =	vmovc v26;
	v50 =	vor.u32 v4, v24;
	v45 =	vadd.f32 v45, v33;
	v32 =	vadd.s32 s1, v0;
	s1 =	sor.u32 $0x1, s1  }
0x90: {  	v53 =	vor.u32 v5, v51;
	v29 =	vadd.f32 v44, v23;
	v26 =	vadd.s32 s1, v0;
	[tilespmem:v42+s22+$0x0] =	vst.idx.msk $0xffff, v40  }
0x91: {  	s1 =	sand.u32 $0x30, s28;
	v40 =	vand.u32 $0xF, v32;
	v44 =	vadd.f32 v46, v34;
	v42 =	vand.u32 $0xF, v26;
	[tilespmem:v47+s22+$0x0] =	vst.idx.msk $0xffff, v45;
	v36 =	vld.idx.msk [tilespmem:v36+s19+$0x0], $0xffff  }
0x92: {  	v32 =	vand.u32 $0x7, v32;
	v45 =	vor.u32 s1, v40;
	v46 =	vor.u32 s1, v42;
	v47 =	vld.idx.msk [tilespmem:v39+s19+$0x0], $0xffff;
	[tilespmem:v27+s22+$0x0] =	vst.idx.msk $0xffff, v29;
	v27 =	vmovc v38  }
0x93: {  	v29 =	vand.u32 $0x38, v45;
	v39 =	vand.u32 $0x7, v26;
	v54 =	vld.idx.msk [tilespmem:v19+s1+$0x0 ss:$0x1], $0xffff;
	v38 =	vand.u32 $0x38, v46;
	[tilespmem:v31+s22+$0x0] =	vst.idx.msk $0xffff, v44;
	v26 =	vmovc v35  }
0x94: {  	v32 =	vor.u32 v32, v29;
	v29 =	vshll.u32 v46, $0x7;
	v31 =	vor.u32 v39, v38;
	v35 =	vld.idx.msk [tilespmem:v50+s19+$0x0], $0xffff;
	v50 =	vmovc v17  }
0x95: {  	v44 =	vor.u32 v1, v32;
	v46 =	vor.u32 v1, v31;
	v39 =	vor.u32 v4, v31;
	v48 =	vld.idx.msk [tilespmem:v48+s19+$0x0], $0xffff  }
0x96: {  	v55 =	vor.u32 v6, v28;
	v43 =	vadd.f32 v43, v25;
	v38 =	vor.u32 v9, v29;
	v17 =	vmovc v23  }
0x97: {  	v57 =	vor.u32 v11, v21;
	v56 =	vor.u32 v5, v26;
	v23 =	vmovc v33;
	v36 =	vadd.f32 v36, v18  }
0x98: {  	v33 =	vor.u32 v6, v24;
	v18 =	vmov v25;
	v47 =	vadd.f32 v47, v23;
	[tilespmem:v49+s22+$0x0] =	vst.idx.msk $0xffff, v43  }
0x99: {  	v25 =	vmov v34;
	v43 =	vor.u32 v12, v22;
	v37 =	vld.idx.msk [tilespmem:v37+s19+$0x0], $0xffff;
	[tilespmem:v30+s22+$0x0] =	vst.idx.msk $0xffff, v36  }
0x9a: {  	v34 =	vadd.f32 v35, v25;
	v36 =	vor.u32 v14, v20;
	v30 =	vld.idx.msk [tilespmem:v46+s19+$0x0], $0xffff;
	[tilespmem:v53+s22+$0x0] =	vst.idx.msk $0xffff, v47  }
0x9b: {  	v47 =	vor.u32 v12, v41;
	v59 =	vadd.f32 v48, v17;
	v48 =	vor.u32 v13, v21;
	v46 =	vld.idx.msk [tilespmem:v55+s19+$0x0], $0xffff  }
0x9c: {  	v49 =	vor.u32 v8, v28;
	v53 =	vor.u32 v11, v52;
	v44 =	vld.idx.msk [tilespmem:v44+s19+$0x0], $0xffff;
	[tilespmem:v56+s22+$0x0] =	vst.idx.msk $0xffff, v34  }
0x9d: {  	v58 =	vor.u32 v7, v51;
	v55 =	vor.u32 v0, v29;
	v56 =	vld.idx.msk [tilespmem:v33+s19+$0x0], $0xffff;
	[tilespmem:v57+s22+$0x0] =	vst.idx.msk $0xffff, v59  }
0x9e: {  	v35 =	vshll.u32 v45, $0x7;
	v20 =	vmovc v22;
	v33 =	vperm.xlane v54, v42;
	v42 =	vor.u32 v2, v31;
	v43 =	vld.idx.msk [tilespmem:v43+s19+$0x0], $0xffff  }
0x9f: {  	v57 =	vor.u32 v0, v35;
	v59 =	vor.u32 v7, v26;
	v37 =	vadd.f32 v37, v18;
	v60 =	vld.idx.msk [tilespmem:v36+s19+$0x0], $0xffff  }
0xa0: {  	v22 =	vmovc v28;
	v34 =	vperm.xlane v54, v40;
	v54 =	vor.u32 v2, v32;
	v30 =	vadd.f32 v30, v33  }
0xa1: {  	v61 =	vor.u32 v8, v24;
	v28 =	vmov v31;
	v36 =	vadd.f32 v46, v23;
	[tilespmem:v53+s22+$0x0] =	vst.idx.msk $0xffff, v37  }
.Ltmp0:
0xa2: {  	v31 =	vor.u32 v15, v16;
	v37 =	vadd.f32 v44, v34;
	[tilespmem:v55+s22+$0x0] =	vst.idx.msk $0xffff, v30;
	v40 =	vld.idx.msk [tilespmem:v47+s19+$0x0], $0xffff;
	(pc) =	sbr.rel @p0 .LBB2_3-.Ltmp0, $4  }
0xa3: {  	v16 =	vmov v21;
	v21 =	vmov v51;
	v30 =	vadd.f32 v56, v25;
	v45 =	vld.idx.msk [tilespmem:v42+s19+$0x0], $0xffff;
	[tilespmem:v58+s22+$0x0] =	vst.idx.msk $0xffff, v36  }
0xa4: {  	v36 =	vor.u32 v14, v41;
	[tilespmem:v57+s22+$0x0] =	vst.idx.msk $0xffff, v37;
	v44 =	vld.idx.msk [tilespmem:v49+s19+$0x0], $0xffff;
	v37 =	vadd.f32 v43, v17  }
0xa5: {  	v42 =	vor.u32 v13, v52;
	v41 =	vadd.f32 v60, v50;
	v46 =	vld.idx.msk [tilespmem:v54+s19+$0x0], $0xffff;
	[tilespmem:v59+s22+$0x0] =	vst.idx.msk $0xffff, v30  }
0xa6: {  	v47 =	vor.u32 v3, v29;
	v30 =	vor.u32 v15, v52;
	v43 =	vld.idx.msk [tilespmem:v61+s19+$0x0], $0xffff;
	[tilespmem:v48+s22+$0x0] =	vst.idx.msk $0xffff, v37  }
0xa7: {  	v19 =	vor.u32 v3, v35  }
0xa8: {  	v37 =	vor.u32 v4, v32;
	_ =	sdelay $0x1  }
0xa9: {  	v46 =	vadd.f32 v46, v34  }
0xaa: {  	v45 =	vadd.f32 v45, v33  }
0xab: {  	[tilespmem:v19+s22+$0x0] =	vst.idx.msk $0xffff, v46  }
0xac: {  	[tilespmem:v47+s22+$0x0] =	vst.idx.msk $0xffff, v45;
	v19 =	vld.idx.msk [tilespmem:v37+s19+$0x0], $0xffff  }
0xad: {  	v63 =	vld.idx.msk [tilespmem:v39+s19+$0x0], $0xffff  }
0xae: {  	v48 =	vor.u32 v5, v35  }
0xaf: {  	v49 =	vor.u32 v5, v29;
	v50 =	vor.u32 v6, v32  }
0xb0: {  	v51 =	vor.u32 v6, v28  }
0xb1: {  	v19 =	vadd.f32 v19, v34  }
0xb2: {  	v37 =	vadd.f32 v63, v33  }
0xb3: {  	[tilespmem:v48+s22+$0x0] =	vst.idx.msk $0xffff, v19  }
0xb4: {  	[tilespmem:v49+s22+$0x0] =	vst.idx.msk $0xffff, v37;
	v19 =	vld.idx.msk [tilespmem:v50+s19+$0x0], $0xffff  }
0xb5: {  	v37 =	vld.idx.msk [tilespmem:v51+s19+$0x0], $0xffff  }
0xb6: {  	v52 =	vor.u32 v7, v35  }
0xb7: {  	v53 =	vor.u32 v7, v29;
	v54 =	vor.u32 v8, v32  }
0xb8: {  	v55 =	vor.u32 v8, v28  }
0xb9: {  	v19 =	vadd.f32 v19, v34  }
0xba: {  	v37 =	vadd.f32 v37, v33  }
0xbb: {  	[tilespmem:v52+s22+$0x0] =	vst.idx.msk $0xffff, v19  }
0xbc: {  	[tilespmem:v53+s22+$0x0] =	vst.idx.msk $0xffff, v37;
	v19 =	vor.u32 v9, v26;
	v56 =	vld.idx.msk [tilespmem:v54+s19+$0x0], $0xffff  }
0xbd: {  	v57 =	vor.u32 v10, v24;
	v45 =	vld.idx.msk [tilespmem:v55+s19+$0x0], $0xffff  }
0xbe: {  	v58 =	vor.u32 v10, v22;
	v59 =	vor.u32 v9, v35  }
0xbf: {  	v43 =	vadd.f32 v43, v25;
	v48 =	vor.u32 v10, v32  }
0xc0: {  	v44 =	vadd.f32 v44, v23;
	v49 =	vor.u32 v10, v28  }
0xc1: {  	[tilespmem:v19+s22+$0x0] =	vst.idx.msk $0xffff, v43;
	v19 =	vadd.f32 v56, v34  }
0xc2: {  	[tilespmem:v27+s22+$0x0] =	vst.idx.msk $0xffff, v44;
	v60 =	vadd.f32 v45, v33;
	v27 =	vld.idx.msk [tilespmem:v57+s19+$0x0], $0xffff  }
0xc3: {  	v61 =	vld.idx.msk [tilespmem:v58+s19+$0x0], $0xffff;
	[tilespmem:v59+s22+$0x0] =	vst.idx.msk $0xffff, v19  }
0xc4: {  	[tilespmem:v38+s22+$0x0] =	vst.idx.msk $0xffff, v60;
	v19 =	vor.u32 v11, v26;
	v62 =	vld.idx.msk [tilespmem:v48+s19+$0x0], $0xffff  }
0xc5: {  	v63 =	vor.u32 v11, v21;
	v52 =	vor.u32 v12, v24;
	v53 =	vld.idx.msk [tilespmem:v49+s19+$0x0], $0xffff  }
0xc6: {  	v55 =	vor.u32 v11, v35;
	v54 =	vor.u32 v12, v22  }
0xc7: {  	v56 =	vor.u32 v11, v29;
	v57 =	vor.u32 v12, v32;
	v27 =	vadd.f32 v27, v25  }
0xc8: {  	v58 =	vor.u32 v12, v28;
	v39 =	vadd.f32 v61, v23  }
0xc9: {  	[tilespmem:v19+s22+$0x0] =	vst.idx.msk $0xffff, v27;
	v19 =	vadd.f32 v62, v34  }
0xca: {  	[tilespmem:v63+s22+$0x0] =	vst.idx.msk $0xffff, v39;
	v59 =	vadd.f32 v53, v33;
	v27 =	vld.idx.msk [tilespmem:v52+s19+$0x0], $0xffff  }
0xcb: {  	v39 =	vld.idx.msk [tilespmem:v54+s19+$0x0], $0xffff;
	[tilespmem:v55+s22+$0x0] =	vst.idx.msk $0xffff, v19  }
0xcc: {  	[tilespmem:v56+s22+$0x0] =	vst.idx.msk $0xffff, v59;
	v19 =	vor.u32 v14, v20;
	v20 =	vor.u32 v13, v26;
	v61 =	vld.idx.msk [tilespmem:v57+s19+$0x0], $0xffff  }
0xcd: {  	v24 =	vor.u32 v14, v24;
	v60 =	vadd.f32 v40, v18;
	v62 =	vor.u32 v13, v21;
	v63 =	vld.idx.msk [tilespmem:v58+s19+$0x0], $0xffff  }
0xce: {  	v47 =	vor.u32 v14, v32;
	v22 =	vor.u32 v14, v22;
	v45 =	vor.u32 v13, v35  }
0xcf: {  	v46 =	vor.u32 v13, v29;
	[tilespmem:v42+s22+$0x0] =	vst.idx.msk $0xffff, v60;
	v27 =	vadd.f32 v27, v25  }
0xd0: {  	v28 =	vor.u32 v14, v28;
	v36 =	vld.idx.msk [tilespmem:v36+s19+$0x0], $0xffff;
	v39 =	vadd.f32 v39, v23  }
0xd1: {  	v19 =	vld.idx.msk [tilespmem:v19+s19+$0x0], $0xffff;
	[tilespmem:v20+s22+$0x0] =	vst.idx.msk $0xffff, v27;
	v20 =	vadd.f32 v61, v34  }
0xd2: {  	[tilespmem:v62+s22+$0x0] =	vst.idx.msk $0xffff, v39;
	v27 =	vadd.f32 v63, v33;
	v24 =	vld.idx.msk [tilespmem:v24+s19+$0x0], $0xffff  }
0xd3: {  	v16 =	vor.u32 v15, v16;
	v22 =	vld.idx.msk [tilespmem:v22+s19+$0x0], $0xffff;
	[tilespmem:v45+s22+$0x0] =	vst.idx.msk $0xffff, v20  }
0xd4: {  	[tilespmem:v46+s22+$0x0] =	vst.idx.msk $0xffff, v27;
	v20 =	vor.u32 v15, v26;
	v26 =	vld.idx.msk [tilespmem:v47+s19+$0x0], $0xffff  }
0xd5: {  	v18 =	vadd.f32 v36, v18;
	v21 =	vor.u32 v15, v21;
	v27 =	vld.idx.msk [tilespmem:v28+s19+$0x0], $0xffff  }
0xd6: {  	[tilespmem:v31+s22+$0x0] =	vst.idx.msk $0xffff, v41;
	v17 =	vadd.f32 v19, v17;
	v19 =	vor.u32 v15, v35  }
0xd7: {  	[tilespmem:v30+s22+$0x0] =	vst.idx.msk $0xffff, v18;
	v18 =	vadd.f32 v24, v25;
	v24 =	vor.u32 v15, v29  }
0xd8: {  	[tilespmem:v16+s22+$0x0] =	vst.idx.msk $0xffff, v17;
	v16 =	vadd.f32 v22, v23  }
0xd9: {  	s1 =	sshll.u32 s25, $0x13;
	[tilespmem:v20+s22+$0x0] =	vst.idx.msk $0xffff, v18;
	v17 =	vadd.f32 v26, v34  }
0xda: {  	s1 =	sor.u32 s7, s1;
	[tilespmem:v21+s22+$0x0] =	vst.idx.msk $0xffff, v16;
	v16 =	vadd.f32 v27, v33  }
0xdb: {  	s1 =	sshrl.u32 s1, $0x3;
	[tilespmem:v19+s22+$0x0] =	vst.idx.msk $0xffff, v17  }
0xdc: {  	s28 =	sadd.s32 s5, s1;
	[tilespmem:v24+s22+$0x0] =	vst.idx.msk $0xffff, v16  }
0xdd: {  	[hbm4b:s28+s3] =	stream.linear.scatter [tilespmem:s22], [sflag:$0x3], $0x400, $0x38;
	[tilespmem:$0x11600] =	vst v63  }
0xde: {  	s29 =	simm.s32 $0xDA00;
	s28 =	sadd.s32 s1, s8  }
0xdf: {  	[hbm4b:s28+s3] =	stream.linear.scatter [tilespmem:s29], [sflag:$0x3], $0x400, $0x38;
	[tilespmem:$0x11600] =	vst v63  }
0xe0: {  	s30 =	simm.s32 $0xDE00;
	s28 =	sadd.s32 s1, s9  }
0xe1: {  	[hbm4b:s28+s3] =	stream.linear.scatter [tilespmem:s30], [sflag:$0x3], $0x400, $0x38;
	[tilespmem:$0x11600] =	vst v63  }
0xe2: {  	s28 =	sadd.s32 s1, s10;
	s30 =	simm.s32 $0xE200  }
0xe3: {  	[hbm4b:s28+s3] =	stream.linear.scatter [tilespmem:s30], [sflag:$0x3], $0x400, $0x38;
	[tilespmem:$0x11600] =	vst v63  }
0xe4: {  	s28 =	sadd.s32 s1, s11;
	s30 =	simm.s32 $0xE600  }
0xe5: {  	[hbm4b:s28+s3] =	stream.linear.scatter [tilespmem:s30], [sflag:$0x3], $0x400, $0x38;
	[tilespmem:$0x11600] =	vst v63  }
0xe6: {  	s28 =	sadd.s32 s1, s12;
	s30 =	simm.s32 $0xEA00  }
0xe7: {  	[hbm4b:s28+s3] =	stream.linear.scatter [tilespmem:s30], [sflag:$0x3], $0x400, $0x38;
	[tilespmem:$0x11600] =	vst v63  }
0xe8: {  	s28 =	sadd.s32 s1, s13;
	s30 =	simm.s32 $0xEE00  }
0xe9: {  	[hbm4b:s28+s3] =	stream.linear.scatter [tilespmem:s30], [sflag:$0x3], $0x400, $0x38;
	[tilespmem:$0x11600] =	vst v63  }
0xea: {  	p0 =	seq.s32 s25, $0x63;
	s1 =	sadd.s32 s1, s14;
	s28 =	simm.s32 $0xF200  }
0xeb: {  	[hbm4b:s1+s3] =	stream.linear.scatter [tilespmem:s28], [sflag:$0x3], $0x400, $0x38;
	[tilespmem:$0x11600] =	vst v63  }
0xec: {  	p1 =	seq.s32 @!p0 s25, $0x0;
	s1 =	sshll.u32 @!p0 s25, $0x8;
	_ =	swait.ge [sflag:s31], $0x2000  }
0xed: {  	s29 =	simm.s32 @!p0 $0x9600;
	s1 =	sand.u32 @!p0 $0x3FFFFF00, s1;
	[sflag:s31] =	ssyncset.done $0x0  }
0xee: {  	s28 =	simm.s32 @!p0 $0x80;
	s1 =	sadd.s32 @!p0 $0x100, s1;
	[sflag:s31] =	ssyncadd.s32 $0xFFFFE000  }
0xef: {  	[tilespmem:s29], [sflag:$0x1] =	stream.indirect.gather @!p0 [hbm4b:s4+s28], $0x40, s1, s28, $0xb8;
	[tilespmem:$0x11600] =	vst v63  }
0xf0: {  	p0 =	por p0, !p1  }
0xf1: {  	_ =	swait.ge @p0 [sflag:s24], $0x400  }
0xf2: {  	[sflag:s24] =	ssyncset.done @p0 $0x0  }
0xf3: {  	[sflag:s24] =	ssyncadd.s32 @p0 $0xFFFFFC00  }
0xf4: {  	_ =	swait.ge @p0 [sflag:s24], $0x400  }
0xf5: {  	[sflag:s24] =	ssyncset.done @p0 $0x0  }
0xf6: {  	[sflag:s24] =	ssyncadd.s32 @p0 $0xFFFFFC00  }
0xf7: {  	_ =	swait.ge @p0 [sflag:s24], $0x400  }
0xf8: {  	[sflag:s24] =	ssyncset.done @p0 $0x0  }
0xf9: {  	[sflag:s24] =	ssyncadd.s32 @p0 $0xFFFFFC00  }
0xfa: {  	_ =	swait.ge @p0 [sflag:s24], $0x400  }
0xfb: {  	[sflag:s24] =	ssyncset.done @p0 $0x0  }
0xfc: {  	[sflag:s24] =	ssyncadd.s32 @p0 $0xFFFFFC00  }
0xfd: {  	_ =	swait.ge @p0 [sflag:s24], $0x400  }
0xfe: {  	s1 =	simm.s32 $0x0;
	[sflag:s24] =	ssyncset.done @p0 $0x0  }
0xff: {  	s28 =	sand.u32 $0xE, s1;
	[sflag:s24] =	ssyncadd.s32 @p0 $0xFFFFFC00  }
0x100: {  	s30 =	sor.u32 $0x1, s28;
	_ =	swait.ge @p0 [sflag:s24], $0x400  }
0x101: {  	v16 =	vadd.s32 s30, v0;
	s30 =	sshll.u32 s26, $0x6;
	[sflag:s24] =	ssyncset.done @p0 $0x0  }
0x102: {  	s1 =	sand.u32 $0x30, s1;
	s29 =	sand.u32 $0x3FFFFFC0, s30;
	v17 =	vand.u32 $0xF, v16;
	[sflag:s24] =	ssyncadd.s32 @p0 $0xFFFFFC00  }
0x103: {  	s29 =	sadd.s32 $0x6400, s29;
	v18 =	vor.u32 s1, v17;
	_ =	swait.ge @p0 [sflag:s24], $0x400  }
0x104: {  	v16 =	vand.u32 $0x7, v16;
	v19 =	vmov s29;
	v20 =	vand.u32 $0x38, v18;
	[sflag:s24] =	ssyncset.done @p0 $0x0  }
0x105: {  	v21 =	vadd.s32 s28, v0;
	v33 =	vor.u32 v16, v20;
	[sflag:s24] =	ssyncadd.s32 @p0 $0xFFFFFC00  }
0x106: {  	v16 =	vand.u32 $0xF, v21;
	v20 =	vor.u32 v1, v33;
	_ =	swait.ge @p0 [sflag:s24], $0x400  }
0x107: {  	v22 =	vor.u32 s1, v16;
	[sflag:s24] =	ssyncset.done @p0 $0x0  }
0x108: {  	v21 =	vand.u32 $0x7, v21;
	v23 =	vand.u32 $0x38, v22;
	[sflag:s24] =	ssyncadd.s32 @p0 $0xFFFFFC00  }
0x109: {  	v28 =	vor.u32 v21, v23;
	v24 =	vld.idx.msk [tilespmem:v19+s1+$0x0 ss:$0x1], $0xffff  }
0x10a: {  	v21 =	vor.u32 v1, v28  }
0x10b: {  	v20 =	vld.idx.msk [tilespmem:v20+s21+$0x0], $0xffff  }
0x10c: {  	v31 =	vshll.u32 v18, $0x7  }
0x10d: {  	v18 =	vor.u32 v0, v31  }
0x10e: {  	v30 =	vperm.xlane v24, v17;
	v17 =	vor.u32 v2, v33  }
0x10f: {  	v21 =	vld.idx.msk [tilespmem:v21+s21+$0x0], $0xffff  }
0x110: {  	v32 =	vshll.u32 v22, $0x7;
	v20 =	vadd.f32 v20, v30  }
0x111: {  	v22 =	vor.u32 v0, v32  }
0x112: {  	v29 =	vperm.xlane v24, v16;
	v16 =	vor.u32 v2, v28;
	[tilespmem:v18+s0+$0x0] =	vst.idx.msk $0xffff, v20  }
0x113: {  	v17 =	vld.idx.msk [tilespmem:v17+s21+$0x0], $0xffff  }
0x114: {  	v18 =	vadd.f32 v21, v29  }
0x115: {  	s1 =	simm.s32 $0x2;
	v20 =	vor.u32 v3, v31  }
0x116: {  	s28 =	sand.u32 $0xE, s1;
	v21 =	vor.u32 v4, v33;
	[tilespmem:v22+s0+$0x0] =	vst.idx.msk $0xffff, v18  }
0x117: {  	s30 =	sor.u32 $0x1, s28;
	v16 =	vld.idx.msk [tilespmem:v16+s21+$0x0], $0xffff  }
0x118: {  	v18 =	vadd.s32 s30, v0;
	v17 =	vadd.f32 v17, v30  }
0x119: {  	v26 =	vor.u32 v5, v31;
	s1 =	sand.u32 $0x30, s1;
	v22 =	vor.u32 v3, v32;
	v24 =	vand.u32 $0xF, v18  }
0x11a: {  	v25 =	vor.u32 v4, v28;
	v23 =	vadd.s32 s28, v0;
	[tilespmem:v20+s0+$0x0] =	vst.idx.msk $0xffff, v17;
	v17 =	vor.u32 s1, v24  }
0x11b: {  	v27 =	vand.u32 $0xF, v23;
	v18 =	vand.u32 $0x7, v18;
	v21 =	vld.idx.msk [tilespmem:v21+s21+$0x0], $0xffff;
	v20 =	vand.u32 $0x38, v17  }
0x11c: {  	v48 =	vor.u32 s1, v27;
	v16 =	vadd.f32 v16, v29;
	v20 =	vor.u32 v18, v20  }
0x11d: {  	v18 =	vand.u32 $0x7, v23;
	v23 =	vand.u32 $0x38, v48;
	v49 =	vor.u32 v1, v20  }
0x11e: {  	[tilespmem:v22+s0+$0x0] =	vst.idx.msk $0xffff, v16;
	v36 =	vor.u32 v18, v23;
	v18 =	vor.u32 v6, v33  }
0x11f: {  	v22 =	vld.idx.msk [tilespmem:v25+s21+$0x0], $0xffff;
	v23 =	vor.u32 v1, v36  }
0x120: {  	v16 =	vadd.f32 v21, v30  }
0x121: {  	v25 =	vld.idx.msk [tilespmem:v19+s1+$0x0 ss:$0x1], $0xffff  }
0x122: {  	v21 =	vor.u32 v5, v32;
	v35 =	vld.idx.msk [tilespmem:v49+s21+$0x0], $0xffff;
	[tilespmem:v26+s0+$0x0] =	vst.idx.msk $0xffff, v16  }
0x123: {  	v50 =	vld.idx.msk [tilespmem:v18+s21+$0x0], $0xffff  }
0x124: {  	v16 =	vshll.u32 v17, $0x7;
	v26 =	vor.u32 v6, v28;
	v18 =	vadd.f32 v22, v29;
	v22 =	vld.idx.msk [tilespmem:v23+s21+$0x0], $0xffff  }
0x125: {  	v51 =	vor.u32 v7, v31;
	v37 =	vshll.u32 v48, $0x7;
	v23 =	vor.u32 v0, v16  }
0x126: {  	v34 =	vor.u32 v0, v37;
	v17 =	vperm.xlane v25, v24;
	v24 =	vor.u32 v2, v20  }
0x127: {  	[tilespmem:v21+s0+$0x0] =	vst.idx.msk $0xffff, v18;
	v18 =	vperm.xlane v25, v27;
	v25 =	vor.u32 v2, v36  }
0x128: {  	v21 =	vor.u32 v8, v33;
	v27 =	vadd.f32 v35, v17  }
0x129: {  	v53 =	vor.u32 v9, v31;
	v26 =	vld.idx.msk [tilespmem:v26+s21+$0x0], $0xffff;
	v22 =	vadd.f32 v22, v18  }
0x12a: {  	v58 =	vor.u32 v10, v33;
	v52 =	vadd.f32 v50, v30;
	[tilespmem:v23+s0+$0x0] =	vst.idx.msk $0xffff, v27  }
0x12b: {  	v60 =	vor.u32 v9, v32;
	s1 =	simm.s32 $0x4;
	v23 =	vor.u32 v7, v32;
	v24 =	vld.idx.msk [tilespmem:v24+s21+$0x0], $0xffff;
	[tilespmem:v34+s0+$0x0] =	vst.idx.msk $0xffff, v22  }
0x12c: {  	v55 =	vor.u32 v10, v28;
	s28 =	sand.u32 $0xE, s1;
	v27 =	vor.u32 v8, v28;
	[tilespmem:v51+s0+$0x0] =	vst.idx.msk $0xffff, v52;
	v22 =	vld.idx.msk [tilespmem:v25+s21+$0x0], $0xffff  }
0x12d: {  	v59 =	vor.u32 v3, v37;
	v61 =	vadd.s32 s28, v0;
	v21 =	vld.idx.msk [tilespmem:v21+s21+$0x0], $0xffff;
	v25 =	vor.u32 v3, v16  }
0x12e: {  	v54 =	vor.u32 v4, v20;
	s1 =	sand.u32 $0x30, s1;
	v44 =	vand.u32 $0xF, v61;
	v26 =	vadd.f32 v26, v29  }
0x12f: {  	v56 =	vor.u32 v6, v20;
	v48 =	vor.u32 v10, v36;
	s30 =	sor.u32 $0x1, s28;
	v63 =	vor.u32 s1, v44  }
0x130: {  	[tilespmem:v23+s0+$0x0] =	vst.idx.msk $0xffff, v26;
	v23 =	vor.u32 v4, v36;
	v26 =	vadd.s32 s30, v0;
	v24 =	vadd.f32 v24, v17  }
0x131: {  	v49 =	vor.u32 v10, v20;
	v27 =	vld.idx.msk [tilespmem:v27+s21+$0x0], $0xffff;
	v43 =	vand.u32 $0xF, v26;
	v22 =	vadd.f32 v22, v18  }
0x132: {  	v62 =	vor.u32 v5, v16;
	v21 =	vadd.f32 v21, v30;
	[tilespmem:v25+s0+$0x0] =	vst.idx.msk $0xffff, v24;
	v25 =	vor.u32 s1, v43  }
0x133: {  	v40 =	vor.u32 v9, v16;
	v26 =	vand.u32 $0x7, v26;
	v35 =	vld.idx.msk [tilespmem:v54+s21+$0x0], $0xffff;
	v24 =	vand.u32 $0x38, v25;
	[tilespmem:v59+s0+$0x0] =	vst.idx.msk $0xffff, v22  }
0x134: {  	v51 =	vor.u32 v8, v20;
	[tilespmem:v53+s0+$0x0] =	vst.idx.msk $0xffff, v21;
	v21 =	vand.u32 $0x38, v63;
	v22 =	vor.u32 v26, v24  }
0x135: {  	v59 =	vor.u32 v6, v36;
	v24 =	vand.u32 $0x7, v61;
	v23 =	vld.idx.msk [tilespmem:v23+s21+$0x0], $0xffff;
	v26 =	vor.u32 v1, v22  }
0x136: {  	v53 =	vor.u32 v7, v16;
	v34 =	vld.idx.msk [tilespmem:v58+s21+$0x0], $0xffff;
	v24 =	vor.u32 v24, v21;
	v27 =	vadd.f32 v27, v29  }
0x137: {  	v57 =	vld.idx.msk [tilespmem:v19+s1+$0x0 ss:$0x1], $0xffff;
	v21 =	vshll.u32 v25, $0x7;
	v25 =	vor.u32 v5, v37;
	v58 =	vor.u32 v1, v24  }
0x138: {  	v61 =	vor.u32 v11, v32;
	[tilespmem:v60+s0+$0x0] =	vst.idx.msk $0xffff, v27;
	v35 =	vadd.f32 v35, v17  }
0x139: {  	v41 =	vor.u32 v4, v22;
	v52 =	vor.u32 v0, v21;
	v27 =	vor.u32 v11, v31;
	v38 =	vld.idx.msk [tilespmem:v55+s21+$0x0], $0xffff  }
0x13a: {  	v60 =	vor.u32 v12, v33;
	v23 =	vadd.f32 v23, v18;
	v50 =	vld.idx.msk [tilespmem:v26+s21+$0x0], $0xffff;
	[tilespmem:v62+s0+$0x0] =	vst.idx.msk $0xffff, v35  }
0x13b: {  	v34 =	vadd.f32 v34, v30;
	v26 =	vshll.u32 v63, $0x7;
	v62 =	vor.u32 v2, v22;
	v35 =	vld.idx.msk [tilespmem:v56+s21+$0x0], $0xffff  }
0x13c: {  	v56 =	vor.u32 v12, v28;
	v47 =	vld.idx.msk [tilespmem:v58+s21+$0x0], $0xffff;
	[tilespmem:v25+s0+$0x0] =	vst.idx.msk $0xffff, v23;
	v23 =	vperm.xlane v57, v43  }
0x13d: {  	v54 =	vor.u32 v0, v26;
	v25 =	vperm.xlane v57, v44;
	v57 =	vor.u32 v2, v24  }
0x13e: {  	v44 =	vor.u32 v13, v31;
	v63 =	vld.idx.msk [tilespmem:v59+s21+$0x0], $0xffff;
	[tilespmem:v27+s0+$0x0] =	vst.idx.msk $0xffff, v34;
	v27 =	vadd.f32 v38, v29  }
0x13f: {  	v28 =	vor.u32 v14, v28;
	v31 =	vor.u32 v15, v31;
	v55 =	vld.idx.msk [tilespmem:v60+s21+$0x0], $0xffff;
	v58 =	vadd.f32 v50, v23  }
0x140: {  	v59 =	vor.u32 v7, v37;
	[tilespmem:v61+s0+$0x0] =	vst.idx.msk $0xffff, v27;
	v35 =	vadd.f32 v35, v17  }
0x141: {  	v27 =	vor.u32 v9, v21;
	v60 =	vadd.f32 v47, v25;
	v39 =	vld.idx.msk [tilespmem:v56+s21+$0x0], $0xffff;
	[tilespmem:v52+s0+$0x0] =	vst.idx.msk $0xffff, v58  }
0x142: {  	v61 =	vor.u32 v8, v36;
	v56 =	vor.u32 v13, v32;
	v43 =	vld.idx.msk [tilespmem:v62+s21+$0x0], $0xffff;
	[tilespmem:v53+s0+$0x0] =	vst.idx.msk $0xffff, v35  }
0x143: {  	v58 =	vor.u32 v3, v26;
	v62 =	vadd.f32 v63, v18;
	[tilespmem:v54+s0+$0x0] =	vst.idx.msk $0xffff, v60;
	v63 =	vld.idx.msk [tilespmem:v51+s21+$0x0], $0xffff  }
0x144: {  	s28 =	simm.s32 $0x6;
	v52 =	vor.u32 v9, v37;
	v38 =	vadd.f32 v55, v30;
	v42 =	vld.idx.msk [tilespmem:v57+s21+$0x0], $0xffff;
	v57 =	vor.u32 v3, v21  }
0x145: {  	s1 =	sand.u32 $0xE, s28;
	v35 =	vor.u32 v15, v32;
	v54 =	vor.u32 v8, v22;
	v51 =	vor.u32 v5, v21  }
0x146: {  	s30 =	sor.u32 $0x1, s1;
	[tilespmem:v59+s0+$0x0] =	vst.idx.msk $0xffff, v62;
	v59 =	vor.u32 v4, v24;
	v39 =	vadd.f32 v39, v29  }
0x147: {  	v60 =	vadd.s32 s30, v0;
	[tilespmem:v44+s0+$0x0] =	vst.idx.msk $0xffff, v38;
	v44 =	vor.u32 v12, v36;
	v43 =	vadd.f32 v43, v23  }
0x148: {  	s30 =	sand.u32 $0x30, s28;
	v45 =	vand.u32 $0xF, v60;
	v47 =	vld.idx.msk [tilespmem:v61+s21+$0x0], $0xffff;
	v61 =	vadd.s32 s1, v0;
	[tilespmem:v56+s0+$0x0] =	vst.idx.msk $0xffff, v39;
	v34 =	vadd.f32 v63, v17  }
0x149: {  	v38 =	vand.u32 $0xF, v61;
	v42 =	vadd.f32 v42, v25;
	v62 =	vld.idx.msk [tilespmem:v28+s21+$0x0], $0xffff;
	v63 =	vor.u32 s30, v45;
	[tilespmem:v57+s0+$0x0] =	vst.idx.msk $0xffff, v43  }
0x14a: {  	v56 =	vand.u32 $0x7, v60;
	v53 =	vor.u32 s30, v38;
	v28 =	vand.u32 $0x38, v63;
	v41 =	vld.idx.msk [tilespmem:v41+s21+$0x0], $0xffff  }
0x14b: {  	v57 =	vand.u32 $0x7, v61;
	v61 =	vor.u32 v6, v22;
	[tilespmem:v58+s0+$0x0] =	vst.idx.msk $0xffff, v42;
	v28 =	vor.u32 v56, v28  }
0x14c: {  	[tilespmem:v40+s0+$0x0] =	vst.idx.msk $0xffff, v34;
	v58 =	vand.u32 $0x38, v53;
	v40 =	vld.idx.msk [tilespmem:v59+s21+$0x0], $0xffff;
	v59 =	vor.u32 v1, v28  }
0x14d: {  	v55 =	vadd.f32 v47, v18;
	v32 =	vor.u32 v57, v58;
	v60 =	vld.idx.msk [tilespmem:v49+s21+$0x0], $0xffff;
	v57 =	vor.u32 v5, v26  }
0x14e: {  	v47 =	vld.idx.msk [tilespmem:v19+s30+$0x0 ss:$0x1], $0xffff;
	v58 =	vor.u32 v6, v24;
	v56 =	vor.u32 v1, v32;
	v43 =	vadd.f32 v62, v29  }
0x14f: {  	[tilespmem:v52+s0+$0x0] =	vst.idx.msk $0xffff, v55;
	v29 =	vshll.u32 v63, $0x7;
	v62 =	vor.u32 v11, v16;
	v41 =	vadd.f32 v41, v23  }
0x150: {  	v48 =	vld.idx.msk [tilespmem:v48+s21+$0x0], $0xffff;
	v63 =	vor.u32 v12, v20;
	v55 =	vor.u32 v0, v29;
	[tilespmem:v35+s0+$0x0] =	vst.idx.msk $0xffff, v43  }
0x151: {  	v42 =	vld.idx.msk [tilespmem:v59+s21+$0x0], $0xffff;
	v59 =	vadd.f32 v40, v25;
	v40 =	vor.u32 v14, v33;
	[tilespmem:v51+s0+$0x0] =	vst.idx.msk $0xffff, v41  }
0x152: {  	v35 =	vshll.u32 v53, $0x7;
	v60 =	vadd.f32 v60, v17;
	v41 =	vld.idx.msk [tilespmem:v61+s21+$0x0], $0xffff;
	v61 =	vor.u32 v11, v37  }
0x153: {  	v53 =	vor.u32 v7, v26;
	v33 =	vperm.xlane v47, v45;
	v49 =	vld.idx.msk [tilespmem:v56+s21+$0x0], $0xffff;
	[tilespmem:v57+s0+$0x0] =	vst.idx.msk $0xffff, v59  }
0x154: {  	v56 =	vor.u32 v7, v21;
	[tilespmem:v62+s0+$0x0] =	vst.idx.msk $0xffff, v60;
	v62 =	vor.u32 v2, v28;
	v46 =	vld.idx.msk [tilespmem:v58+s21+$0x0], $0xffff  }
0x155: {  	v34 =	vperm.xlane v47, v38;
	v48 =	vadd.f32 v48, v18;
	v43 =	vld.idx.msk [tilespmem:v63+s21+$0x0], $0xffff;
	v63 =	vor.u32 v0, v35  }
0x156: {  	v47 =	vor.u32 v2, v32;
	v51 =	vor.u32 v13, v16;
	v57 =	vld.idx.msk [tilespmem:v40+s21+$0x0], $0xffff;
	v60 =	vadd.f32 v42, v33  }
0x157: {  	v58 =	vor.u32 v8, v24;
	v41 =	vadd.f32 v41, v23;
	[tilespmem:v61+s0+$0x0] =	vst.idx.msk $0xffff, v48  }
0x158: {  	v36 =	vor.u32 v14, v36;
	v61 =	vadd.f32 v49, v34;
	[tilespmem:v55+s0+$0x0] =	vst.idx.msk $0xffff, v60;
	v40 =	vld.idx.msk [tilespmem:v44+s21+$0x0], $0xffff  }
0x159: {  	v39 =	vor.u32 v4, v28;
	v45 =	vld.idx.msk [tilespmem:v62+s21+$0x0], $0xffff;
	v62 =	vadd.f32 v46, v25;
	[tilespmem:v56+s0+$0x0] =	vst.idx.msk $0xffff, v41  }
0x15a: {  	v38 =	vor.u32 v9, v29;
	[tilespmem:v63+s0+$0x0] =	vst.idx.msk $0xffff, v61;
	v63 =	vadd.f32 v43, v17;
	v44 =	vld.idx.msk [tilespmem:v54+s21+$0x0], $0xffff  }
0x15b: {  	v42 =	vor.u32 v13, v37;
	v46 =	vld.idx.msk [tilespmem:v47+s21+$0x0], $0xffff;
	[tilespmem:v53+s0+$0x0] =	vst.idx.msk $0xffff, v62;
	v41 =	vadd.f32 v57, v30  }
0x15c: {  	v47 =	vor.u32 v3, v29;
	v30 =	vor.u32 v15, v37;
	v43 =	vld.idx.msk [tilespmem:v58+s21+$0x0], $0xffff;
	[tilespmem:v51+s0+$0x0] =	vst.idx.msk $0xffff, v63  }
.LBB2_5:
0x15d: {  	s28 =	sadd.s32 $0x2, s28;
	v37 =	vor.u32 v10, v24;
	v48 =	vor.u32 v10, v22;
	[tilespmem:v31+s0+$0x0] =	vst.idx.msk $0xffff, v41;
	v41 =	vmov v24  }
0x15e: {  	v31 =	vor.u32 v3, v35;
	v49 =	vor.u32 v9, v26;
	v40 =	vadd.f32 v40, v18;
	v24 =	vmovc v32;
	s1 =	sand.u32 $0xE, s28;
	p0 =	slt.u32 s28, $0x3E  }
0x15f: {  	v51 =	vmovc v29;
	v52 =	vmovc v26;
	v50 =	vor.u32 v4, v24;
	v45 =	vadd.f32 v45, v33;
	v32 =	vadd.s32 s1, v0;
	s1 =	sor.u32 $0x1, s1  }
0x160: {  	v53 =	vor.u32 v5, v51;
	v29 =	vadd.f32 v44, v23;
	v26 =	vadd.s32 s1, v0;
	[tilespmem:v42+s0+$0x0] =	vst.idx.msk $0xffff, v40  }
0x161: {  	s1 =	sand.u32 $0x30, s28;
	v40 =	vand.u32 $0xF, v32;
	v44 =	vadd.f32 v46, v34;
	v42 =	vand.u32 $0xF, v26;
	[tilespmem:v47+s0+$0x0] =	vst.idx.msk $0xffff, v45;
	v36 =	vld.idx.msk [tilespmem:v36+s21+$0x0], $0xffff  }
0x162: {  	v32 =	vand.u32 $0x7, v32;
	v45 =	vor.u32 s1, v40;
	v46 =	vor.u32 s1, v42;
	v47 =	vld.idx.msk [tilespmem:v39+s21+$0x0], $0xffff;
	[tilespmem:v27+s0+$0x0] =	vst.idx.msk $0xffff, v29;
	v27 =	vmovc v38  }
0x163: {  	v29 =	vand.u32 $0x38, v45;
	v39 =	vand.u32 $0x7, v26;
	v54 =	vld.idx.msk [tilespmem:v19+s1+$0x0 ss:$0x1], $0xffff;
	v38 =	vand.u32 $0x38, v46;
	[tilespmem:v31+s0+$0x0] =	vst.idx.msk $0xffff, v44;
	v26 =	vmovc v35  }
0x164: {  	v32 =	vor.u32 v32, v29;
	v29 =	vshll.u32 v46, $0x7;
	v31 =	vor.u32 v39, v38;
	v35 =	vld.idx.msk [tilespmem:v50+s21+$0x0], $0xffff;
	v50 =	vmovc v17  }
0x165: {  	v44 =	vor.u32 v1, v32;
	v46 =	vor.u32 v1, v31;
	v39 =	vor.u32 v4, v31;
	v48 =	vld.idx.msk [tilespmem:v48+s21+$0x0], $0xffff  }
0x166: {  	v55 =	vor.u32 v6, v28;
	v43 =	vadd.f32 v43, v25;
	v38 =	vor.u32 v9, v29;
	v17 =	vmovc v23  }
0x167: {  	v57 =	vor.u32 v11, v21;
	v56 =	vor.u32 v5, v26;
	v23 =	vmovc v33;
	v36 =	vadd.f32 v36, v18  }
0x168: {  	v33 =	vor.u32 v6, v24;
	v18 =	vmov v25;
	v47 =	vadd.f32 v47, v23;
	[tilespmem:v49+s0+$0x0] =	vst.idx.msk $0xffff, v43  }
0x169: {  	v25 =	vmov v34;
	v43 =	vor.u32 v12, v22;
	v37 =	vld.idx.msk [tilespmem:v37+s21+$0x0], $0xffff;
	[tilespmem:v30+s0+$0x0] =	vst.idx.msk $0xffff, v36  }
0x16a: {  	v34 =	vadd.f32 v35, v25;
	v36 =	vor.u32 v14, v20;
	v30 =	vld.idx.msk [tilespmem:v46+s21+$0x0], $0xffff;
	[tilespmem:v53+s0+$0x0] =	vst.idx.msk $0xffff, v47  }
0x16b: {  	v47 =	vor.u32 v12, v41;
	v59 =	vadd.f32 v48, v17;
	v48 =	vor.u32 v13, v21;
	v46 =	vld.idx.msk [tilespmem:v55+s21+$0x0], $0xffff  }
0x16c: {  	v49 =	vor.u32 v8, v28;
	v53 =	vor.u32 v11, v52;
	v44 =	vld.idx.msk [tilespmem:v44+s21+$0x0], $0xffff;
	[tilespmem:v56+s0+$0x0] =	vst.idx.msk $0xffff, v34  }
0x16d: {  	v58 =	vor.u32 v7, v51;
	v55 =	vor.u32 v0, v29;
	v56 =	vld.idx.msk [tilespmem:v33+s21+$0x0], $0xffff;
	[tilespmem:v57+s0+$0x0] =	vst.idx.msk $0xffff, v59  }
0x16e: {  	v35 =	vshll.u32 v45, $0x7;
	v20 =	vmovc v22;
	v33 =	vperm.xlane v54, v42;
	v42 =	vor.u32 v2, v31;
	v43 =	vld.idx.msk [tilespmem:v43+s21+$0x0], $0xffff  }
0x16f: {  	v57 =	vor.u32 v0, v35;
	v59 =	vor.u32 v7, v26;
	v37 =	vadd.f32 v37, v18;
	v60 =	vld.idx.msk [tilespmem:v36+s21+$0x0], $0xffff  }
0x170: {  	v22 =	vmovc v28;
	v34 =	vperm.xlane v54, v40;
	v54 =	vor.u32 v2, v32;
	v30 =	vadd.f32 v30, v33  }
0x171: {  	v61 =	vor.u32 v8, v24;
	v28 =	vmov v31;
	v36 =	vadd.f32 v46, v23;
	[tilespmem:v53+s0+$0x0] =	vst.idx.msk $0xffff, v37  }
.Ltmp1:
0x172: {  	v31 =	vor.u32 v15, v16;
	v37 =	vadd.f32 v44, v34;
	[tilespmem:v55+s0+$0x0] =	vst.idx.msk $0xffff, v30;
	v40 =	vld.idx.msk [tilespmem:v47+s21+$0x0], $0xffff;
	(pc) =	sbr.rel @p0 .LBB2_5-.Ltmp1, $4  }
0x173: {  	v16 =	vmov v21;
	v21 =	vmov v51;
	v30 =	vadd.f32 v56, v25;
	v45 =	vld.idx.msk [tilespmem:v42+s21+$0x0], $0xffff;
	[tilespmem:v58+s0+$0x0] =	vst.idx.msk $0xffff, v36  }
0x174: {  	v36 =	vor.u32 v14, v41;
	[tilespmem:v57+s0+$0x0] =	vst.idx.msk $0xffff, v37;
	v44 =	vld.idx.msk [tilespmem:v49+s21+$0x0], $0xffff;
	v37 =	vadd.f32 v43, v17  }
0x175: {  	v42 =	vor.u32 v13, v52;
	v41 =	vadd.f32 v60, v50;
	v46 =	vld.idx.msk [tilespmem:v54+s21+$0x0], $0xffff;
	[tilespmem:v59+s0+$0x0] =	vst.idx.msk $0xffff, v30  }
0x176: {  	v47 =	vor.u32 v3, v29;
	v30 =	vor.u32 v15, v52;
	v43 =	vld.idx.msk [tilespmem:v61+s21+$0x0], $0xffff;
	[tilespmem:v48+s0+$0x0] =	vst.idx.msk $0xffff, v37  }
0x177: {  	v19 =	vor.u32 v3, v35  }
0x178: {  	v37 =	vor.u32 v4, v32  }
0x179: {  	v45 =	vadd.f32 v45, v33  }
0x17a: {  	v46 =	vadd.f32 v46, v34  }
0x17b: {  	[tilespmem:v47+s0+$0x0] =	vst.idx.msk $0xffff, v45  }
0x17c: {  	v60 =	vld.idx.msk [tilespmem:v39+s21+$0x0], $0xffff;
	[tilespmem:v19+s0+$0x0] =	vst.idx.msk $0xffff, v46  }
0x17d: {  	v19 =	vld.idx.msk [tilespmem:v37+s21+$0x0], $0xffff  }
0x17e: {  	v62 =	vor.u32 v5, v29  }
0x17f: {  	v61 =	vor.u32 v5, v35;
	v48 =	vor.u32 v6, v28  }
0x180: {  	v63 =	vor.u32 v6, v32  }
0x181: {  	v37 =	vadd.f32 v60, v33  }
0x182: {  	v19 =	vadd.f32 v19, v34  }
0x183: {  	[tilespmem:v62+s0+$0x0] =	vst.idx.msk $0xffff, v37  }
0x184: {  	v37 =	vld.idx.msk [tilespmem:v48+s21+$0x0], $0xffff;
	[tilespmem:v61+s0+$0x0] =	vst.idx.msk $0xffff, v19  }
0x185: {  	v19 =	vld.idx.msk [tilespmem:v63+s21+$0x0], $0xffff  }
0x186: {  	v50 =	vor.u32 v7, v29  }
0x187: {  	v49 =	vor.u32 v7, v35;
	v52 =	vor.u32 v8, v28  }
0x188: {  	v51 =	vor.u32 v8, v32  }
0x189: {  	v37 =	vadd.f32 v37, v33  }
0x18a: {  	v19 =	vadd.f32 v19, v34  }
0x18b: {  	v53 =	vor.u32 v9, v26;
	[tilespmem:v50+s0+$0x0] =	vst.idx.msk $0xffff, v37  }
0x18c: {  	v55 =	vor.u32 v10, v24;
	v45 =	vld.idx.msk [tilespmem:v52+s21+$0x0], $0xffff;
	[tilespmem:v49+s0+$0x0] =	vst.idx.msk $0xffff, v19  }
0x18d: {  	v56 =	vor.u32 v10, v22;
	v54 =	vld.idx.msk [tilespmem:v51+s21+$0x0], $0xffff  }
0x18e: {  	v43 =	vadd.f32 v43, v25  }
0x18f: {  	v57 =	vor.u32 v9, v35;
	v44 =	vadd.f32 v44, v23;
	v49 =	vor.u32 v10, v28  }
0x190: {  	[tilespmem:v53+s0+$0x0] =	vst.idx.msk $0xffff, v43;
	v48 =	vor.u32 v10, v32  }
0x191: {  	[tilespmem:v27+s0+$0x0] =	vst.idx.msk $0xffff, v44;
	v59 =	vld.idx.msk [tilespmem:v55+s21+$0x0], $0xffff;
	v60 =	vadd.f32 v45, v33  }
0x192: {  	v61 =	vld.idx.msk [tilespmem:v56+s21+$0x0], $0xffff;
	v58 =	vadd.f32 v54, v34  }
0x193: {  	[tilespmem:v38+s0+$0x0] =	vst.idx.msk $0xffff, v60  }
0x194: {  	v52 =	vor.u32 v11, v21;
	v54 =	vld.idx.msk [tilespmem:v49+s21+$0x0], $0xffff;
	[tilespmem:v57+s0+$0x0] =	vst.idx.msk $0xffff, v58  }
0x195: {  	v55 =	vor.u32 v12, v22;
	v62 =	vor.u32 v11, v26;
	v63 =	vld.idx.msk [tilespmem:v48+s21+$0x0], $0xffff  }
0x196: {  	v53 =	vor.u32 v12, v24;
	v27 =	vadd.f32 v59, v25;
	v57 =	vor.u32 v11, v29  }
0x197: {  	v59 =	vor.u32 v12, v28;
	v56 =	vor.u32 v11, v35;
	v39 =	vadd.f32 v61, v23  }
0x198: {  	v58 =	vor.u32 v12, v32  }
0x199: {  	[tilespmem:v52+s0+$0x0] =	vst.idx.msk $0xffff, v39;
	v61 =	vadd.f32 v54, v33  }
0x19a: {  	[tilespmem:v62+s0+$0x0] =	vst.idx.msk $0xffff, v27;
	v39 =	vld.idx.msk [tilespmem:v55+s21+$0x0], $0xffff;
	v60 =	vadd.f32 v63, v34  }
0x19b: {  	v27 =	vld.idx.msk [tilespmem:v53+s21+$0x0], $0xffff;
	v63 =	vor.u32 v14, v20;
	[tilespmem:v57+s0+$0x0] =	vst.idx.msk $0xffff, v61  }
0x19c: {  	v47 =	vor.u32 v13, v21;
	v49 =	vld.idx.msk [tilespmem:v59+s21+$0x0], $0xffff;
	[tilespmem:v56+s0+$0x0] =	vst.idx.msk $0xffff, v60  }
0x19d: {  	v50 =	vor.u32 v14, v22;
	v45 =	vor.u32 v13, v26;
	v46 =	vld.idx.msk [tilespmem:v58+s21+$0x0], $0xffff  }
0x19e: {  	v62 =	vadd.f32 v40, v18;
	v52 =	vor.u32 v13, v29;
	v48 =	vor.u32 v14, v24  }
0x19f: {  	v51 =	vor.u32 v13, v35;
	v39 =	vadd.f32 v39, v23;
	v54 =	vor.u32 v14, v28  }
0x1a0: {  	v53 =	vor.u32 v14, v32;
	[tilespmem:v42+s0+$0x0] =	vst.idx.msk $0xffff, v62;
	v27 =	vadd.f32 v27, v25;
	v19 =	vld.idx.msk [tilespmem:v63+s21+$0x0], $0xffff  }
0x1a1: {  	v36 =	vld.idx.msk [tilespmem:v36+s21+$0x0], $0xffff;
	[tilespmem:v47+s0+$0x0] =	vst.idx.msk $0xffff, v39;
	v56 =	vadd.f32 v49, v33  }
0x1a2: {  	v16 =	vor.u32 v15, v16;
	[tilespmem:v45+s0+$0x0] =	vst.idx.msk $0xffff, v27;
	v22 =	vld.idx.msk [tilespmem:v50+s21+$0x0], $0xffff;
	v55 =	vadd.f32 v46, v34  }
0x1a3: {  	v24 =	vld.idx.msk [tilespmem:v48+s21+$0x0], $0xffff;
	[tilespmem:v52+s0+$0x0] =	vst.idx.msk $0xffff, v56  }
0x1a4: {  	v60 =	vor.u32 v15, v21;
	v27 =	vld.idx.msk [tilespmem:v54+s21+$0x0], $0xffff;
	[tilespmem:v51+s0+$0x0] =	vst.idx.msk $0xffff, v55  }
0x1a5: {  	v57 =	vor.u32 v15, v26;
	v17 =	vadd.f32 v19, v17;
	v58 =	vld.idx.msk [tilespmem:v53+s21+$0x0], $0xffff  }
0x1a6: {  	[tilespmem:v31+s0+$0x0] =	vst.idx.msk $0xffff, v41;
	v59 =	vadd.f32 v36, v18;
	v63 =	vor.u32 v15, v29  }
0x1a7: {  	v61 =	vor.u32 v15, v35;
	[tilespmem:v16+s0+$0x0] =	vst.idx.msk $0xffff, v17;
	v16 =	vadd.f32 v22, v23  }
0x1a8: {  	[tilespmem:v30+s0+$0x0] =	vst.idx.msk $0xffff, v59;
	v62 =	vadd.f32 v24, v25  }
0x1a9: {  	s1 =	sshll.u32 s26, $0x12;
	[tilespmem:v60+s0+$0x0] =	vst.idx.msk $0xffff, v16;
	v16 =	vadd.f32 v27, v33  }
0x1aa: {  	s1 =	sor.u32 s7, s1;
	[tilespmem:v57+s0+$0x0] =	vst.idx.msk $0xffff, v62;
	v17 =	vadd.f32 v58, v34  }
0x1ab: {  	s1 =	sshrl.u32 s1, $0x3;
	[tilespmem:v63+s0+$0x0] =	vst.idx.msk $0xffff, v16  }
0x1ac: {  	s29 =	sadd.s32 s5, s1;
	[tilespmem:v61+s0+$0x0] =	vst.idx.msk $0xffff, v17  }
0x1ad: {  	[hbm4b:s29+s3] =	stream.linear.scatter [tilespmem:s0], [sflag:$0x4], $0x400, $0x38;
	[tilespmem:$0x11600] =	vst v63  }
0x1ae: {  	s28 =	simm.s32 $0xFA00;
	s30 =	sadd.s32 s1, s8  }
0x1af: {  	[hbm4b:s30+s3] =	stream.linear.scatter [tilespmem:s28], [sflag:$0x4], $0x400, $0x38;
	[tilespmem:$0x11600] =	vst v63  }
0x1b0: {  	s29 =	sadd.s32 s1, s9  }
0x1b1: {  	[hbm4b:s29+s3] =	stream.linear.scatter [tilespmem:s2], [sflag:$0x4], $0x400, $0x38;
	[tilespmem:$0x11600] =	vst v63  }
0x1b2: {  	s30 =	sadd.s32 s1, s10  }
0x1b3: {  	[hbm4b:s30+s3] =	stream.linear.scatter [tilespmem:s17], [sflag:$0x4], $0x400, $0x38;
	[tilespmem:$0x11600] =	vst v63  }
0x1b4: {  	s25 =	sadd.s32 $0x1, s25;
	s28 =	sadd.s32 s1, s11  }
0x1b5: {  	[hbm4b:s28+s3] =	stream.linear.scatter [tilespmem:s6], [sflag:$0x4], $0x400, $0x38;
	[tilespmem:$0x11600] =	vst v63  }
0x1b6: {  	p0 =	sne.s32 s25, $0x64;
	s29 =	sadd.s32 s1, s12  }
0x1b7: {  	[hbm4b:s29+s3] =	stream.linear.scatter [tilespmem:s15], [sflag:$0x4], $0x400, $0x38;
	[tilespmem:$0x11600] =	vst v63  }
.Ltmp2:
0x1b8: {  	_ = 	snop;
	(pc) =	sbr.rel @p0 .LBB2_2-.Ltmp2, $4  }
0x1b9: {  	s30 =	sadd.s32 s1, s13  }
0x1ba: {  	[hbm4b:s30+s3] =	stream.linear.scatter [tilespmem:s16], [sflag:$0x4], $0x400, $0x38;
	[tilespmem:$0x11600] =	vst v63  }
0x1bb: {  	s1 =	sadd.s32 s1, s14  }
0x1bc: {  	[hbm4b:s1+s3] =	stream.linear.scatter [tilespmem:s23], [sflag:$0x4], $0x400, $0x38;
	[tilespmem:$0x11600] =	vst v63  }
0x1bd: {  	s1 =	simm.s32 $0x3  }
0x1be: {  	_ =	swait.ge [sflag:s1], $0x400  }
0x1bf: {  	[sflag:s1] =	ssyncset.done $0x0  }
0x1c0: {  	[sflag:s1] =	ssyncadd.s32 $0xFFFFFC00  }
0x1c1: {  	_ =	swait.ge [sflag:s1], $0x400  }
0x1c2: {  	[sflag:s1] =	ssyncset.done $0x0  }
0x1c3: {  	[sflag:s1] =	ssyncadd.s32 $0xFFFFFC00  }
0x1c4: {  	_ =	swait.ge [sflag:s1], $0x400  }
0x1c5: {  	[sflag:s1] =	ssyncset.done $0x0  }
0x1c6: {  	[sflag:s1] =	ssyncadd.s32 $0xFFFFFC00  }
0x1c7: {  	_ =	swait.ge [sflag:s1], $0x400  }
0x1c8: {  	[sflag:s1] =	ssyncset.done $0x0  }
0x1c9: {  	[sflag:s1] =	ssyncadd.s32 $0xFFFFFC00  }
0x1ca: {  	_ =	swait.ge [sflag:s1], $0x400  }
0x1cb: {  	[sflag:s1] =	ssyncset.done $0x0  }
0x1cc: {  	[sflag:s1] =	ssyncadd.s32 $0xFFFFFC00  }
0x1cd: {  	_ =	swait.ge [sflag:s1], $0x400  }
0x1ce: {  	[sflag:s1] =	ssyncset.done $0x0  }
0x1cf: {  	[sflag:s1] =	ssyncadd.s32 $0xFFFFFC00  }
0x1d0: {  	_ =	swait.ge [sflag:s1], $0x400  }
0x1d1: {  	[sflag:s1] =	ssyncset.done $0x0  }
0x1d2: {  	[sflag:s1] =	ssyncadd.s32 $0xFFFFFC00  }
0x1d3: {  	_ =	swait.ge [sflag:s1], $0x400  }
0x1d4: {  	[sflag:s1] =	ssyncset.done $0x0  }
0x1d5: {  	[sflag:s1] =	ssyncadd.s32 $0xFFFFFC00  }
0x1d6: {  	_ =	swait.ge [sflag:s24], $0x400  }
0x1d7: {  	[sflag:s24] =	ssyncset.done $0x0  }
0x1d8: {  	[sflag:s24] =	ssyncadd.s32 $0xFFFFFC00  }
0x1d9: {  	_ =	swait.ge [sflag:s24], $0x400  }
0x1da: {  	[sflag:s24] =	ssyncset.done $0x0  }
0x1db: {  	[sflag:s24] =	ssyncadd.s32 $0xFFFFFC00  }
0x1dc: {  	_ =	swait.ge [sflag:s24], $0x400  }
0x1dd: {  	[sflag:s24] =	ssyncset.done $0x0  }
0x1de: {  	[sflag:s24] =	ssyncadd.s32 $0xFFFFFC00  }
0x1df: {  	_ =	swait.ge [sflag:s24], $0x400  }
0x1e0: {  	[sflag:s24] =	ssyncset.done $0x0  }
0x1e1: {  	[sflag:s24] =	ssyncadd.s32 $0xFFFFFC00  }
0x1e2: {  	_ =	swait.ge [sflag:s24], $0x400  }
0x1e3: {  	[sflag:s24] =	ssyncset.done $0x0  }
0x1e4: {  	[sflag:s24] =	ssyncadd.s32 $0xFFFFFC00  }
0x1e5: {  	_ =	swait.ge [sflag:s24], $0x400  }
0x1e6: {  	[sflag:s24] =	ssyncset.done $0x0  }
0x1e7: {  	[sflag:s24] =	ssyncadd.s32 $0xFFFFFC00  }
0x1e8: {  	_ =	swait.ge [sflag:s24], $0x400  }
0x1e9: {  	[sflag:s24] =	ssyncset.done $0x0  }
0x1ea: {  	[sflag:s24] =	ssyncadd.s32 $0xFFFFFC00  }
0x1eb: {  	_ =	swait.ge [sflag:s24], $0x400  }
0x1ec: {  	s25 =	rddreg [dreg:$0x6]  }
0x1ed: {  	s30 =	rddreg [dreg:$0x5];
	s25 =	sadd.s32 $0x1, s25  }
0x1ee: {  	p0 =	sne.s32 s25, s30  }
.Ltmp3:
0x1ef: {  	_ = 	snop;
	(pc) =	sbr.rel @p0 .LBB2_1-.Ltmp3, $3  }
0x1f0: {  	_ =	sdelay $0x1  }
0x1f1: {  	[sflag:s24] =	ssyncset.done $0x0  }
0x1f2: {  	[sflag:s24] =	ssyncadd.s32 $0xFFFFFC00  }
0x1f3: {  	_ =	sfence.sel $0x180000  }
0x1f4: {  	[bflag:$0x0] =	sbarrier.arrive $0xFFFF  }
0x1f5: {  	_ =	strace $0x90000047  }
0x1f6: {  	s0 =	stileid.u32;
	[bflag:$0x2] =	sbarrier.arrive $0xFFFF  }
0x1f7: {  	p0 =	sne.s32 s0, $0x0;
	s0 =	rddreg [dreg:$0x3]  }
0x1f8: {  	s0 =	sadd.s32 @!p0 $0x100000, s0  }
0x1f9: {  	[sflag:s0] =	ssyncadd.tile.s32 @!p0 $0x1;
	_ =	shalt  }
.Lfunc_end2:
_tile_overlayer_lowered:
.L_overlay_start_2:
0x1fa: {  	(tag) =	ssettag $0x2  }
0x1fb: {  	s0 =	rddreg [dreg:$0x0];
	s2 =	stileid.u32  }
0x1fc: {  	s1 =	rddreg [dreg:$0x1];
	p0 =	sne.s32 s2, $0x0  }
0x1fd: {  	s3 =	rddreg [dreg:$0x2];
	[bflag:$0x3] =	sbarrier.arrive $0xFFFF;
	s2 =	simm.s32 @!p0 $0x1C05  }
0x1fe: {  	[timem:s3], [sflag:s2] =	dma.local @!p0 [hbm:s0], s1  }
0x1ff: {  	s0 =	simm.s32 @!p0 $0x5  }
0x200: {  	_ =	swait.ge @!p0 [sflag:s0], s1  }
0x201: {  	s1 =	ssub.s32 @!p0 $0x0, s1;
	[sflag:s0] =	ssyncset.done @!p0 $0x0  }
0x202: {  	[sflag:s0] =	ssyncadd.s32 @!p0 s1  }
0x203: {  	[bflag:$0x3] =	sbarrier.arrive $0xFFFF  }
0x204: {  	_ =	shalt  }

</sc_bundles>
